<compile_context>
chip_gen: v7x
topology: tpu7x:2x2x1
jax: 0.10.2.dev20260603
libtpu: 0.0.44.dev20260713+nightly
codegen_flags: <defaults>
</compile_context>

<pallas_src>
import functools

import jax
import jax.numpy as jnp
from jax import lax
from jax.experimental import pallas as pl
from jax.experimental.pallas import tpu as pltpu
from jax.experimental.pallas import tpu_sc as plsc

N = 10000
E = 80000
F_IN = 16
HID = 128
H1, C1 = 8, 16
NCLS = 16

NP = 10048
JUNK = N
NWORK = 32
G = 96
EP = 98304
GP = EP // (NWORK * G)
BE = 512
W144 = 144

def _mesh():
    return plsc.VectorSubcoreMesh(core_axis_name="c", subcore_axis_name="s")



def _sc_gather_body(tab_hbm, idx2d_hbm, out_hbm, idx_v, rows_v, sem):
    c = lax.axis_index("c")
    s = lax.axis_index("s")
    wid = s * 2 + c
    ngroups = idx2d_hbm.shape[0] // NWORK
    pltpu.sync_copy(idx2d_hbm.at[pl.ds(wid * ngroups, ngroups)], idx_v)
    for p in range(3):
        pltpu.async_copy(tab_hbm.at[idx_v.at[p]], rows_v.at[p], sem)

    def body(g, _):
        b = lax.rem(g, 4)
        pltpu.make_async_copy(tab_hbm.at[idx_v.at[g]], rows_v.at[b], sem).wait()

        @pl.when(g + 3 < ngroups)
        def _pf():
            pltpu.async_copy(tab_hbm.at[idx_v.at[g + 3]],
                             rows_v.at[lax.rem(g + 3, 4)], sem)

        pltpu.sync_copy(rows_v.at[b],
                        out_hbm.at[pl.ds(wid * ngroups * G + g * G, G)])
        return _

    lax.fori_loop(0, ngroups, body, 0, unroll=False)


def _sc_scatter_body(rows_hbm, idx2d_hbm, z_hbm, out_hbm, idx_v, rows_v, acc_sh, sem, ssem):
    c = lax.axis_index("c")
    s = lax.axis_index("s")
    wid = s * 2 + c
    ngroups = idx2d_hbm.shape[0] // NWORK
    rpt = NP // 16
    pltpu.sync_copy(z_hbm.at[pl.ds(s * rpt, rpt)], acc_sh.at[pl.ds(s * rpt, rpt)])
    pltpu.sync_copy(idx2d_hbm.at[pl.ds(wid * ngroups, ngroups)], idx_v)
    plsc.subcore_barrier()

    pltpu.async_copy(rows_hbm.at[pl.ds(wid * ngroups * G, G)], rows_v.at[0], sem)

    def body(g, _):
        b = lax.rem(g, 2)
        pltpu.make_async_copy(
            rows_hbm.at[pl.ds(wid * ngroups * G + g * G, G)], rows_v.at[b],
            sem).wait()

        @pl.when(g >= 1)
        def _ws():
            pltpu.make_async_copy(rows_v.at[1 - b], acc_sh.at[idx_v.at[g - 1]],
                                  ssem).wait()

        @pl.when(g + 1 < ngroups)
        def _pf():
            pltpu.async_copy(
                rows_hbm.at[pl.ds(wid * ngroups * G + (g + 1) * G, G)],
                rows_v.at[1 - b], sem)

        pltpu.async_copy(rows_v.at[b], acc_sh.at[idx_v.at[g]], ssem, add=True)
        return _

    lax.fori_loop(0, ngroups, body, 0, unroll=False)
    pltpu.make_async_copy(rows_v.at[lax.rem(ngroups - 1, 2)],
                          acc_sh.at[idx_v.at[ngroups - 1]], ssem).wait()
    plsc.subcore_barrier()
    pltpu.sync_copy(acc_sh.at[pl.ds(s * rpt, rpt)],
                    out_hbm.at[pl.ds(c * NP + s * rpt, rpt)])


def _sc_gat1_body(thw_hbm, tb_hbm, isrc_hbm, idst_hbm, z_hbm, out_hbm,
                  isrc_v, idst_v, tb_v, rows_v, acc_sh, gsem, ssem):
    c = lax.axis_index("c")
    s = lax.axis_index("s")
    wid = s * 2 + c
    rpt = NP // 16
    pltpu.sync_copy(z_hbm.at[pl.ds(s * rpt, rpt)], acc_sh.at[pl.ds(s * rpt, rpt)])
    pltpu.sync_copy(isrc_hbm.at[pl.ds(wid * GP, GP)], isrc_v)
    pltpu.sync_copy(idst_hbm.at[pl.ds(wid * GP, GP)], idst_v)
    plsc.subcore_barrier()
    pltpu.async_copy(thw_hbm.at[isrc_v.at[0]], rows_v.at[0], gsem)
    pltpu.async_copy(tb_hbm.at[idst_v.at[0]], tb_v.at[0], gsem)

    def group(g, _):
        b = lax.rem(g, 2)
        pltpu.make_async_copy(thw_hbm.at[isrc_v.at[g]], rows_v.at[b], gsem).wait()
        pltpu.make_async_copy(tb_hbm.at[idst_v.at[g]], tb_v.at[b], gsem).wait()

        @pl.when(g >= 1)
        def _ws():
            pltpu.make_async_copy(rows_v.at[1 - b], acc_sh.at[idst_v.at[g - 1]],
                                  ssem).wait()

        @pl.when(g + 1 < GP)
        def _pf():
            pltpu.async_copy(thw_hbm.at[isrc_v.at[g + 1]], rows_v.at[1 - b], gsem)
            pltpu.async_copy(tb_hbm.at[idst_v.at[g + 1]], tb_v.at[1 - b], gsem)

        def edge(i, _):
            asum = rows_v[b, i, pl.ds(128, 16)] + tb_v[b, i, :]
            al = jnp.where(asum >= 0.0, asum, 0.2 * asum)
            aexp = jnp.exp(al)
            for j in range(H1):
                rows_v[b, i, pl.ds(j * 16, 16)] = (
                    rows_v[b, i, pl.ds(j * 16, 16)] * aexp)
            rows_v[b, i, pl.ds(128, 16)] = aexp
            return _

        lax.fori_loop(0, G, edge, 0, unroll=False)
        pltpu.async_copy(rows_v.at[b], acc_sh.at[idst_v.at[g]], ssem, add=True)
        return _

    lax.fori_loop(0, GP, group, 0, unroll=False)
    pltpu.make_async_copy(rows_v.at[lax.rem(GP - 1, 2)],
                          acc_sh.at[idst_v.at[GP - 1]], ssem).wait()
    plsc.subcore_barrier()
    pltpu.sync_copy(acc_sh.at[pl.ds(s * rpt, rpt)],
                    out_hbm.at[pl.ds(c * NP + s * rpt, rpt)])


def _sc_gat2_body(thw_hbm, tb_hbm, isrc_hbm, idst_hbm, z_hbm, out_hbm,
                  isrc_v, idst_v, tb_v, rows_v, acc_sh, gsem, ssem):
    c = lax.axis_index("c")
    s = lax.axis_index("s")
    wid = s * 2 + c
    rpt = NP // 16
    pltpu.sync_copy(z_hbm.at[pl.ds(s * rpt, rpt)], acc_sh.at[pl.ds(s * rpt, rpt)])
    pltpu.sync_copy(isrc_hbm.at[pl.ds(wid * GP, GP)], isrc_v)
    pltpu.sync_copy(idst_hbm.at[pl.ds(wid * GP, GP)], idst_v)
    plsc.subcore_barrier()
    pltpu.async_copy(thw_hbm.at[isrc_v.at[0]], rows_v.at[0], gsem)
    pltpu.async_copy(tb_hbm.at[idst_v.at[0]], tb_v.at[0], gsem)

    def group(g, _):
        b = lax.rem(g, 2)
        pltpu.make_async_copy(thw_hbm.at[isrc_v.at[g]], rows_v.at[b], gsem).wait()
        pltpu.make_async_copy(tb_hbm.at[idst_v.at[g]], tb_v.at[b], gsem).wait()

        @pl.when(g >= 1)
        def _ws():
            pltpu.make_async_copy(rows_v.at[1 - b], acc_sh.at[idst_v.at[g - 1]],
                                  ssem).wait()

        @pl.when(g + 1 < GP)
        def _pf():
            pltpu.async_copy(thw_hbm.at[isrc_v.at[g + 1]], rows_v.at[1 - b], gsem)
            pltpu.async_copy(tb_hbm.at[idst_v.at[g + 1]], tb_v.at[1 - b], gsem)

        def edge(i, _):
            asum = rows_v[b, i, pl.ds(16, 16)] + tb_v[b, i, :]
            al = jnp.where(asum >= 0.0, asum, 0.2 * asum)
            aexp = jnp.exp(al)
            rows_v[b, i, pl.ds(0, 16)] = rows_v[b, i, pl.ds(0, 16)] * aexp
            rows_v[b, i, pl.ds(16, 16)] = aexp
            return _

        lax.fori_loop(0, G, edge, 0, unroll=False)
        pltpu.async_copy(rows_v.at[b], acc_sh.at[idst_v.at[g]], ssem, add=True)
        return _

    lax.fori_loop(0, GP, group, 0, unroll=False)
    pltpu.make_async_copy(rows_v.at[lax.rem(GP - 1, 2)],
                          acc_sh.at[idst_v.at[GP - 1]], ssem).wait()
    plsc.subcore_barrier()
    pltpu.sync_copy(acc_sh.at[pl.ds(s * rpt, rpt)],
                    out_hbm.at[pl.ds(c * NP + s * rpt, rpt)])



def _tc_msg_body(ea_ref, xs_ref, w1_ref, b1_ref, w2r_ref, b2r_ref, out_ref):
    h1 = jnp.maximum(
        jnp.dot(ea_ref[...], w1_ref[...], preferred_element_type=jnp.float32)
        + b1_ref[...], 0.0)
    xs = xs_ref[...]
    a = jnp.concatenate([xs[:, f:f + 1] * h1 for f in range(F_IN)], axis=1)
    msg = jnp.dot(a, w2r_ref[...], preferred_element_type=jnp.float32)
    msg = msg + jnp.dot(xs, b2r_ref[...], preferred_element_type=jnp.float32)
    ones = jnp.ones((msg.shape[0], 1), jnp.float32)
    zer = jnp.zeros((msg.shape[0], W144 - HID - 1), jnp.float32)
    out_ref[...] = jnp.concatenate([msg, ones, zer], axis=1)


def _tc_h_gat1_body(acc_ref, x_ref, wroot_ref, broot_ref, w_ref, as_ref, ad_ref,
                    thw_ref, tb_ref):
    acc = acc_ref[0] + acc_ref[1]
    deg = jnp.maximum(acc[:, HID:HID + 1], 1.0)
    h = jnp.maximum(
        acc[:, :HID] / deg
        + jnp.dot(x_ref[...], wroot_ref[...], preferred_element_type=jnp.float32)
        + broot_ref[...], 0.0)
    hw = jnp.dot(h, w_ref[...], preferred_element_type=jnp.float32)
    ta = jnp.dot(hw, as_ref[...], preferred_element_type=jnp.float32)
    thw_ref[...] = jnp.concatenate([hw, ta], axis=1)
    tb_ref[...] = jnp.dot(hw, ad_ref[...], preferred_element_type=jnp.float32)


def _tc_gat2_prep_body(acc_ref, b_ref, w_ref, as_ref, ad_ref,
                       thw_ref, tb_ref):
    acc = acc_ref[0] + acc_ref[1]
    s = acc[:, :HID]
    d = acc[:, HID:HID + H1]
    dfull = jnp.tile(d, (1, C1))
    g1 = s / (dfull + 1e-16) + b_ref[...]
    h2 = jnp.where(g1 > 0.0, g1, jnp.exp(jnp.minimum(g1, 0.0)) - 1.0)
    hw = jnp.dot(h2, w_ref[...], preferred_element_type=jnp.float32)
    ta = jnp.dot(hw, as_ref[...], preferred_element_type=jnp.float32)
    thw_ref[...] = jnp.concatenate([hw, ta], axis=1)
    tb_ref[...] = jnp.dot(hw, ad_ref[...], preferred_element_type=jnp.float32)


def _tc_final_body(acc_ref, b_ref, out_ref):
    acc = acc_ref[0] + acc_ref[1]
    s = acc[:, :NCLS]
    d = acc[:, NCLS:NCLS + 1]
    o = s / (d + 1e-16) + b_ref[...]
    m = jnp.max(o, axis=1, keepdims=True)
    z = o - m
    lse = jnp.log(jnp.sum(jnp.exp(z), axis=1, keepdims=True))
    out_ref[...] = z - lse



def _sc_gather(tab, idx2d):
    k = functools.partial(
        pl.kernel,
        out_type=jax.ShapeDtypeStruct((EP, F_IN), jnp.float32),
        scratch_types=[
            pltpu.VMEM((GP, G), jnp.int32),
            pltpu.VMEM((2, G, F_IN), jnp.float32),
            pltpu.SemaphoreType.DMA,
        ],
        mesh=_mesh(),
        compiler_params=pltpu.CompilerParams(use_tc_tiling_on_sc=False),
    )(_sc_gather_body)
    return k(tab, idx2d)


def _sc_scatter(rows, idx2d, z):
    k = functools.partial(
        pl.kernel,
        out_type=jax.ShapeDtypeStruct((2 * NP, W144), jnp.float32),
        scratch_types=[
            pltpu.VMEM((GP, G), jnp.int32),
            pltpu.VMEM((2, G, W144), jnp.float32),
            pltpu.VMEM_SHARED((NP, W144), jnp.float32),
            pltpu.SemaphoreType.DMA,
            pltpu.SemaphoreType.DMA,
        ],
        mesh=_mesh(),
        compiler_params=pltpu.CompilerParams(use_tc_tiling_on_sc=False),
    )(_sc_scatter_body)
    return k(rows, idx2d, z)


def _sc_gat(body, thw, tb, isrc, idst, z, width):
    k = functools.partial(
        pl.kernel,
        out_type=jax.ShapeDtypeStruct((2 * NP, width), jnp.float32),
        scratch_types=[
            pltpu.VMEM((GP, G), jnp.int32),
            pltpu.VMEM((GP, G), jnp.int32),
            pltpu.VMEM((2, G, 16), jnp.float32),
            pltpu.VMEM((2, G, width), jnp.float32),
            pltpu.VMEM_SHARED((NP, width), jnp.float32),
            pltpu.SemaphoreType.DMA,
            pltpu.SemaphoreType.DMA,
        ],
        mesh=_mesh(),
        compiler_params=pltpu.CompilerParams(use_tc_tiling_on_sc=False),
    )(body)
    return k(thw, tb, isrc, idst, z)


def kernel(x, edge_index, edge_attr, W1, b1, W2, b2, Wroot, broot,
           gat1_W, gat1_asrc, gat1_adst, gat1_b,
           gat2_W, gat2_asrc, gat2_adst, gat2_b):
    f32 = jnp.float32
    src = edge_index[0]
    dst = edge_index[1]

    pad1 = EP - E
    src_p = jnp.concatenate([src, jnp.zeros((pad1,), src.dtype)])
    dst_p = jnp.concatenate([dst, jnp.full((pad1,), JUNK, dst.dtype)])
    xp = jnp.concatenate([x, jnp.zeros((NP - N, F_IN), f32)])

    pad2 = EP - (E + N)
    loop = jnp.arange(N, dtype=src.dtype)
    src2 = jnp.concatenate([src, loop, jnp.zeros((pad2,), src.dtype)])
    dst2 = jnp.concatenate([dst, loop, jnp.full((pad2,), JUNK, dst.dtype)])

    W2r = W2.reshape(HID, F_IN, HID).transpose(1, 0, 2).reshape(F_IN * HID, HID)
    B2 = b2.reshape(F_IN, HID)
    b1r = b1.reshape(1, HID)
    brootr = broot.reshape(1, HID)

    g2br = gat2_b.reshape(1, NCLS)

    hh = jnp.arange(H1)
    As3 = jnp.zeros((H1, C1, H1), f32).at[hh, :, hh].set(gat1_asrc)
    Ad3 = jnp.zeros((H1, C1, H1), f32).at[hh, :, hh].set(gat1_adst)
    ASrep = jnp.concatenate([As3.reshape(HID, H1)] * 2, axis=1)
    ADrep = jnp.concatenate([Ad3.reshape(HID, H1)] * 2, axis=1)

    pidx = (jnp.arange(HID) % H1) * C1 + jnp.arange(HID) // H1
    gat1_Wp = gat1_W[:, pidx]
    ASrep_p = ASrep[pidx, :]
    ADrep_p = ADrep[pidx, :]
    g1b_p = gat1_b[pidx]
    gat2_Wp = gat2_W[pidx, :]
    As2rep = jnp.tile(gat2_asrc.reshape(NCLS, 1), (1, 16))
    Ad2rep = jnp.tile(gat2_adst.reshape(NCLS, 1), (1, 16))

    z144 = jnp.zeros((NP, W144), f32)
    z32 = jnp.zeros((NP, 32), f32)

    src_p2d = src_p.reshape(EP // G, G)
    dst_p2d = dst_p.reshape(EP // G, G)
    src2_2d = src2.reshape(EP // G, G)
    dst2_2d = dst2.reshape(EP // G, G)

    xs = _sc_gather(xp, src_p2d)

    nb = -(-E // BE)
    msg = pl.pallas_call(
        _tc_msg_body,
        grid=(nb,),
        in_specs=[
            pl.BlockSpec((BE, F_IN), lambda i: (i, 0)),
            pl.BlockSpec((BE, F_IN), lambda i: (i, 0)),
            pl.BlockSpec((F_IN, HID), lambda i: (0, 0)),
            pl.BlockSpec((1, HID), lambda i: (0, 0)),
            pl.BlockSpec((F_IN * HID, HID), lambda i: (0, 0)),
            pl.BlockSpec((F_IN, HID), lambda i: (0, 0)),
        ],
        out_specs=pl.BlockSpec((BE, W144), lambda i: (i, 0)),
        out_shape=jax.ShapeDtypeStruct((EP, W144), f32),
    )(edge_attr, xs, W1, b1r, W2r, B2)

    acc1 = _sc_scatter(msg, dst_p2d, z144).reshape(2, NP, W144)

    nb3 = NP // 2512
    thw1, tb1 = pl.pallas_call(
        _tc_h_gat1_body,
        grid=(nb3,),
        in_specs=[
            pl.BlockSpec((2, 2512, W144), lambda i: (0, i, 0)),
            pl.BlockSpec((2512, F_IN), lambda i: (i, 0)),
            pl.BlockSpec((F_IN, HID), lambda i: (0, 0)),
            pl.BlockSpec((1, HID), lambda i: (0, 0)),
            pl.BlockSpec((HID, HID), lambda i: (0, 0)),
            pl.BlockSpec((HID, 16), lambda i: (0, 0)),
            pl.BlockSpec((HID, 16), lambda i: (0, 0)),
        ],
        out_specs=[
            pl.BlockSpec((2512, W144), lambda i: (i, 0)),
            pl.BlockSpec((2512, 16), lambda i: (i, 0)),
        ],
        out_shape=[
            jax.ShapeDtypeStruct((NP, W144), f32),
            jax.ShapeDtypeStruct((NP, 16), f32),
        ],
    )(acc1, xp, Wroot, brootr, gat1_Wp, ASrep_p, ADrep_p)

    acc2 = _sc_gat(_sc_gat1_body, thw1, tb1, src2_2d, dst2_2d, z144,
                   W144).reshape(2, NP, W144)

    thw2, tb2 = pl.pallas_call(
        _tc_gat2_prep_body,
        grid=(nb3,),
        in_specs=[
            pl.BlockSpec((2, 2512, W144), lambda i: (0, i, 0)),
            pl.BlockSpec((1, HID), lambda i: (0, 0)),
            pl.BlockSpec((HID, NCLS), lambda i: (0, 0)),
            pl.BlockSpec((NCLS, 16), lambda i: (0, 0)),
            pl.BlockSpec((NCLS, 16), lambda i: (0, 0)),
        ],
        out_specs=[
            pl.BlockSpec((2512, 32), lambda i: (i, 0)),
            pl.BlockSpec((2512, 16), lambda i: (i, 0)),
        ],
        out_shape=[
            jax.ShapeDtypeStruct((NP, 32), f32),
            jax.ShapeDtypeStruct((NP, 16), f32),
        ],
    )(acc2, g1b_p.reshape(1, H1 * C1), gat2_Wp, As2rep, Ad2rep)

    acc3 = _sc_gat(_sc_gat2_body, thw2, tb2, src2_2d, dst2_2d, z32,
                   32).reshape(2, NP, 32)

    out = pl.pallas_call(
        _tc_final_body,
        grid=(nb3,),
        in_specs=[
            pl.BlockSpec((2, 2512, 32), lambda i: (0, i, 0)),
            pl.BlockSpec((1, NCLS), lambda i: (0, 0)),
        ],
        out_specs=pl.BlockSpec((2512, NCLS), lambda i: (i, 0)),
        out_shape=jax.ShapeDtypeStruct((NP, NCLS), f32),
    )(acc3, g2br)

    return out[:N]

# --- scband reference (transcript-rebuilt; emitter-appended) ---
"""Pipeline reference for scband-custom-gnnmodel-78108275245587 (READ-ONLY COPY).

The authoritative reference and input builder live on the scoring server;
editing this copy changes nothing except your own understanding.
"""

import jax, jax.numpy as jnp
import numpy as np

N = 10000
E = 80000
F_IN = 16
D_EDGE = 16
HID = 128  # num_node_features * 8
H1, C1 = 8, 16
N_CLASSES = 16


def setup_inputs(seed: int = 0) -> dict:
    key = jax.random.key(seed)
    ks = jax.random.split(key, 16)
    s = 0.1
    x = jax.random.normal(ks[0], (N, F_IN), dtype=jnp.float32)
    edge_index = jax.random.randint(ks[1], (2, E), 0, N, dtype=jnp.int32)
    edge_attr = jax.random.normal(ks[2], (E, D_EDGE), dtype=jnp.float32)
    W1 = jax.random.normal(ks[3], (D_EDGE, HID), dtype=jnp.float32) * s
    b1 = jnp.zeros((HID,), dtype=jnp.float32)
    W2 = jax.random.normal(ks[4], (HID, F_IN * HID), dtype=jnp.float32) * s
    b2 = jnp.zeros((F_IN * HID,), dtype=jnp.float32)
    Wroot = jax.random.normal(ks[5], (F_IN, HID), dtype=jnp.float32) * s
    broot = jnp.zeros((HID,), dtype=jnp.float32)
    gat1_W = jax.random.normal(ks[6], (HID, H1 * C1), dtype=jnp.float32) * s
    gat1_asrc = jax.random.normal(ks[7], (H1, C1), dtype=jnp.float32) * s
    gat1_adst = jax.random.normal(ks[8], (H1, C1), dtype=jnp.float32) * s
    gat1_b = jnp.zeros((H1 * C1,), dtype=jnp.float32)
    gat2_W = jax.random.normal(ks[9], (H1 * C1, 1 * N_CLASSES), dtype=jnp.float32) * s
    gat2_asrc = jax.random.normal(ks[10], (1, N_CLASSES), dtype=jnp.float32) * s
    gat2_adst = jax.random.normal(ks[11], (1, N_CLASSES), dtype=jnp.float32) * s
    gat2_b = jnp.zeros((N_CLASSES,), dtype=jnp.float32)
    return dict(x=x, edge_index=edge_index, edge_attr=edge_attr,
                W1=W1, b1=b1, W2=W2, b2=b2, Wroot=Wroot, broot=broot,
                gat1_W=gat1_W, gat1_asrc=gat1_asrc, gat1_adst=gat1_adst, gat1_b=gat1_b,
                gat2_W=gat2_W, gat2_asrc=gat2_asrc, gat2_adst=gat2_adst, gat2_b=gat2_b)


def _gat_layer(x, src, dst, W, asrc, adst, bias, heads, ch, n):
    # PyG GATConv (eval mode, so attention dropout is a no-op)
    h = (x @ W).reshape(n, heads, ch)
    a_src = (h * asrc[None]).sum(-1)  # (n, H)
    a_dst = (h * adst[None]).sum(-1)  # (n, H)
    alpha = a_src[src] + a_dst[dst]   # (E', H)
    alpha = jax.nn.leaky_relu(alpha, negative_slope=0.2)
    amax = jax.ops.segment_max(alpha, dst, num_segments=n)
    amax = jnp.where(jnp.isfinite(amax), amax, 0.0)
    ealpha = jnp.exp(alpha - amax[dst])
    denom = jax.ops.segment_sum(ealpha, dst, num_segments=n)
    coef = ealpha / (denom[dst] + 1e-16)
    msg = h[src] * coef[..., None]    # (E', H, C)
    out = jax.ops.segment_sum(msg, dst, num_segments=n)
    return out.reshape(n, heads * ch) + bias


def reference(x, edge_index, edge_attr, W1, b1, W2, b2, Wroot, broot,
              gat1_W, gat1_asrc, gat1_adst, gat1_b,
              gat2_W, gat2_asrc, gat2_adst, gat2_b):
    src, dst = edge_index[0], edge_index[1]
    # NNConv with aggr='mean': per-edge weight matrix from edge-attr MLP
    e = jax.nn.relu(edge_attr @ W1 + b1)
    e = e @ W2 + b2                       # (E, F_IN*HID)
    We = e.reshape(E, F_IN, HID)
    msg = jnp.einsum('ef,efo->eo', x[src], We)
    agg = jax.ops.segment_sum(msg, dst, num_segments=N)
    deg = jax.ops.segment_sum(jnp.ones((E,), jnp.float32), dst, num_segments=N)
    deg = jnp.clip(deg, 1.0, None)
    h = agg / deg[:, None] + x @ Wroot + broot
    h = jax.nn.relu(h)
    # feature dropout p=0.6 is identity in eval mode
    # GATConv adds self-loops
    loop = jnp.arange(N, dtype=edge_index.dtype)
    src2 = jnp.concatenate([src, loop])
    dst2 = jnp.concatenate([dst, loop])
    h = jax.nn.elu(_gat_layer(h, src2, dst2, gat1_W, gat1_asrc, gat1_adst, gat1_b, H1, C1, N))
    out = _gat_layer(h, src2, dst2, gat2_W, gat2_asrc, gat2_adst, gat2_b, 1, N_CLASSES, N)
    return jax.nn.log_softmax(out, axis=1)

if __name__ == "__main__":
    import jax
    _d = setup_inputs()
    print(jax.jit(kernel)(*tuple(_d.values())))

</pallas_src>

<mosaic_0001>
#map = affine_map<(d0, d1) -> (0, 0)>
module attributes {stable_mosaic.version = 14 : i64} {
  func.func @_sc_gather_body(%arg0: i32, %arg1: i32, %arg2: memref<10048x16xf32, #tpu.memory_space<hbm>>, %arg3: memref<1024x96xi32, #tpu.memory_space<hbm>>, %arg4: memref<98304x16xf32, #tpu.memory_space<hbm>>, %arg5: memref<32x96xi32, #tpu.memory_space<vmem>>, %arg6: memref<2x96x16xf32, #tpu.memory_space<vmem>>, %arg7: memref<!tpu.dma_semaphore, #tpu.memory_space<semaphore_mem>>) attributes {dimension_semantics = [#tpu.dimension_semantics<core_parallel>, #tpu.dimension_semantics<subcore_parallel>], iteration_bounds = array<i64: 2, 16>, scalar_prefetch = 0 : i64, scratch_operands = 3 : i64, tpu.core_type = #tpu.core_type<sc_vector_subcore>, window_params = [{transform_indices = #map}, {transform_indices = #map}, {transform_indices = #map}]} {
    %mul3A = arith.constant 2 : i32
    %mul3A_0 = arith.muli %arg1, %mul3A : i32
    %add3A = arith.addi %mul3A_0, %arg0 : i32
    %mul3A_1 = arith.constant 32 : i32
    %mul3A_2 = arith.muli %add3A, %mul3A_1 : i32
    "tpu.region"() ({
      %run_scoped3A = tpu.sem_alloc : memref<!tpu.dma_semaphore, #tpu.memory_space<semaphore_mem>>
      %dma_start3A_43 = arith.constant 0 : i32
      %dma_start3A_44 = tpu.memref_slice %arg3[%mul3A_2, %dma_start3A_43] : memref<1024x96xi32, #tpu.memory_space<hbm>> -> memref<32x96xi32, #tpu.memory_space<hbm>>
      %dma_start3A_45 = arith.constant 0 : i32
      %dma_start3A_46 = tpu.memref_slice %arg3[%mul3A_2, %dma_start3A_45] : memref<1024x96xi32, #tpu.memory_space<hbm>> -> memref<32x96xi32, #tpu.memory_space<hbm>>
      tpu.enqueue_dma source(%dma_start3A_46 : memref<32x96xi32, #tpu.memory_space<hbm>>) target(%arg5 : memref<32x96xi32, #tpu.memory_space<vmem>>) target_semaphore(%run_scoped3A : memref<!tpu.dma_semaphore, #tpu.memory_space<semaphore_mem>>)
      %dma_wait3A = arith.constant 0 : i32
      %dma_wait3A_47 = tpu.memref_slice %arg3[%mul3A_2, %dma_wait3A] : memref<1024x96xi32, #tpu.memory_space<hbm>> -> memref<32x96xi32, #tpu.memory_space<hbm>>
      %dma_wait3A_48 = arith.constant 0 : i32
      %dma_wait3A_49 = tpu.memref_slice %arg3[%mul3A_2, %dma_wait3A_48] : memref<1024x96xi32, #tpu.memory_space<hbm>> -> memref<32x96xi32, #tpu.memory_space<hbm>>
      tpu.wait_dma2 semaphore(%run_scoped3A : memref<!tpu.dma_semaphore, #tpu.memory_space<semaphore_mem>>) src(%dma_wait3A_49 : memref<32x96xi32, #tpu.memory_space<hbm>>) dst(%arg5 : memref<32x96xi32, #tpu.memory_space<vmem>>)
      tpu.yield
    }) : () -> ()
    %dma_start3A = arith.constant 0 : i32
    %dma_start3A_3 = arith.constant 0 : i32
    %dma_start3A_4 = arith.constant 0 : i32
    %dma_start3A_5 = arith.constant 0 : i32
    %dma_start3A_6 = tpu.memref_slice %arg6[%dma_start3A_3, %dma_start3A_4, %dma_start3A_5] : memref<2x96x16xf32, #tpu.memory_space<vmem>> -> memref<1x96x16xf32, #tpu.memory_space<vmem>>
    %dma_start3A_7 = tpu.memref_squeeze %dma_start3A_6 : memref<1x96x16xf32, #tpu.memory_space<vmem>> -> memref<96x16xf32, #tpu.memory_space<vmem>>
    %dma_start3A_8 = arith.constant 0 : i32
    %dma_start3A_9 = tpu.memref_slice %arg5[%dma_start3A, %dma_start3A_8] : memref<32x96xi32, #tpu.memory_space<vmem>> -> memref<1x96xi32, #tpu.memory_space<vmem>>
    %dma_start3A_10 = tpu.memref_squeeze %dma_start3A_9 : memref<1x96xi32, #tpu.memory_space<vmem>> -> memref<96xi32, #tpu.memory_space<vmem>>
    %dma_start3A_11 = arith.constant 0 : i32
    %dma_start3A_12 = arith.constant 0 : i32
    %dma_start3A_13 = tpu.memref_slice %arg2[%dma_start3A_11, %dma_start3A_12] : memref<10048x16xf32, #tpu.memory_space<hbm>> -> memref<10048x16xf32, #tpu.memory_space<hbm>>
    tpu.enqueue_indirect_dma source(%dma_start3A_13 : memref<10048x16xf32, #tpu.memory_space<hbm>>) target(%dma_start3A_7 : memref<96x16xf32, #tpu.memory_space<vmem>>) offsets(%dma_start3A_10 : memref<96xi32, #tpu.memory_space<vmem>>) semaphore(%arg7 : memref<!tpu.dma_semaphore, #tpu.memory_space<semaphore_mem>>)
    %dma_start3A_14 = arith.constant 1 : i32
    %dma_start3A_15 = arith.constant 1 : i32
    %dma_start3A_16 = arith.constant 0 : i32
    %dma_start3A_17 = arith.constant 0 : i32
    %dma_start3A_18 = tpu.memref_slice %arg6[%dma_start3A_15, %dma_start3A_16, %dma_start3A_17] : memref<2x96x16xf32, #tpu.memory_space<vmem>> -> memref<1x96x16xf32, #tpu.memory_space<vmem>>
    %dma_start3A_19 = tpu.memref_squeeze %dma_start3A_18 : memref<1x96x16xf32, #tpu.memory_space<vmem>> -> memref<96x16xf32, #tpu.memory_space<vmem>>
    %dma_start3A_20 = arith.constant 0 : i32
    %dma_start3A_21 = tpu.memref_slice %arg5[%dma_start3A_14, %dma_start3A_20] : memref<32x96xi32, #tpu.memory_space<vmem>> -> memref<1x96xi32, #tpu.memory_space<vmem>>
    %dma_start3A_22 = tpu.memref_squeeze %dma_start3A_21 : memref<1x96xi32, #tpu.memory_space<vmem>> -> memref<96xi32, #tpu.memory_space<vmem>>
    %dma_start3A_23 = arith.constant 0 : i32
    %dma_start3A_24 = arith.constant 0 : i32
    %dma_start3A_25 = tpu.memref_slice %arg2[%dma_start3A_23, %dma_start3A_24] : memref<10048x16xf32, #tpu.memory_space<hbm>> -> memref<10048x16xf32, #tpu.memory_space<hbm>>
    tpu.enqueue_indirect_dma source(%dma_start3A_25 : memref<10048x16xf32, #tpu.memory_space<hbm>>) target(%dma_start3A_19 : memref<96x16xf32, #tpu.memory_space<vmem>>) offsets(%dma_start3A_22 : memref<96xi32, #tpu.memory_space<vmem>>) semaphore(%arg7 : memref<!tpu.dma_semaphore, #tpu.memory_space<semaphore_mem>>)
    %dma_start3A_26 = arith.constant 2 : i32
    %dma_start3A_27 = arith.constant 2 : i32
    %dma_start3A_28 = arith.constant 0 : i32
    %dma_start3A_29 = arith.constant 0 : i32
    %dma_start3A_30 = tpu.memref_slice %arg6[%dma_start3A_27, %dma_start3A_28, %dma_start3A_29] : memref<2x96x16xf32, #tpu.memory_space<vmem>> -> memref<1x96x16xf32, #tpu.memory_space<vmem>>
    %dma_start3A_31 = tpu.memref_squeeze %dma_start3A_30 : memref<1x96x16xf32, #tpu.memory_space<vmem>> -> memref<96x16xf32, #tpu.memory_space<vmem>>
    %dma_start3A_32 = arith.constant 0 : i32
    %dma_start3A_33 = tpu.memref_slice %arg5[%dma_start3A_26, %dma_start3A_32] : memref<32x96xi32, #tpu.memory_space<vmem>> -> memref<1x96xi32, #tpu.memory_space<vmem>>
    %dma_start3A_34 = tpu.memref_squeeze %dma_start3A_33 : memref<1x96xi32, #tpu.memory_space<vmem>> -> memref<96xi32, #tpu.memory_space<vmem>>
    %dma_start3A_35 = arith.constant 0 : i32
    %dma_start3A_36 = arith.constant 0 : i32
    %dma_start3A_37 = tpu.memref_slice %arg2[%dma_start3A_35, %dma_start3A_36] : memref<10048x16xf32, #tpu.memory_space<hbm>> -> memref<10048x16xf32, #tpu.memory_space<hbm>>
    tpu.enqueue_indirect_dma source(%dma_start3A_37 : memref<10048x16xf32, #tpu.memory_space<hbm>>) target(%dma_start3A_31 : memref<96x16xf32, #tpu.memory_space<vmem>>) offsets(%dma_start3A_34 : memref<96xi32, #tpu.memory_space<vmem>>) semaphore(%arg7 : memref<!tpu.dma_semaphore, #tpu.memory_space<semaphore_mem>>)
    %scan3A = arith.constant 0 : i32
    %scan3A_38 = arith.constant 0 : i32
    %scan3A_39 = arith.constant 32 : i32
    %scan3A_40 = arith.addi %scan3A_38, %scan3A_39 : i32
    %scan3A_41 = arith.constant 1 : i32
    scf.for %scan3A_43 = %scan3A_38 to %scan3A_40 step %scan3A_41  : i32 {
      %rem3A = arith.constant 4 : i32
      %rem3A_44 = arith.remsi %scan3A_43, %rem3A : i32
      %dma_wait3A = arith.constant 0 : i32
      %dma_wait3A_45 = arith.constant 0 : i32
      %dma_wait3A_46 = tpu.memref_slice %arg6[%rem3A_44, %dma_wait3A, %dma_wait3A_45] : memref<2x96x16xf32, #tpu.memory_space<vmem>> -> memref<1x96x16xf32, #tpu.memory_space<vmem>>
      %dma_wait3A_47 = tpu.memref_squeeze %dma_wait3A_46 : memref<1x96x16xf32, #tpu.memory_space<vmem>> -> memref<96x16xf32, #tpu.memory_space<vmem>>
      %dma_wait3A_48 = arith.constant 0 : i32
      %dma_wait3A_49 = tpu.memref_slice %arg5[%scan3A_43, %dma_wait3A_48] : memref<32x96xi32, #tpu.memory_space<vmem>> -> memref<1x96xi32, #tpu.memory_space<vmem>>
      %dma_wait3A_50 = tpu.memref_squeeze %dma_wait3A_49 : memref<1x96xi32, #tpu.memory_space<vmem>> -> memref<96xi32, #tpu.memory_space<vmem>>
      %dma_wait3A_51 = arith.constant 0 : i32
      %dma_wait3A_52 = arith.constant 0 : i32
      %dma_wait3A_53 = tpu.memref_slice %arg2[%dma_wait3A_51, %dma_wait3A_52] : memref<10048x16xf32, #tpu.memory_space<hbm>> -> memref<10048x16xf32, #tpu.memory_space<hbm>>
      tpu.wait_indirect_dma semaphore(%arg7 : memref<!tpu.dma_semaphore, #tpu.memory_space<semaphore_mem>>) src(%dma_wait3A_53 : memref<10048x16xf32, #tpu.memory_space<hbm>>) dst(%dma_wait3A_47 : memref<96x16xf32, #tpu.memory_space<vmem>>)
      %add3A_54 = arith.constant 3 : i32
      %add3A_55 = arith.addi %scan3A_43, %add3A_54 : i32
      %lt3A = arith.constant 32 : i32
      %lt3A_56 = arith.cmpi slt, %add3A_55, %lt3A : i32
      %convert_element_type3A = arith.extui %lt3A_56 : i1 to i32
      %cond3A = arith.constant 0 : i32
      %cond3A_57 = arith.cmpi ne, %convert_element_type3A, %cond3A : i32
      scf.if %cond3A_57 {
        %add3A_65 = arith.constant 3 : i32
        %add3A_66 = arith.addi %scan3A_43, %add3A_65 : i32
        %add3A_67 = arith.constant 3 : i32
        %add3A_68 = arith.addi %scan3A_43, %add3A_67 : i32
        %rem3A_69 = arith.constant 4 : i32
        %rem3A_70 = arith.remsi %add3A_68, %rem3A_69 : i32
        %dma_start3A_71 = arith.constant 0 : i32
        %dma_start3A_72 = arith.constant 0 : i32
        %dma_start3A_73 = tpu.memref_slice %arg6[%rem3A_70, %dma_start3A_71, %dma_start3A_72] : memref<2x96x16xf32, #tpu.memory_space<vmem>> -> memref<1x96x16xf32, #tpu.memory_space<vmem>>
        %dma_start3A_74 = tpu.memref_squeeze %dma_start3A_73 : memref<1x96x16xf32, #tpu.memory_space<vmem>> -> memref<96x16xf32, #tpu.memory_space<vmem>>
        %dma_start3A_75 = arith.constant 0 : i32
        %dma_start3A_76 = tpu.memref_slice %arg5[%add3A_66, %dma_start3A_75] : memref<32x96xi32, #tpu.memory_space<vmem>> -> memref<1x96xi32, #tpu.memory_space<vmem>>
        %dma_start3A_77 = tpu.memref_squeeze %dma_start3A_76 : memref<1x96xi32, #tpu.memory_space<vmem>> -> memref<96xi32, #tpu.memory_space<vmem>>
        %dma_start3A_78 = arith.constant 0 : i32
        %dma_start3A_79 = arith.constant 0 : i32
        %dma_start3A_80 = tpu.memref_slice %arg2[%dma_start3A_78, %dma_start3A_79] : memref<10048x16xf32, #tpu.memory_space<hbm>> -> memref<10048x16xf32, #tpu.memory_space<hbm>>
        tpu.enqueue_indirect_dma source(%dma_start3A_80 : memref<10048x16xf32, #tpu.memory_space<hbm>>) target(%dma_start3A_74 : memref<96x16xf32, #tpu.memory_space<vmem>>) offsets(%dma_start3A_77 : memref<96xi32, #tpu.memory_space<vmem>>) semaphore(%arg7 : memref<!tpu.dma_semaphore, #tpu.memory_space<semaphore_mem>>)
      } else {
      }
      %mul3A_58 = arith.constant 32 : i32
      %mul3A_59 = arith.muli %add3A, %mul3A_58 : i32
      %mul3A_60 = arith.constant 96 : i32
      %mul3A_61 = arith.muli %mul3A_59, %mul3A_60 : i32
      %mul3A_62 = arith.constant 96 : i32
      %mul3A_63 = arith.muli %scan3A_43, %mul3A_62 : i32
      %add3A_64 = arith.addi %mul3A_61, %mul3A_63 : i32
      "tpu.region"() ({
        %run_scoped3A = tpu.sem_alloc : memref<!tpu.dma_semaphore, #tpu.memory_space<semaphore_mem>>
        %dma_start3A_65 = arith.constant 0 : i32
        %dma_start3A_66 = arith.constant 0 : i32
        %dma_start3A_67 = tpu.memref_slice %arg6[%rem3A_44, %dma_start3A_65, %dma_start3A_66] : memref<2x96x16xf32, #tpu.memory_space<vmem>> -> memref<1x96x16xf32, #tpu.memory_space<vmem>>
        %dma_start3A_68 = tpu.memref_squeeze %dma_start3A_67 : memref<1x96x16xf32, #tpu.memory_space<vmem>> -> memref<96x16xf32, #tpu.memory_space<vmem>>
        %dma_start3A_69 = arith.constant 0 : i32
        %dma_start3A_70 = tpu.memref_slice %arg4[%add3A_64, %dma_start3A_69] : memref<98304x16xf32, #tpu.memory_space<hbm>> -> memref<96x16xf32, #tpu.memory_space<hbm>>
        %dma_start3A_71 = arith.constant 0 : i32
        %dma_start3A_72 = tpu.memref_slice %arg4[%add3A_64, %dma_start3A_71] : memref<98304x16xf32, #tpu.memory_space<hbm>> -> memref<96x16xf32, #tpu.memory_space<hbm>>
        %dma_start3A_73 = arith.constant 0 : i32
        %dma_start3A_74 = arith.constant 0 : i32
        %dma_start3A_75 = tpu.memref_slice %arg6[%rem3A_44, %dma_start3A_73, %dma_start3A_74] : memref<2x96x16xf32, #tpu.memory_space<vmem>> -> memref<1x96x16xf32, #tpu.memory_space<vmem>>
        %dma_start3A_76 = tpu.memref_squeeze %dma_start3A_75 : memref<1x96x16xf32, #tpu.memory_space<vmem>> -> memref<96x16xf32, #tpu.memory_space<vmem>>
        tpu.enqueue_dma source(%dma_start3A_76 : memref<96x16xf32, #tpu.memory_space<vmem>>) target(%dma_start3A_72 : memref<96x16xf32, #tpu.memory_space<hbm>>) target_semaphore(%run_scoped3A : memref<!tpu.dma_semaphore, #tpu.memory_space<semaphore_mem>>)
        %dma_wait3A_77 = arith.constant 0 : i32
        %dma_wait3A_78 = arith.constant 0 : i32
        %dma_wait3A_79 = tpu.memref_slice %arg6[%rem3A_44, %dma_wait3A_77, %dma_wait3A_78] : memref<2x96x16xf32, #tpu.memory_space<vmem>> -> memref<1x96x16xf32, #tpu.memory_space<vmem>>
        %dma_wait3A_80 = tpu.memref_squeeze %dma_wait3A_79 : memref<1x96x16xf32, #tpu.memory_space<vmem>> -> memref<96x16xf32, #tpu.memory_space<vmem>>
        %dma_wait3A_81 = arith.constant 0 : i32
        %dma_wait3A_82 = tpu.memref_slice %arg4[%add3A_64, %dma_wait3A_81] : memref<98304x16xf32, #tpu.memory_space<hbm>> -> memref<96x16xf32, #tpu.memory_space<hbm>>
        %dma_wait3A_83 = arith.constant 0 : i32
        %dma_wait3A_84 = tpu.memref_slice %arg4[%add3A_64, %dma_wait3A_83] : memref<98304x16xf32, #tpu.memory_space<hbm>> -> memref<96x16xf32, #tpu.memory_space<hbm>>
        %dma_wait3A_85 = arith.constant 0 : i32
        %dma_wait3A_86 = arith.constant 0 : i32
        %dma_wait3A_87 = tpu.memref_slice %arg6[%rem3A_44, %dma_wait3A_85, %dma_wait3A_86] : memref<2x96x16xf32, #tpu.memory_space<vmem>> -> memref<1x96x16xf32, #tpu.memory_space<vmem>>
        %dma_wait3A_88 = tpu.memref_squeeze %dma_wait3A_87 : memref<1x96x16xf32, #tpu.memory_space<vmem>> -> memref<96x16xf32, #tpu.memory_space<vmem>>
        tpu.wait_dma2 semaphore(%run_scoped3A : memref<!tpu.dma_semaphore, #tpu.memory_space<semaphore_mem>>) src(%dma_wait3A_88 : memref<96x16xf32, #tpu.memory_space<vmem>>) dst(%dma_wait3A_84 : memref<96x16xf32, #tpu.memory_space<hbm>>)
        tpu.yield
      }) : () -> ()
    }
    %scan3A_42 = arith.constant 32 : i32
    return
  }
}

#map = affine_map<(d0, d1) -> (0, 0)>
module attributes {stable_mosaic.version = 14 : i64} {
  func.func @_sc_scatter_body(%arg0: i32, %arg1: i32, %arg2: memref<98304x144xf32, #tpu.memory_space<hbm>>, %arg3: memref<1024x96xi32, #tpu.memory_space<hbm>>, %arg4: memref<10048x144xf32, #tpu.memory_space<hbm>>, %arg5: memref<20096x144xf32, #tpu.memory_space<hbm>>, %arg6: memref<32x96xi32, #tpu.memory_space<vmem>>, %arg7: memref<2x96x144xf32, #tpu.memory_space<vmem>>, %arg8: memref<10048x144xf32, #tpu.memory_space<vmem_shared>>, %arg9: memref<!tpu.dma_semaphore, #tpu.memory_space<semaphore_mem>>, %arg10: memref<!tpu.dma_semaphore, #tpu.memory_space<semaphore_mem>>) attributes {dimension_semantics = [#tpu.dimension_semantics<core_parallel>, #tpu.dimension_semantics<subcore_parallel>], iteration_bounds = array<i64: 2, 16>, scalar_prefetch = 0 : i64, scratch_operands = 5 : i64, tpu.core_type = #tpu.core_type<sc_vector_subcore>, window_params = [{transform_indices = #map}, {transform_indices = #map}, {transform_indices = #map}, {transform_indices = #map}]} {
    %mul3A = arith.constant 2 : i32
    %mul3A_0 = arith.muli %arg1, %mul3A : i32
    %add3A = arith.addi %mul3A_0, %arg0 : i32
    %mul3A_1 = arith.constant 628 : i32
    %mul3A_2 = arith.muli %arg1, %mul3A_1 : i32
    %mul3A_3 = arith.constant 628 : i32
    %mul3A_4 = arith.muli %arg1, %mul3A_3 : i32
    "tpu.region"() ({
      %run_scoped3A = tpu.sem_alloc : memref<!tpu.dma_semaphore, #tpu.memory_space<semaphore_mem>>
      %dma_start3A_48 = arith.constant 0 : i32
      %dma_start3A_49 = tpu.memref_slice %arg8[%mul3A_4, %dma_start3A_48] : memref<10048x144xf32, #tpu.memory_space<vmem_shared>> -> memref<628x144xf32, #tpu.memory_space<vmem_shared>>
      %dma_start3A_50 = arith.constant 0 : i32
      %dma_start3A_51 = tpu.memref_slice %arg4[%mul3A_2, %dma_start3A_50] : memref<10048x144xf32, #tpu.memory_space<hbm>> -> memref<628x144xf32, #tpu.memory_space<hbm>>
      tpu.enqueue_dma source(%dma_start3A_51 : memref<628x144xf32, #tpu.memory_space<hbm>>) target(%dma_start3A_49 : memref<628x144xf32, #tpu.memory_space<vmem_shared>>) target_semaphore(%run_scoped3A : memref<!tpu.dma_semaphore, #tpu.memory_space<semaphore_mem>>)
      %dma_wait3A_52 = arith.constant 0 : i32
      %dma_wait3A_53 = tpu.memref_slice %arg8[%mul3A_4, %dma_wait3A_52] : memref<10048x144xf32, #tpu.memory_space<vmem_shared>> -> memref<628x144xf32, #tpu.memory_space<vmem_shared>>
      %dma_wait3A_54 = arith.constant 0 : i32
      %dma_wait3A_55 = tpu.memref_slice %arg4[%mul3A_2, %dma_wait3A_54] : memref<10048x144xf32, #tpu.memory_space<hbm>> -> memref<628x144xf32, #tpu.memory_space<hbm>>
      tpu.wait_dma2 semaphore(%run_scoped3A : memref<!tpu.dma_semaphore, #tpu.memory_space<semaphore_mem>>) src(%dma_wait3A_55 : memref<628x144xf32, #tpu.memory_space<hbm>>) dst(%dma_wait3A_53 : memref<628x144xf32, #tpu.memory_space<vmem_shared>>)
      tpu.yield
    }) : () -> ()
    %mul3A_5 = arith.constant 32 : i32
    %mul3A_6 = arith.muli %add3A, %mul3A_5 : i32
    "tpu.region"() ({
      %run_scoped3A = tpu.sem_alloc : memref<!tpu.dma_semaphore, #tpu.memory_space<semaphore_mem>>
      %dma_start3A_48 = arith.constant 0 : i32
      %dma_start3A_49 = tpu.memref_slice %arg3[%mul3A_6, %dma_start3A_48] : memref<1024x96xi32, #tpu.memory_space<hbm>> -> memref<32x96xi32, #tpu.memory_space<hbm>>
      %dma_start3A_50 = arith.constant 0 : i32
      %dma_start3A_51 = tpu.memref_slice %arg3[%mul3A_6, %dma_start3A_50] : memref<1024x96xi32, #tpu.memory_space<hbm>> -> memref<32x96xi32, #tpu.memory_space<hbm>>
      tpu.enqueue_dma source(%dma_start3A_51 : memref<32x96xi32, #tpu.memory_space<hbm>>) target(%arg6 : memref<32x96xi32, #tpu.memory_space<vmem>>) target_semaphore(%run_scoped3A : memref<!tpu.dma_semaphore, #tpu.memory_space<semaphore_mem>>)
      %dma_wait3A_52 = arith.constant 0 : i32
      %dma_wait3A_53 = tpu.memref_slice %arg3[%mul3A_6, %dma_wait3A_52] : memref<1024x96xi32, #tpu.memory_space<hbm>> -> memref<32x96xi32, #tpu.memory_space<hbm>>
      %dma_wait3A_54 = arith.constant 0 : i32
      %dma_wait3A_55 = tpu.memref_slice %arg3[%mul3A_6, %dma_wait3A_54] : memref<1024x96xi32, #tpu.memory_space<hbm>> -> memref<32x96xi32, #tpu.memory_space<hbm>>
      tpu.wait_dma2 semaphore(%run_scoped3A : memref<!tpu.dma_semaphore, #tpu.memory_space<semaphore_mem>>) src(%dma_wait3A_55 : memref<32x96xi32, #tpu.memory_space<hbm>>) dst(%arg6 : memref<32x96xi32, #tpu.memory_space<vmem>>)
      tpu.yield
    }) : () -> ()
    %barrier3A = arith.constant 0 : index
    tpu.barrier barrier_id(%barrier3A)
    %mul3A_7 = arith.constant 32 : i32
    %mul3A_8 = arith.muli %add3A, %mul3A_7 : i32
    %mul3A_9 = arith.constant 96 : i32
    %mul3A_10 = arith.muli %mul3A_8, %mul3A_9 : i32
    %dma_start3A = arith.constant 0 : i32
    %dma_start3A_11 = arith.constant 0 : i32
    %dma_start3A_12 = arith.constant 0 : i32
    %dma_start3A_13 = tpu.memref_slice %arg7[%dma_start3A, %dma_start3A_11, %dma_start3A_12] : memref<2x96x144xf32, #tpu.memory_space<vmem>> -> memref<1x96x144xf32, #tpu.memory_space<vmem>>
    %dma_start3A_14 = tpu.memref_squeeze %dma_start3A_13 : memref<1x96x144xf32, #tpu.memory_space<vmem>> -> memref<96x144xf32, #tpu.memory_space<vmem>>
    %dma_start3A_15 = arith.constant 0 : i32
    %dma_start3A_16 = tpu.memref_slice %arg2[%mul3A_10, %dma_start3A_15] : memref<98304x144xf32, #tpu.memory_space<hbm>> -> memref<96x144xf32, #tpu.memory_space<hbm>>
    %dma_start3A_17 = arith.constant 0 : i32
    %dma_start3A_18 = arith.constant 0 : i32
    %dma_start3A_19 = tpu.memref_slice %arg7[%dma_start3A, %dma_start3A_17, %dma_start3A_18] : memref<2x96x144xf32, #tpu.memory_space<vmem>> -> memref<1x96x144xf32, #tpu.memory_space<vmem>>
    %dma_start3A_20 = tpu.memref_squeeze %dma_start3A_19 : memref<1x96x144xf32, #tpu.memory_space<vmem>> -> memref<96x144xf32, #tpu.memory_space<vmem>>
    %dma_start3A_21 = arith.constant 0 : i32
    %dma_start3A_22 = tpu.memref_slice %arg2[%mul3A_10, %dma_start3A_21] : memref<98304x144xf32, #tpu.memory_space<hbm>> -> memref<96x144xf32, #tpu.memory_space<hbm>>
    tpu.enqueue_dma source(%dma_start3A_22 : memref<96x144xf32, #tpu.memory_space<hbm>>) target(%dma_start3A_20 : memref<96x144xf32, #tpu.memory_space<vmem>>) target_semaphore(%arg9 : memref<!tpu.dma_semaphore, #tpu.memory_space<semaphore_mem>>)
    %scan3A = arith.constant 0 : i32
    %scan3A_23 = arith.constant 0 : i32
    %scan3A_24 = arith.constant 32 : i32
    %scan3A_25 = arith.addi %scan3A_23, %scan3A_24 : i32
    %scan3A_26 = arith.constant 1 : i32
    scf.for %scan3A_48 = %scan3A_23 to %scan3A_25 step %scan3A_26  : i32 {
      %rem3A_49 = arith.constant 2 : i32
      %rem3A_50 = arith.remsi %scan3A_48, %rem3A_49 : i32
      %mul3A_51 = arith.constant 32 : i32
      %mul3A_52 = arith.muli %add3A, %mul3A_51 : i32
      %mul3A_53 = arith.constant 96 : i32
      %mul3A_54 = arith.muli %mul3A_52, %mul3A_53 : i32
      %mul3A_55 = arith.constant 96 : i32
      %mul3A_56 = arith.muli %scan3A_48, %mul3A_55 : i32
      %add3A_57 = arith.addi %mul3A_54, %mul3A_56 : i32
      %dma_wait3A_58 = arith.constant 0 : i32
      %dma_wait3A_59 = arith.constant 0 : i32
      %dma_wait3A_60 = tpu.memref_slice %arg7[%rem3A_50, %dma_wait3A_58, %dma_wait3A_59] : memref<2x96x144xf32, #tpu.memory_space<vmem>> -> memref<1x96x144xf32, #tpu.memory_space<vmem>>
      %dma_wait3A_61 = tpu.memref_squeeze %dma_wait3A_60 : memref<1x96x144xf32, #tpu.memory_space<vmem>> -> memref<96x144xf32, #tpu.memory_space<vmem>>
      %dma_wait3A_62 = arith.constant 0 : i32
      %dma_wait3A_63 = tpu.memref_slice %arg2[%add3A_57, %dma_wait3A_62] : memref<98304x144xf32, #tpu.memory_space<hbm>> -> memref<96x144xf32, #tpu.memory_space<hbm>>
      %dma_wait3A_64 = arith.constant 0 : i32
      %dma_wait3A_65 = arith.constant 0 : i32
      %dma_wait3A_66 = tpu.memref_slice %arg7[%rem3A_50, %dma_wait3A_64, %dma_wait3A_65] : memref<2x96x144xf32, #tpu.memory_space<vmem>> -> memref<1x96x144xf32, #tpu.memory_space<vmem>>
      %dma_wait3A_67 = tpu.memref_squeeze %dma_wait3A_66 : memref<1x96x144xf32, #tpu.memory_space<vmem>> -> memref<96x144xf32, #tpu.memory_space<vmem>>
      %dma_wait3A_68 = arith.constant 0 : i32
      %dma_wait3A_69 = tpu.memref_slice %arg2[%add3A_57, %dma_wait3A_68] : memref<98304x144xf32, #tpu.memory_space<hbm>> -> memref<96x144xf32, #tpu.memory_space<hbm>>
      tpu.wait_dma2 semaphore(%arg9 : memref<!tpu.dma_semaphore, #tpu.memory_space<semaphore_mem>>) src(%dma_wait3A_69 : memref<96x144xf32, #tpu.memory_space<hbm>>) dst(%dma_wait3A_67 : memref<96x144xf32, #tpu.memory_space<vmem>>)
      %ge3A = arith.constant 1 : i32
      %ge3A_70 = arith.cmpi sge, %scan3A_48, %ge3A : i32
      %convert_element_type3A = arith.extui %ge3A_70 : i1 to i32
      %cond3A = arith.constant 0 : i32
      %cond3A_71 = arith.cmpi ne, %convert_element_type3A, %cond3A : i32
      scf.if %cond3A_71 {
        %sub3A = arith.constant 1 : i32
        %sub3A_88 = arith.subi %sub3A, %rem3A_50 : i32
        %sub3A_89 = arith.constant 1 : i32
        %sub3A_90 = arith.subi %scan3A_48, %sub3A_89 : i32
        %dma_wait3A_91 = arith.constant 0 : i32
        %dma_wait3A_92 = arith.constant 0 : i32
        %dma_wait3A_93 = tpu.memref_slice %arg7[%sub3A_88, %dma_wait3A_91, %dma_wait3A_92] : memref<2x96x144xf32, #tpu.memory_space<vmem>> -> memref<1x96x144xf32, #tpu.memory_space<vmem>>
        %dma_wait3A_94 = tpu.memref_squeeze %dma_wait3A_93 : memref<1x96x144xf32, #tpu.memory_space<vmem>> -> memref<96x144xf32, #tpu.memory_space<vmem>>
        %dma_wait3A_95 = arith.constant 0 : i32
        %dma_wait3A_96 = tpu.memref_slice %arg6[%sub3A_90, %dma_wait3A_95] : memref<32x96xi32, #tpu.memory_space<vmem>> -> memref<1x96xi32, #tpu.memory_space<vmem>>
        %dma_wait3A_97 = tpu.memref_squeeze %dma_wait3A_96 : memref<1x96xi32, #tpu.memory_space<vmem>> -> memref<96xi32, #tpu.memory_space<vmem>>
        %dma_wait3A_98 = arith.constant 0 : i32
        %dma_wait3A_99 = arith.constant 0 : i32
        %dma_wait3A_100 = tpu.memref_slice %arg8[%dma_wait3A_98, %dma_wait3A_99] : memref<10048x144xf32, #tpu.memory_space<vmem_shared>> -> memref<10048x144xf32, #tpu.memory_space<vmem_shared>>
        tpu.wait_indirect_dma semaphore(%arg10 : memref<!tpu.dma_semaphore, #tpu.memory_space<semaphore_mem>>) src(%dma_wait3A_94 : memref<96x144xf32, #tpu.memory_space<vmem>>) dst(%dma_wait3A_100 : memref<10048x144xf32, #tpu.memory_space<vmem_shared>>)
      } else {
      }
      %add3A_72 = arith.constant 1 : i32
      %add3A_73 = arith.addi %scan3A_48, %add3A_72 : i32
      %lt3A = arith.constant 32 : i32
      %lt3A_74 = arith.cmpi slt, %add3A_73, %lt3A : i32
      %convert_element_type3A_75 = arith.extui %lt3A_74 : i1 to i32
      %cond3A_76 = arith.constant 0 : i32
      %cond3A_77 = arith.cmpi ne, %convert_element_type3A_75, %cond3A_76 : i32
      scf.if %cond3A_77 {
        %mul3A_88 = arith.constant 32 : i32
        %mul3A_89 = arith.muli %add3A, %mul3A_88 : i32
        %mul3A_90 = arith.constant 96 : i32
        %mul3A_91 = arith.muli %mul3A_89, %mul3A_90 : i32
        %add3A_92 = arith.constant 1 : i32
        %add3A_93 = arith.addi %scan3A_48, %add3A_92 : i32
        %mul3A_94 = arith.constant 96 : i32
        %mul3A_95 = arith.muli %add3A_93, %mul3A_94 : i32
        %add3A_96 = arith.addi %mul3A_91, %mul3A_95 : i32
        %sub3A = arith.constant 1 : i32
        %sub3A_97 = arith.subi %sub3A, %rem3A_50 : i32
        %dma_start3A_98 = arith.constant 0 : i32
        %dma_start3A_99 = arith.constant 0 : i32
        %dma_start3A_100 = tpu.memref_slice %arg7[%sub3A_97, %dma_start3A_98, %dma_start3A_99] : memref<2x96x144xf32, #tpu.memory_space<vmem>> -> memref<1x96x144xf32, #tpu.memory_space<vmem>>
        %dma_start3A_101 = tpu.memref_squeeze %dma_start3A_100 : memref<1x96x144xf32, #tpu.memory_space<vmem>> -> memref<96x144xf32, #tpu.memory_space<vmem>>
        %dma_start3A_102 = arith.constant 0 : i32
        %dma_start3A_103 = tpu.memref_slice %arg2[%add3A_96, %dma_start3A_102] : memref<98304x144xf32, #tpu.memory_space<hbm>> -> memref<96x144xf32, #tpu.memory_space<hbm>>
        %dma_start3A_104 = arith.constant 0 : i32
        %dma_start3A_105 = arith.constant 0 : i32
        %dma_start3A_106 = tpu.memref_slice %arg7[%sub3A_97, %dma_start3A_104, %dma_start3A_105] : memref<2x96x144xf32, #tpu.memory_space<vmem>> -> memref<1x96x144xf32, #tpu.memory_space<vmem>>
        %dma_start3A_107 = tpu.memref_squeeze %dma_start3A_106 : memref<1x96x144xf32, #tpu.memory_space<vmem>> -> memref<96x144xf32, #tpu.memory_space<vmem>>
        %dma_start3A_108 = arith.constant 0 : i32
        %dma_start3A_109 = tpu.memref_slice %arg2[%add3A_96, %dma_start3A_108] : memref<98304x144xf32, #tpu.memory_space<hbm>> -> memref<96x144xf32, #tpu.memory_space<hbm>>
        tpu.enqueue_dma source(%dma_start3A_109 : memref<96x144xf32, #tpu.memory_space<hbm>>) target(%dma_start3A_107 : memref<96x144xf32, #tpu.memory_space<vmem>>) target_semaphore(%arg9 : memref<!tpu.dma_semaphore, #tpu.memory_space<semaphore_mem>>)
      } else {
      }
      %dma_start3A_78 = arith.constant 0 : i32
      %dma_start3A_79 = arith.constant 0 : i32
      %dma_start3A_80 = tpu.memref_slice %arg7[%rem3A_50, %dma_start3A_78, %dma_start3A_79] : memref<2x96x144xf32, #tpu.memory_space<vmem>> -> memref<1x96x144xf32, #tpu.memory_space<vmem>>
      %dma_start3A_81 = tpu.memref_squeeze %dma_start3A_80 : memref<1x96x144xf32, #tpu.memory_space<vmem>> -> memref<96x144xf32, #tpu.memory_space<vmem>>
      %dma_start3A_82 = arith.constant 0 : i32
      %dma_start3A_83 = tpu.memref_slice %arg6[%scan3A_48, %dma_start3A_82] : memref<32x96xi32, #tpu.memory_space<vmem>> -> memref<1x96xi32, #tpu.memory_space<vmem>>
      %dma_start3A_84 = tpu.memref_squeeze %dma_start3A_83 : memref<1x96xi32, #tpu.memory_space<vmem>> -> memref<96xi32, #tpu.memory_space<vmem>>
      %dma_start3A_85 = arith.constant 0 : i32
      %dma_start3A_86 = arith.constant 0 : i32
      %dma_start3A_87 = tpu.memref_slice %arg8[%dma_start3A_85, %dma_start3A_86] : memref<10048x144xf32, #tpu.memory_space<vmem_shared>> -> memref<10048x144xf32, #tpu.memory_space<vmem_shared>>
      tpu.enqueue_indirect_dma source(%dma_start3A_81 : memref<96x144xf32, #tpu.memory_space<vmem>>) target(%dma_start3A_87 : memref<10048x144xf32, #tpu.memory_space<vmem_shared>>) offsets(%dma_start3A_84 : memref<96xi32, #tpu.memory_space<vmem>>) semaphore(%arg10 : memref<!tpu.dma_semaphore, #tpu.memory_space<semaphore_mem>>) {add = true}
    }
    %scan3A_27 = arith.constant 32 : i32
    %rem3A = arith.constant 31 : i32
    %rem3A_28 = arith.constant 2 : i32
    %rem3A_29 = arith.remsi %rem3A, %rem3A_28 : i32
    %dma_wait3A = arith.constant 31 : i32
    %dma_wait3A_30 = arith.constant 0 : i32
    %dma_wait3A_31 = arith.constant 0 : i32
    %dma_wait3A_32 = tpu.memref_slice %arg7[%rem3A_29, %dma_wait3A_30, %dma_wait3A_31] : memref<2x96x144xf32, #tpu.memory_space<vmem>> -> memref<1x96x144xf32, #tpu.memory_space<vmem>>
    %dma_wait3A_33 = tpu.memref_squeeze %dma_wait3A_32 : memref<1x96x144xf32, #tpu.memory_space<vmem>> -> memref<96x144xf32, #tpu.memory_space<vmem>>
    %dma_wait3A_34 = arith.constant 0 : i32
    %dma_wait3A_35 = tpu.memref_slice %arg6[%dma_wait3A, %dma_wait3A_34] : memref<32x96xi32, #tpu.memory_space<vmem>> -> memref<1x96xi32, #tpu.memory_space<vmem>>
    %dma_wait3A_36 = tpu.memref_squeeze %dma_wait3A_35 : memref<1x96xi32, #tpu.memory_space<vmem>> -> memref<96xi32, #tpu.memory_space<vmem>>
    %dma_wait3A_37 = arith.constant 0 : i32
    %dma_wait3A_38 = arith.constant 0 : i32
    %dma_wait3A_39 = tpu.memref_slice %arg8[%dma_wait3A_37, %dma_wait3A_38] : memref<10048x144xf32, #tpu.memory_space<vmem_shared>> -> memref<10048x144xf32, #tpu.memory_space<vmem_shared>>
    tpu.wait_indirect_dma semaphore(%arg10 : memref<!tpu.dma_semaphore, #tpu.memory_space<semaphore_mem>>) src(%dma_wait3A_33 : memref<96x144xf32, #tpu.memory_space<vmem>>) dst(%dma_wait3A_39 : memref<10048x144xf32, #tpu.memory_space<vmem_shared>>)
    %barrier3A_40 = arith.constant 0 : index
    tpu.barrier barrier_id(%barrier3A_40)
    %mul3A_41 = arith.constant 628 : i32
    %mul3A_42 = arith.muli %arg1, %mul3A_41 : i32
    %mul3A_43 = arith.constant 10048 : i32
    %mul3A_44 = arith.muli %arg0, %mul3A_43 : i32
    %mul3A_45 = arith.constant 628 : i32
    %mul3A_46 = arith.muli %arg1, %mul3A_45 : i32
    %add3A_47 = arith.addi %mul3A_44, %mul3A_46 : i32
    "tpu.region"() ({
      %run_scoped3A = tpu.sem_alloc : memref<!tpu.dma_semaphore, #tpu.memory_space<semaphore_mem>>
      %dma_start3A_48 = arith.constant 0 : i32
      %dma_start3A_49 = tpu.memref_slice %arg5[%add3A_47, %dma_start3A_48] : memref<20096x144xf32, #tpu.memory_space<hbm>> -> memref<628x144xf32, #tpu.memory_space<hbm>>
      %dma_start3A_50 = arith.constant 0 : i32
      %dma_start3A_51 = tpu.memref_slice %arg8[%mul3A_42, %dma_start3A_50] : memref<10048x144xf32, #tpu.memory_space<vmem_shared>> -> memref<628x144xf32, #tpu.memory_space<vmem_shared>>
      tpu.enqueue_dma source(%dma_start3A_51 : memref<628x144xf32, #tpu.memory_space<vmem_shared>>) target(%dma_start3A_49 : memref<628x144xf32, #tpu.memory_space<hbm>>) target_semaphore(%run_scoped3A : memref<!tpu.dma_semaphore, #tpu.memory_space<semaphore_mem>>)
      %dma_wait3A_52 = arith.constant 0 : i32
      %dma_wait3A_53 = tpu.memref_slice %arg5[%add3A_47, %dma_wait3A_52] : memref<20096x144xf32, #tpu.memory_space<hbm>> -> memref<628x144xf32, #tpu.memory_space<hbm>>
      %dma_wait3A_54 = arith.constant 0 : i32
      %dma_wait3A_55 = tpu.memref_slice %arg8[%mul3A_42, %dma_wait3A_54] : memref<10048x144xf32, #tpu.memory_space<vmem_shared>> -> memref<628x144xf32, #tpu.memory_space<vmem_shared>>
      tpu.wait_dma2 semaphore(%run_scoped3A : memref<!tpu.dma_semaphore, #tpu.memory_space<semaphore_mem>>) src(%dma_wait3A_55 : memref<628x144xf32, #tpu.memory_space<vmem_shared>>) dst(%dma_wait3A_53 : memref<628x144xf32, #tpu.memory_space<hbm>>)
      tpu.yield
    }) : () -> ()
    return
  }
}

#map = affine_map<(d0, d1) -> (0, 0)>
module attributes {stable_mosaic.version = 14 : i64} {
  func.func @_sc_gat1_body(%arg0: i32, %arg1: i32, %arg2: memref<10048x144xf32, #tpu.memory_space<hbm>>, %arg3: memref<10048x16xf32, #tpu.memory_space<hbm>>, %arg4: memref<1024x96xi32, #tpu.memory_space<hbm>>, %arg5: memref<1024x96xi32, #tpu.memory_space<hbm>>, %arg6: memref<10048x144xf32, #tpu.memory_space<hbm>>, %arg7: memref<20096x144xf32, #tpu.memory_space<hbm>>, %arg8: memref<32x96xi32, #tpu.memory_space<vmem>>, %arg9: memref<32x96xi32, #tpu.memory_space<vmem>>, %arg10: memref<2x96x16xf32, #tpu.memory_space<vmem>>, %arg11: memref<2x96x144xf32, #tpu.memory_space<vmem>>, %arg12: memref<10048x144xf32, #tpu.memory_space<vmem_shared>>, %arg13: memref<!tpu.dma_semaphore, #tpu.memory_space<semaphore_mem>>, %arg14: memref<!tpu.dma_semaphore, #tpu.memory_space<semaphore_mem>>) attributes {dimension_semantics = [#tpu.dimension_semantics<core_parallel>, #tpu.dimension_semantics<subcore_parallel>], iteration_bounds = array<i64: 2, 16>, scalar_prefetch = 0 : i64, scratch_operands = 7 : i64, tpu.core_type = #tpu.core_type<sc_vector_subcore>, window_params = [{transform_indices = #map}, {transform_indices = #map}, {transform_indices = #map}, {transform_indices = #map}, {transform_indices = #map}, {transform_indices = #map}]} {
    %mul3A = arith.constant 2 : i32
    %mul3A_0 = arith.muli %arg1, %mul3A : i32
    %add3A = arith.addi %mul3A_0, %arg0 : i32
    %mul3A_1 = arith.constant 628 : i32
    %mul3A_2 = arith.muli %arg1, %mul3A_1 : i32
    %mul3A_3 = arith.constant 628 : i32
    %mul3A_4 = arith.muli %arg1, %mul3A_3 : i32
    "tpu.region"() ({
      %run_scoped3A = tpu.sem_alloc : memref<!tpu.dma_semaphore, #tpu.memory_space<semaphore_mem>>
      %dma_start3A_57 = arith.constant 0 : i32
      %dma_start3A_58 = tpu.memref_slice %arg12[%mul3A_4, %dma_start3A_57] : memref<10048x144xf32, #tpu.memory_space<vmem_shared>> -> memref<628x144xf32, #tpu.memory_space<vmem_shared>>
      %dma_start3A_59 = arith.constant 0 : i32
      %dma_start3A_60 = tpu.memref_slice %arg6[%mul3A_2, %dma_start3A_59] : memref<10048x144xf32, #tpu.memory_space<hbm>> -> memref<628x144xf32, #tpu.memory_space<hbm>>
      tpu.enqueue_dma source(%dma_start3A_60 : memref<628x144xf32, #tpu.memory_space<hbm>>) target(%dma_start3A_58 : memref<628x144xf32, #tpu.memory_space<vmem_shared>>) target_semaphore(%run_scoped3A : memref<!tpu.dma_semaphore, #tpu.memory_space<semaphore_mem>>)
      %dma_wait3A_61 = arith.constant 0 : i32
      %dma_wait3A_62 = tpu.memref_slice %arg12[%mul3A_4, %dma_wait3A_61] : memref<10048x144xf32, #tpu.memory_space<vmem_shared>> -> memref<628x144xf32, #tpu.memory_space<vmem_shared>>
      %dma_wait3A_63 = arith.constant 0 : i32
      %dma_wait3A_64 = tpu.memref_slice %arg6[%mul3A_2, %dma_wait3A_63] : memref<10048x144xf32, #tpu.memory_space<hbm>> -> memref<628x144xf32, #tpu.memory_space<hbm>>
      tpu.wait_dma2 semaphore(%run_scoped3A : memref<!tpu.dma_semaphore, #tpu.memory_space<semaphore_mem>>) src(%dma_wait3A_64 : memref<628x144xf32, #tpu.memory_space<hbm>>) dst(%dma_wait3A_62 : memref<628x144xf32, #tpu.memory_space<vmem_shared>>)
      tpu.yield
    }) : () -> ()
    %mul3A_5 = arith.constant 32 : i32
    %mul3A_6 = arith.muli %add3A, %mul3A_5 : i32
    "tpu.region"() ({
      %run_scoped3A = tpu.sem_alloc : memref<!tpu.dma_semaphore, #tpu.memory_space<semaphore_mem>>
      %dma_start3A_57 = arith.constant 0 : i32
      %dma_start3A_58 = tpu.memref_slice %arg4[%mul3A_6, %dma_start3A_57] : memref<1024x96xi32, #tpu.memory_space<hbm>> -> memref<32x96xi32, #tpu.memory_space<hbm>>
      %dma_start3A_59 = arith.constant 0 : i32
      %dma_start3A_60 = tpu.memref_slice %arg4[%mul3A_6, %dma_start3A_59] : memref<1024x96xi32, #tpu.memory_space<hbm>> -> memref<32x96xi32, #tpu.memory_space<hbm>>
      tpu.enqueue_dma source(%dma_start3A_60 : memref<32x96xi32, #tpu.memory_space<hbm>>) target(%arg8 : memref<32x96xi32, #tpu.memory_space<vmem>>) target_semaphore(%run_scoped3A : memref<!tpu.dma_semaphore, #tpu.memory_space<semaphore_mem>>)
      %dma_wait3A_61 = arith.constant 0 : i32
      %dma_wait3A_62 = tpu.memref_slice %arg4[%mul3A_6, %dma_wait3A_61] : memref<1024x96xi32, #tpu.memory_space<hbm>> -> memref<32x96xi32, #tpu.memory_space<hbm>>
      %dma_wait3A_63 = arith.constant 0 : i32
      %dma_wait3A_64 = tpu.memref_slice %arg4[%mul3A_6, %dma_wait3A_63] : memref<1024x96xi32, #tpu.memory_space<hbm>> -> memref<32x96xi32, #tpu.memory_space<hbm>>
      tpu.wait_dma2 semaphore(%run_scoped3A : memref<!tpu.dma_semaphore, #tpu.memory_space<semaphore_mem>>) src(%dma_wait3A_64 : memref<32x96xi32, #tpu.memory_space<hbm>>) dst(%arg8 : memref<32x96xi32, #tpu.memory_space<vmem>>)
      tpu.yield
    }) : () -> ()
    %mul3A_7 = arith.constant 32 : i32
    %mul3A_8 = arith.muli %add3A, %mul3A_7 : i32
    "tpu.region"() ({
      %run_scoped3A = tpu.sem_alloc : memref<!tpu.dma_semaphore, #tpu.memory_space<semaphore_mem>>
      %dma_start3A_57 = arith.constant 0 : i32
      %dma_start3A_58 = tpu.memref_slice %arg5[%mul3A_8, %dma_start3A_57] : memref<1024x96xi32, #tpu.memory_space<hbm>> -> memref<32x96xi32, #tpu.memory_space<hbm>>
      %dma_start3A_59 = arith.constant 0 : i32
      %dma_start3A_60 = tpu.memref_slice %arg5[%mul3A_8, %dma_start3A_59] : memref<1024x96xi32, #tpu.memory_space<hbm>> -> memref<32x96xi32, #tpu.memory_space<hbm>>
      tpu.enqueue_dma source(%dma_start3A_60 : memref<32x96xi32, #tpu.memory_space<hbm>>) target(%arg9 : memref<32x96xi32, #tpu.memory_space<vmem>>) target_semaphore(%run_scoped3A : memref<!tpu.dma_semaphore, #tpu.memory_space<semaphore_mem>>)
      %dma_wait3A_61 = arith.constant 0 : i32
      %dma_wait3A_62 = tpu.memref_slice %arg5[%mul3A_8, %dma_wait3A_61] : memref<1024x96xi32, #tpu.memory_space<hbm>> -> memref<32x96xi32, #tpu.memory_space<hbm>>
      %dma_wait3A_63 = arith.constant 0 : i32
      %dma_wait3A_64 = tpu.memref_slice %arg5[%mul3A_8, %dma_wait3A_63] : memref<1024x96xi32, #tpu.memory_space<hbm>> -> memref<32x96xi32, #tpu.memory_space<hbm>>
      tpu.wait_dma2 semaphore(%run_scoped3A : memref<!tpu.dma_semaphore, #tpu.memory_space<semaphore_mem>>) src(%dma_wait3A_64 : memref<32x96xi32, #tpu.memory_space<hbm>>) dst(%arg9 : memref<32x96xi32, #tpu.memory_space<vmem>>)
      tpu.yield
    }) : () -> ()
    %barrier3A = arith.constant 0 : index
    tpu.barrier barrier_id(%barrier3A)
    %dma_start3A = arith.constant 0 : i32
    %dma_start3A_9 = arith.constant 0 : i32
    %dma_start3A_10 = arith.constant 0 : i32
    %dma_start3A_11 = arith.constant 0 : i32
    %dma_start3A_12 = tpu.memref_slice %arg11[%dma_start3A_9, %dma_start3A_10, %dma_start3A_11] : memref<2x96x144xf32, #tpu.memory_space<vmem>> -> memref<1x96x144xf32, #tpu.memory_space<vmem>>
    %dma_start3A_13 = tpu.memref_squeeze %dma_start3A_12 : memref<1x96x144xf32, #tpu.memory_space<vmem>> -> memref<96x144xf32, #tpu.memory_space<vmem>>
    %dma_start3A_14 = arith.constant 0 : i32
    %dma_start3A_15 = tpu.memref_slice %arg8[%dma_start3A, %dma_start3A_14] : memref<32x96xi32, #tpu.memory_space<vmem>> -> memref<1x96xi32, #tpu.memory_space<vmem>>
    %dma_start3A_16 = tpu.memref_squeeze %dma_start3A_15 : memref<1x96xi32, #tpu.memory_space<vmem>> -> memref<96xi32, #tpu.memory_space<vmem>>
    %dma_start3A_17 = arith.constant 0 : i32
    %dma_start3A_18 = arith.constant 0 : i32
    %dma_start3A_19 = tpu.memref_slice %arg2[%dma_start3A_17, %dma_start3A_18] : memref<10048x144xf32, #tpu.memory_space<hbm>> -> memref<10048x144xf32, #tpu.memory_space<hbm>>
    tpu.enqueue_indirect_dma source(%dma_start3A_19 : memref<10048x144xf32, #tpu.memory_space<hbm>>) target(%dma_start3A_13 : memref<96x144xf32, #tpu.memory_space<vmem>>) offsets(%dma_start3A_16 : memref<96xi32, #tpu.memory_space<vmem>>) semaphore(%arg13 : memref<!tpu.dma_semaphore, #tpu.memory_space<semaphore_mem>>)
    %dma_start3A_20 = arith.constant 0 : i32
    %dma_start3A_21 = arith.constant 0 : i32
    %dma_start3A_22 = arith.constant 0 : i32
    %dma_start3A_23 = arith.constant 0 : i32
    %dma_start3A_24 = tpu.memref_slice %arg10[%dma_start3A_21, %dma_start3A_22, %dma_start3A_23] : memref<2x96x16xf32, #tpu.memory_space<vmem>> -> memref<1x96x16xf32, #tpu.memory_space<vmem>>
    %dma_start3A_25 = tpu.memref_squeeze %dma_start3A_24 : memref<1x96x16xf32, #tpu.memory_space<vmem>> -> memref<96x16xf32, #tpu.memory_space<vmem>>
    %dma_start3A_26 = arith.constant 0 : i32
    %dma_start3A_27 = tpu.memref_slice %arg9[%dma_start3A_20, %dma_start3A_26] : memref<32x96xi32, #tpu.memory_space<vmem>> -> memref<1x96xi32, #tpu.memory_space<vmem>>
    %dma_start3A_28 = tpu.memref_squeeze %dma_start3A_27 : memref<1x96xi32, #tpu.memory_space<vmem>> -> memref<96xi32, #tpu.memory_space<vmem>>
    %dma_start3A_29 = arith.constant 0 : i32
    %dma_start3A_30 = arith.constant 0 : i32
    %dma_start3A_31 = tpu.memref_slice %arg3[%dma_start3A_29, %dma_start3A_30] : memref<10048x16xf32, #tpu.memory_space<hbm>> -> memref<10048x16xf32, #tpu.memory_space<hbm>>
    tpu.enqueue_indirect_dma source(%dma_start3A_31 : memref<10048x16xf32, #tpu.memory_space<hbm>>) target(%dma_start3A_25 : memref<96x16xf32, #tpu.memory_space<vmem>>) offsets(%dma_start3A_28 : memref<96xi32, #tpu.memory_space<vmem>>) semaphore(%arg13 : memref<!tpu.dma_semaphore, #tpu.memory_space<semaphore_mem>>)
    %scan3A = arith.constant 0 : i32
    %scan3A_32 = arith.constant 0 : i32
    %scan3A_33 = arith.constant 32 : i32
    %scan3A_34 = arith.addi %scan3A_32, %scan3A_33 : i32
    %scan3A_35 = arith.constant 1 : i32
    scf.for %scan3A_57 = %scan3A_32 to %scan3A_34 step %scan3A_35  : i32 {
      %rem3A_58 = arith.constant 2 : i32
      %rem3A_59 = arith.remsi %scan3A_57, %rem3A_58 : i32
      %dma_wait3A_60 = arith.constant 0 : i32
      %dma_wait3A_61 = arith.constant 0 : i32
      %dma_wait3A_62 = tpu.memref_slice %arg11[%rem3A_59, %dma_wait3A_60, %dma_wait3A_61] : memref<2x96x144xf32, #tpu.memory_space<vmem>> -> memref<1x96x144xf32, #tpu.memory_space<vmem>>
      %dma_wait3A_63 = tpu.memref_squeeze %dma_wait3A_62 : memref<1x96x144xf32, #tpu.memory_space<vmem>> -> memref<96x144xf32, #tpu.memory_space<vmem>>
      %dma_wait3A_64 = arith.constant 0 : i32
      %dma_wait3A_65 = tpu.memref_slice %arg8[%scan3A_57, %dma_wait3A_64] : memref<32x96xi32, #tpu.memory_space<vmem>> -> memref<1x96xi32, #tpu.memory_space<vmem>>
      %dma_wait3A_66 = tpu.memref_squeeze %dma_wait3A_65 : memref<1x96xi32, #tpu.memory_space<vmem>> -> memref<96xi32, #tpu.memory_space<vmem>>
      %dma_wait3A_67 = arith.constant 0 : i32
      %dma_wait3A_68 = arith.constant 0 : i32
      %dma_wait3A_69 = tpu.memref_slice %arg2[%dma_wait3A_67, %dma_wait3A_68] : memref<10048x144xf32, #tpu.memory_space<hbm>> -> memref<10048x144xf32, #tpu.memory_space<hbm>>
      tpu.wait_indirect_dma semaphore(%arg13 : memref<!tpu.dma_semaphore, #tpu.memory_space<semaphore_mem>>) src(%dma_wait3A_69 : memref<10048x144xf32, #tpu.memory_space<hbm>>) dst(%dma_wait3A_63 : memref<96x144xf32, #tpu.memory_space<vmem>>)
      %dma_wait3A_70 = arith.constant 0 : i32
      %dma_wait3A_71 = arith.constant 0 : i32
      %dma_wait3A_72 = tpu.memref_slice %arg10[%rem3A_59, %dma_wait3A_70, %dma_wait3A_71] : memref<2x96x16xf32, #tpu.memory_space<vmem>> -> memref<1x96x16xf32, #tpu.memory_space<vmem>>
      %dma_wait3A_73 = tpu.memref_squeeze %dma_wait3A_72 : memref<1x96x16xf32, #tpu.memory_space<vmem>> -> memref<96x16xf32, #tpu.memory_space<vmem>>
      %dma_wait3A_74 = arith.constant 0 : i32
      %dma_wait3A_75 = tpu.memref_slice %arg9[%scan3A_57, %dma_wait3A_74] : memref<32x96xi32, #tpu.memory_space<vmem>> -> memref<1x96xi32, #tpu.memory_space<vmem>>
      %dma_wait3A_76 = tpu.memref_squeeze %dma_wait3A_75 : memref<1x96xi32, #tpu.memory_space<vmem>> -> memref<96xi32, #tpu.memory_space<vmem>>
      %dma_wait3A_77 = arith.constant 0 : i32
      %dma_wait3A_78 = arith.constant 0 : i32
      %dma_wait3A_79 = tpu.memref_slice %arg3[%dma_wait3A_77, %dma_wait3A_78] : memref<10048x16xf32, #tpu.memory_space<hbm>> -> memref<10048x16xf32, #tpu.memory_space<hbm>>
      tpu.wait_indirect_dma semaphore(%arg13 : memref<!tpu.dma_semaphore, #tpu.memory_space<semaphore_mem>>) src(%dma_wait3A_79 : memref<10048x16xf32, #tpu.memory_space<hbm>>) dst(%dma_wait3A_73 : memref<96x16xf32, #tpu.memory_space<vmem>>)
      %ge3A = arith.constant 1 : i32
      %ge3A_80 = arith.cmpi sge, %scan3A_57, %ge3A : i32
      %convert_element_type3A = arith.extui %ge3A_80 : i1 to i32
      %cond3A = arith.constant 0 : i32
      %cond3A_81 = arith.cmpi ne, %convert_element_type3A, %cond3A : i32
      scf.if %cond3A_81 {
        %sub3A = arith.constant 1 : i32
        %sub3A_104 = arith.subi %sub3A, %rem3A_59 : i32
        %sub3A_105 = arith.constant 1 : i32
        %sub3A_106 = arith.subi %scan3A_57, %sub3A_105 : i32
        %dma_wait3A_107 = arith.constant 0 : i32
        %dma_wait3A_108 = arith.constant 0 : i32
        %dma_wait3A_109 = tpu.memref_slice %arg11[%sub3A_104, %dma_wait3A_107, %dma_wait3A_108] : memref<2x96x144xf32, #tpu.memory_space<vmem>> -> memref<1x96x144xf32, #tpu.memory_space<vmem>>
        %dma_wait3A_110 = tpu.memref_squeeze %dma_wait3A_109 : memref<1x96x144xf32, #tpu.memory_space<vmem>> -> memref<96x144xf32, #tpu.memory_space<vmem>>
        %dma_wait3A_111 = arith.constant 0 : i32
        %dma_wait3A_112 = tpu.memref_slice %arg9[%sub3A_106, %dma_wait3A_111] : memref<32x96xi32, #tpu.memory_space<vmem>> -> memref<1x96xi32, #tpu.memory_space<vmem>>
        %dma_wait3A_113 = tpu.memref_squeeze %dma_wait3A_112 : memref<1x96xi32, #tpu.memory_space<vmem>> -> memref<96xi32, #tpu.memory_space<vmem>>
        %dma_wait3A_114 = arith.constant 0 : i32
        %dma_wait3A_115 = arith.constant 0 : i32
        %dma_wait3A_116 = tpu.memref_slice %arg12[%dma_wait3A_114, %dma_wait3A_115] : memref<10048x144xf32, #tpu.memory_space<vmem_shared>> -> memref<10048x144xf32, #tpu.memory_space<vmem_shared>>
        tpu.wait_indirect_dma semaphore(%arg14 : memref<!tpu.dma_semaphore, #tpu.memory_space<semaphore_mem>>) src(%dma_wait3A_110 : memref<96x144xf32, #tpu.memory_space<vmem>>) dst(%dma_wait3A_116 : memref<10048x144xf32, #tpu.memory_space<vmem_shared>>)
      } else {
      }
      %add3A_82 = arith.constant 1 : i32
      %add3A_83 = arith.addi %scan3A_57, %add3A_82 : i32
      %lt3A = arith.constant 32 : i32
      %lt3A_84 = arith.cmpi slt, %add3A_83, %lt3A : i32
      %convert_element_type3A_85 = arith.extui %lt3A_84 : i1 to i32
      %cond3A_86 = arith.constant 0 : i32
      %cond3A_87 = arith.cmpi ne, %convert_element_type3A_85, %cond3A_86 : i32
      scf.if %cond3A_87 {
        %add3A_104 = arith.constant 1 : i32
        %add3A_105 = arith.addi %scan3A_57, %add3A_104 : i32
        %sub3A = arith.constant 1 : i32
        %sub3A_106 = arith.subi %sub3A, %rem3A_59 : i32
        %dma_start3A_107 = arith.constant 0 : i32
        %dma_start3A_108 = arith.constant 0 : i32
        %dma_start3A_109 = tpu.memref_slice %arg11[%sub3A_106, %dma_start3A_107, %dma_start3A_108] : memref<2x96x144xf32, #tpu.memory_space<vmem>> -> memref<1x96x144xf32, #tpu.memory_space<vmem>>
        %dma_start3A_110 = tpu.memref_squeeze %dma_start3A_109 : memref<1x96x144xf32, #tpu.memory_space<vmem>> -> memref<96x144xf32, #tpu.memory_space<vmem>>
        %dma_start3A_111 = arith.constant 0 : i32
        %dma_start3A_112 = tpu.memref_slice %arg8[%add3A_105, %dma_start3A_111] : memref<32x96xi32, #tpu.memory_space<vmem>> -> memref<1x96xi32, #tpu.memory_space<vmem>>
        %dma_start3A_113 = tpu.memref_squeeze %dma_start3A_112 : memref<1x96xi32, #tpu.memory_space<vmem>> -> memref<96xi32, #tpu.memory_space<vmem>>
        %dma_start3A_114 = arith.constant 0 : i32
        %dma_start3A_115 = arith.constant 0 : i32
        %dma_start3A_116 = tpu.memref_slice %arg2[%dma_start3A_114, %dma_start3A_115] : memref<10048x144xf32, #tpu.memory_space<hbm>> -> memref<10048x144xf32, #tpu.memory_space<hbm>>
        tpu.enqueue_indirect_dma source(%dma_start3A_116 : memref<10048x144xf32, #tpu.memory_space<hbm>>) target(%dma_start3A_110 : memref<96x144xf32, #tpu.memory_space<vmem>>) offsets(%dma_start3A_113 : memref<96xi32, #tpu.memory_space<vmem>>) semaphore(%arg13 : memref<!tpu.dma_semaphore, #tpu.memory_space<semaphore_mem>>)
        %add3A_117 = arith.constant 1 : i32
        %add3A_118 = arith.addi %scan3A_57, %add3A_117 : i32
        %sub3A_119 = arith.constant 1 : i32
        %sub3A_120 = arith.subi %sub3A_119, %rem3A_59 : i32
        %dma_start3A_121 = arith.constant 0 : i32
        %dma_start3A_122 = arith.constant 0 : i32
        %dma_start3A_123 = tpu.memref_slice %arg10[%sub3A_120, %dma_start3A_121, %dma_start3A_122] : memref<2x96x16xf32, #tpu.memory_space<vmem>> -> memref<1x96x16xf32, #tpu.memory_space<vmem>>
        %dma_start3A_124 = tpu.memref_squeeze %dma_start3A_123 : memref<1x96x16xf32, #tpu.memory_space<vmem>> -> memref<96x16xf32, #tpu.memory_space<vmem>>
        %dma_start3A_125 = arith.constant 0 : i32
        %dma_start3A_126 = tpu.memref_slice %arg9[%add3A_118, %dma_start3A_125] : memref<32x96xi32, #tpu.memory_space<vmem>> -> memref<1x96xi32, #tpu.memory_space<vmem>>
        %dma_start3A_127 = tpu.memref_squeeze %dma_start3A_126 : memref<1x96xi32, #tpu.memory_space<vmem>> -> memref<96xi32, #tpu.memory_space<vmem>>
        %dma_start3A_128 = arith.constant 0 : i32
        %dma_start3A_129 = arith.constant 0 : i32
        %dma_start3A_130 = tpu.memref_slice %arg3[%dma_start3A_128, %dma_start3A_129] : memref<10048x16xf32, #tpu.memory_space<hbm>> -> memref<10048x16xf32, #tpu.memory_space<hbm>>
        tpu.enqueue_indirect_dma source(%dma_start3A_130 : memref<10048x16xf32, #tpu.memory_space<hbm>>) target(%dma_start3A_124 : memref<96x16xf32, #tpu.memory_space<vmem>>) offsets(%dma_start3A_127 : memref<96xi32, #tpu.memory_space<vmem>>) semaphore(%arg13 : memref<!tpu.dma_semaphore, #tpu.memory_space<semaphore_mem>>)
      } else {
      }
      %scan3A_88 = arith.constant 0 : i32
      %scan3A_89 = arith.constant 0 : i32
      %scan3A_90 = arith.constant 96 : i32
      %scan3A_91 = arith.addi %scan3A_89, %scan3A_90 : i32
      %scan3A_92 = arith.constant 1 : i32
      scf.for %scan3A_104 = %scan3A_89 to %scan3A_91 step %scan3A_92  : i32 {
        %get3A = arith.index_cast %rem3A_59 : i32 to index
        %get3A_105 = arith.index_cast %scan3A_104 : i32 to index
        %get3A_106 = arith.constant 128 : index
        %get3A_107 = tpu.vector_load %arg11[%get3A, %get3A_105, %get3A_106] {strides = array<i32>} : memref<2x96x144xf32, #tpu.memory_space<vmem>>, vector<1x1x16xf32>,
        %get3A_108 = vector.shape_cast %get3A_107 : vector<1x1x16xf32> to vector<16xf32>
        %get3A_109 = arith.index_cast %rem3A_59 : i32 to index
        %get3A_110 = arith.index_cast %scan3A_104 : i32 to index
        %get3A_111 = arith.constant 0 : index
        %get3A_112 = tpu.vector_load %arg10[%get3A_109, %get3A_110, %get3A_111] {strides = array<i32>} : memref<2x96x16xf32, #tpu.memory_space<vmem>>, vector<1x1x16xf32>,
        %get3A_113 = vector.shape_cast %get3A_112 : vector<1x1x16xf32> to vector<16xf32>
        %add3A_114 = arith.addf %get3A_108, %get3A_113 : vector<16xf32>
        %ge3A_115 = arith.constant 0.000000e+00 : f32
        %ge3A_116 = vector.broadcast %ge3A_115 : f32 to vector<16xf32>
        %ge3A_117 = arith.cmpf oge, %add3A_114, %ge3A_116 : vector<16xf32>
        %mul3A_118 = arith.constant 2.000000e-01 : f32
        %mul3A_119 = vector.broadcast %mul3A_118 : f32 to vector<16xf32>
        %mul3A_120 = arith.mulf %mul3A_119, %add3A_114 : vector<16xf32>
        %select_n3A = arith.select %ge3A_117, %add3A_114, %mul3A_120 : vector<16xi1>, vector<16xf32>
        %exp3A = math.exp %select_n3A : vector<16xf32>
        %get3A_121 = arith.index_cast %rem3A_59 : i32 to index
        %get3A_122 = arith.index_cast %scan3A_104 : i32 to index
        %get3A_123 = arith.constant 0 : index
        %get3A_124 = tpu.vector_load %arg11[%get3A_121, %get3A_122, %get3A_123] {strides = array<i32>} : memref<2x96x144xf32, #tpu.memory_space<vmem>>, vector<1x1x16xf32>,
        %get3A_125 = vector.shape_cast %get3A_124 : vector<1x1x16xf32> to vector<16xf32>
        %mul3A_126 = arith.mulf %get3A_125, %exp3A : vector<16xf32>
        %swap3A = arith.index_cast %rem3A_59 : i32 to index
        %swap3A_127 = arith.index_cast %scan3A_104 : i32 to index
        %swap3A_128 = arith.constant 0 : index
        %swap3A_129 = tpu.vector_load %arg11[%swap3A, %swap3A_127, %swap3A_128] {strides = array<i32>} : memref<2x96x144xf32, #tpu.memory_space<vmem>>, vector<1x1x16xf32>,
        %swap3A_130 = vector.shape_cast %swap3A_129 : vector<1x1x16xf32> to vector<16xf32>
        %swap3A_131 = vector.shape_cast %mul3A_126 : vector<16xf32> to vector<1x1x16xf32>
        tpu.vector_store %arg11[%swap3A, %swap3A_127, %swap3A_128], %swap3A_131 {strides = array<i32>} : memref<2x96x144xf32, #tpu.memory_space<vmem>>, vector<1x1x16xf32>,
        %get3A_132 = arith.index_cast %rem3A_59 : i32 to index
        %get3A_133 = arith.index_cast %scan3A_104 : i32 to index
        %get3A_134 = arith.constant 16 : index
        %get3A_135 = tpu.vector_load %arg11[%get3A_132, %get3A_133, %get3A_134] {strides = array<i32>} : memref<2x96x144xf32, #tpu.memory_space<vmem>>, vector<1x1x16xf32>,
        %get3A_136 = vector.shape_cast %get3A_135 : vector<1x1x16xf32> to vector<16xf32>
        %mul3A_137 = arith.mulf %get3A_136, %exp3A : vector<16xf32>
        %swap3A_138 = arith.index_cast %rem3A_59 : i32 to index
        %swap3A_139 = arith.index_cast %scan3A_104 : i32 to index
        %swap3A_140 = arith.constant 16 : index
        %swap3A_141 = tpu.vector_load %arg11[%swap3A_138, %swap3A_139, %swap3A_140] {strides = array<i32>} : memref<2x96x144xf32, #tpu.memory_space<vmem>>, vector<1x1x16xf32>,
        %swap3A_142 = vector.shape_cast %swap3A_141 : vector<1x1x16xf32> to vector<16xf32>
        %swap3A_143 = vector.shape_cast %mul3A_137 : vector<16xf32> to vector<1x1x16xf32>
        tpu.vector_store %arg11[%swap3A_138, %swap3A_139, %swap3A_140], %swap3A_143 {strides = array<i32>} : memref<2x96x144xf32, #tpu.memory_space<vmem>>, vector<1x1x16xf32>,
        %get3A_144 = arith.index_cast %rem3A_59 : i32 to index
        %get3A_145 = arith.index_cast %scan3A_104 : i32 to index
        %get3A_146 = arith.constant 32 : index
        %get3A_147 = tpu.vector_load %arg11[%get3A_144, %get3A_145, %get3A_146] {strides = array<i32>} : memref<2x96x144xf32, #tpu.memory_space<vmem>>, vector<1x1x16xf32>,
        %get3A_148 = vector.shape_cast %get3A_147 : vector<1x1x16xf32> to vector<16xf32>
        %mul3A_149 = arith.mulf %get3A_148, %exp3A : vector<16xf32>
        %swap3A_150 = arith.index_cast %rem3A_59 : i32 to index
        %swap3A_151 = arith.index_cast %scan3A_104 : i32 to index
        %swap3A_152 = arith.constant 32 : index
        %swap3A_153 = tpu.vector_load %arg11[%swap3A_150, %swap3A_151, %swap3A_152] {strides = array<i32>} : memref<2x96x144xf32, #tpu.memory_space<vmem>>, vector<1x1x16xf32>,
        %swap3A_154 = vector.shape_cast %swap3A_153 : vector<1x1x16xf32> to vector<16xf32>
        %swap3A_155 = vector.shape_cast %mul3A_149 : vector<16xf32> to vector<1x1x16xf32>
        tpu.vector_store %arg11[%swap3A_150, %swap3A_151, %swap3A_152], %swap3A_155 {strides = array<i32>} : memref<2x96x144xf32, #tpu.memory_space<vmem>>, vector<1x1x16xf32>,
        %get3A_156 = arith.index_cast %rem3A_59 : i32 to index
        %get3A_157 = arith.index_cast %scan3A_104 : i32 to index
        %get3A_158 = arith.constant 48 : index
        %get3A_159 = tpu.vector_load %arg11[%get3A_156, %get3A_157, %get3A_158] {strides = array<i32>} : memref<2x96x144xf32, #tpu.memory_space<vmem>>, vector<1x1x16xf32>,
        %get3A_160 = vector.shape_cast %get3A_159 : vector<1x1x16xf32> to vector<16xf32>
        %mul3A_161 = arith.mulf %get3A_160, %exp3A : vector<16xf32>
        %swap3A_162 = arith.index_cast %rem3A_59 : i32 to index
        %swap3A_163 = arith.index_cast %scan3A_104 : i32 to index
        %swap3A_164 = arith.constant 48 : index
        %swap3A_165 = tpu.vector_load %arg11[%swap3A_162, %swap3A_163, %swap3A_164] {strides = array<i32>} : memref<2x96x144xf32, #tpu.memory_space<vmem>>, vector<1x1x16xf32>,
        %swap3A_166 = vector.shape_cast %swap3A_165 : vector<1x1x16xf32> to vector<16xf32>
        %swap3A_167 = vector.shape_cast %mul3A_161 : vector<16xf32> to vector<1x1x16xf32>
        tpu.vector_store %arg11[%swap3A_162, %swap3A_163, %swap3A_164], %swap3A_167 {strides = array<i32>} : memref<2x96x144xf32, #tpu.memory_space<vmem>>, vector<1x1x16xf32>,
        %get3A_168 = arith.index_cast %rem3A_59 : i32 to index
        %get3A_169 = arith.index_cast %scan3A_104 : i32 to index
        %get3A_170 = arith.constant 64 : index
        %get3A_171 = tpu.vector_load %arg11[%get3A_168, %get3A_169, %get3A_170] {strides = array<i32>} : memref<2x96x144xf32, #tpu.memory_space<vmem>>, vector<1x1x16xf32>,
        %get3A_172 = vector.shape_cast %get3A_171 : vector<1x1x16xf32> to vector<16xf32>
        %mul3A_173 = arith.mulf %get3A_172, %exp3A : vector<16xf32>
        %swap3A_174 = arith.index_cast %rem3A_59 : i32 to index
        %swap3A_175 = arith.index_cast %scan3A_104 : i32 to index
        %swap3A_176 = arith.constant 64 : index
        %swap3A_177 = tpu.vector_load %arg11[%swap3A_174, %swap3A_175, %swap3A_176] {strides = array<i32>} : memref<2x96x144xf32, #tpu.memory_space<vmem>>, vector<1x1x16xf32>,
        %swap3A_178 = vector.shape_cast %swap3A_177 : vector<1x1x16xf32> to vector<16xf32>
        %swap3A_179 = vector.shape_cast %mul3A_173 : vector<16xf32> to vector<1x1x16xf32>
        tpu.vector_store %arg11[%swap3A_174, %swap3A_175, %swap3A_176], %swap3A_179 {strides = array<i32>} : memref<2x96x144xf32, #tpu.memory_space<vmem>>, vector<1x1x16xf32>,
        %get3A_180 = arith.index_cast %rem3A_59 : i32 to index
        %get3A_181 = arith.index_cast %scan3A_104 : i32 to index
        %get3A_182 = arith.constant 80 : index
        %get3A_183 = tpu.vector_load %arg11[%get3A_180, %get3A_181, %get3A_182] {strides = array<i32>} : memref<2x96x144xf32, #tpu.memory_space<vmem>>, vector<1x1x16xf32>,
        %get3A_184 = vector.shape_cast %get3A_183 : vector<1x1x16xf32> to vector<16xf32>
        %mul3A_185 = arith.mulf %get3A_184, %exp3A : vector<16xf32>
        %swap3A_186 = arith.index_cast %rem3A_59 : i32 to index
        %swap3A_187 = arith.index_cast %scan3A_104 : i32 to index
        %swap3A_188 = arith.constant 80 : index
        %swap3A_189 = tpu.vector_load %arg11[%swap3A_186, %swap3A_187, %swap3A_188] {strides = array<i32>} : memref<2x96x144xf32, #tpu.memory_space<vmem>>, vector<1x1x16xf32>,
        %swap3A_190 = vector.shape_cast %swap3A_189 : vector<1x1x16xf32> to vector<16xf32>
        %swap3A_191 = vector.shape_cast %mul3A_185 : vector<16xf32> to vector<1x1x16xf32>
        tpu.vector_store %arg11[%swap3A_186, %swap3A_187, %swap3A_188], %swap3A_191 {strides = array<i32>} : memref<2x96x144xf32, #tpu.memory_space<vmem>>, vector<1x1x16xf32>,
        %get3A_192 = arith.index_cast %rem3A_59 : i32 to index
        %get3A_193 = arith.index_cast %scan3A_104 : i32 to index
        %get3A_194 = arith.constant 96 : index
        %get3A_195 = tpu.vector_load %arg11[%get3A_192, %get3A_193, %get3A_194] {strides = array<i32>} : memref<2x96x144xf32, #tpu.memory_space<vmem>>, vector<1x1x16xf32>,
        %get3A_196 = vector.shape_cast %get3A_195 : vector<1x1x16xf32> to vector<16xf32>
        %mul3A_197 = arith.mulf %get3A_196, %exp3A : vector<16xf32>
        %swap3A_198 = arith.index_cast %rem3A_59 : i32 to index
        %swap3A_199 = arith.index_cast %scan3A_104 : i32 to index
        %swap3A_200 = arith.constant 96 : index
        %swap3A_201 = tpu.vector_load %arg11[%swap3A_198, %swap3A_199, %swap3A_200] {strides = array<i32>} : memref<2x96x144xf32, #tpu.memory_space<vmem>>, vector<1x1x16xf32>,
        %swap3A_202 = vector.shape_cast %swap3A_201 : vector<1x1x16xf32> to vector<16xf32>
        %swap3A_203 = vector.shape_cast %mul3A_197 : vector<16xf32> to vector<1x1x16xf32>
        tpu.vector_store %arg11[%swap3A_198, %swap3A_199, %swap3A_200], %swap3A_203 {strides = array<i32>} : memref<2x96x144xf32, #tpu.memory_space<vmem>>, vector<1x1x16xf32>,
        %get3A_204 = arith.index_cast %rem3A_59 : i32 to index
        %get3A_205 = arith.index_cast %scan3A_104 : i32 to index
        %get3A_206 = arith.constant 112 : index
        %get3A_207 = tpu.vector_load %arg11[%get3A_204, %get3A_205, %get3A_206] {strides = array<i32>} : memref<2x96x144xf32, #tpu.memory_space<vmem>>, vector<1x1x16xf32>,
        %get3A_208 = vector.shape_cast %get3A_207 : vector<1x1x16xf32> to vector<16xf32>
        %mul3A_209 = arith.mulf %get3A_208, %exp3A : vector<16xf32>
        %swap3A_210 = arith.index_cast %rem3A_59 : i32 to index
        %swap3A_211 = arith.index_cast %scan3A_104 : i32 to index
        %swap3A_212 = arith.constant 112 : index
        %swap3A_213 = tpu.vector_load %arg11[%swap3A_210, %swap3A_211, %swap3A_212] {strides = array<i32>} : memref<2x96x144xf32, #tpu.memory_space<vmem>>, vector<1x1x16xf32>,
        %swap3A_214 = vector.shape_cast %swap3A_213 : vector<1x1x16xf32> to vector<16xf32>
        %swap3A_215 = vector.shape_cast %mul3A_209 : vector<16xf32> to vector<1x1x16xf32>
        tpu.vector_store %arg11[%swap3A_210, %swap3A_211, %swap3A_212], %swap3A_215 {strides = array<i32>} : memref<2x96x144xf32, #tpu.memory_space<vmem>>, vector<1x1x16xf32>,
        %swap3A_216 = arith.index_cast %rem3A_59 : i32 to index
        %swap3A_217 = arith.index_cast %scan3A_104 : i32 to index
        %swap3A_218 = arith.constant 128 : index
        %swap3A_219 = tpu.vector_load %arg11[%swap3A_216, %swap3A_217, %swap3A_218] {strides = array<i32>} : memref<2x96x144xf32, #tpu.memory_space<vmem>>, vector<1x1x16xf32>,
        %swap3A_220 = vector.shape_cast %swap3A_219 : vector<1x1x16xf32> to vector<16xf32>
        %swap3A_221 = vector.shape_cast %exp3A : vector<16xf32> to vector<1x1x16xf32>
        tpu.vector_store %arg11[%swap3A_216, %swap3A_217, %swap3A_218], %swap3A_221 {strides = array<i32>} : memref<2x96x144xf32, #tpu.memory_space<vmem>>, vector<1x1x16xf32>,
      }
      %scan3A_93 = arith.constant 96 : i32
      %dma_start3A_94 = arith.constant 0 : i32
      %dma_start3A_95 = arith.constant 0 : i32
      %dma_start3A_96 = tpu.memref_slice %arg11[%rem3A_59, %dma_start3A_94, %dma_start3A_95] : memref<2x96x144xf32, #tpu.memory_space<vmem>> -> memref<1x96x144xf32, #tpu.memory_space<vmem>>
      %dma_start3A_97 = tpu.memref_squeeze %dma_start3A_96 : memref<1x96x144xf32, #tpu.memory_space<vmem>> -> memref<96x144xf32, #tpu.memory_space<vmem>>
      %dma_start3A_98 = arith.constant 0 : i32
      %dma_start3A_99 = tpu.memref_slice %arg9[%scan3A_57, %dma_start3A_98] : memref<32x96xi32, #tpu.memory_space<vmem>> -> memref<1x96xi32, #tpu.memory_space<vmem>>
      %dma_start3A_100 = tpu.memref_squeeze %dma_start3A_99 : memref<1x96xi32, #tpu.memory_space<vmem>> -> memref<96xi32, #tpu.memory_space<vmem>>
      %dma_start3A_101 = arith.constant 0 : i32
      %dma_start3A_102 = arith.constant 0 : i32
      %dma_start3A_103 = tpu.memref_slice %arg12[%dma_start3A_101, %dma_start3A_102] : memref<10048x144xf32, #tpu.memory_space<vmem_shared>> -> memref<10048x144xf32, #tpu.memory_space<vmem_shared>>
      tpu.enqueue_indirect_dma source(%dma_start3A_97 : memref<96x144xf32, #tpu.memory_space<vmem>>) target(%dma_start3A_103 : memref<10048x144xf32, #tpu.memory_space<vmem_shared>>) offsets(%dma_start3A_100 : memref<96xi32, #tpu.memory_space<vmem>>) semaphore(%arg14 : memref<!tpu.dma_semaphore, #tpu.memory_space<semaphore_mem>>) {add = true}
    }
    %scan3A_36 = arith.constant 32 : i32
    %rem3A = arith.constant 31 : i32
    %rem3A_37 = arith.constant 2 : i32
    %rem3A_38 = arith.remsi %rem3A, %rem3A_37 : i32
    %dma_wait3A = arith.constant 31 : i32
    %dma_wait3A_39 = arith.constant 0 : i32
    %dma_wait3A_40 = arith.constant 0 : i32
    %dma_wait3A_41 = tpu.memref_slice %arg11[%rem3A_38, %dma_wait3A_39, %dma_wait3A_40] : memref<2x96x144xf32, #tpu.memory_space<vmem>> -> memref<1x96x144xf32, #tpu.memory_space<vmem>>
    %dma_wait3A_42 = tpu.memref_squeeze %dma_wait3A_41 : memref<1x96x144xf32, #tpu.memory_space<vmem>> -> memref<96x144xf32, #tpu.memory_space<vmem>>
    %dma_wait3A_43 = arith.constant 0 : i32
    %dma_wait3A_44 = tpu.memref_slice %arg9[%dma_wait3A, %dma_wait3A_43] : memref<32x96xi32, #tpu.memory_space<vmem>> -> memref<1x96xi32, #tpu.memory_space<vmem>>
    %dma_wait3A_45 = tpu.memref_squeeze %dma_wait3A_44 : memref<1x96xi32, #tpu.memory_space<vmem>> -> memref<96xi32, #tpu.memory_space<vmem>>
    %dma_wait3A_46 = arith.constant 0 : i32
    %dma_wait3A_47 = arith.constant 0 : i32
    %dma_wait3A_48 = tpu.memref_slice %arg12[%dma_wait3A_46, %dma_wait3A_47] : memref<10048x144xf32, #tpu.memory_space<vmem_shared>> -> memref<10048x144xf32, #tpu.memory_space<vmem_shared>>
    tpu.wait_indirect_dma semaphore(%arg14 : memref<!tpu.dma_semaphore, #tpu.memory_space<semaphore_mem>>) src(%dma_wait3A_42 : memref<96x144xf32, #tpu.memory_space<vmem>>) dst(%dma_wait3A_48 : memref<10048x144xf32, #tpu.memory_space<vmem_shared>>)
    %barrier3A_49 = arith.constant 0 : index
    tpu.barrier barrier_id(%barrier3A_49)
    %mul3A_50 = arith.constant 628 : i32
    %mul3A_51 = arith.muli %arg1, %mul3A_50 : i32
    %mul3A_52 = arith.constant 10048 : i32
    %mul3A_53 = arith.muli %arg0, %mul3A_52 : i32
    %mul3A_54 = arith.constant 628 : i32
    %mul3A_55 = arith.muli %arg1, %mul3A_54 : i32
    %add3A_56 = arith.addi %mul3A_53, %mul3A_55 : i32
    "tpu.region"() ({
      %run_scoped3A = tpu.sem_alloc : memref<!tpu.dma_semaphore, #tpu.memory_space<semaphore_mem>>
      %dma_start3A_57 = arith.constant 0 : i32
      %dma_start3A_58 = tpu.memref_slice %arg7[%add3A_56, %dma_start3A_57] : memref<20096x144xf32, #tpu.memory_space<hbm>> -> memref<628x144xf32, #tpu.memory_space<hbm>>
      %dma_start3A_59 = arith.constant 0 : i32
      %dma_start3A_60 = tpu.memref_slice %arg12[%mul3A_51, %dma_start3A_59] : memref<10048x144xf32, #tpu.memory_space<vmem_shared>> -> memref<628x144xf32, #tpu.memory_space<vmem_shared>>
      tpu.enqueue_dma source(%dma_start3A_60 : memref<628x144xf32, #tpu.memory_space<vmem_shared>>) target(%dma_start3A_58 : memref<628x144xf32, #tpu.memory_space<hbm>>) target_semaphore(%run_scoped3A : memref<!tpu.dma_semaphore, #tpu.memory_space<semaphore_mem>>)
      %dma_wait3A_61 = arith.constant 0 : i32
      %dma_wait3A_62 = tpu.memref_slice %arg7[%add3A_56, %dma_wait3A_61] : memref<20096x144xf32, #tpu.memory_space<hbm>> -> memref<628x144xf32, #tpu.memory_space<hbm>>
      %dma_wait3A_63 = arith.constant 0 : i32
      %dma_wait3A_64 = tpu.memref_slice %arg12[%mul3A_51, %dma_wait3A_63] : memref<10048x144xf32, #tpu.memory_space<vmem_shared>> -> memref<628x144xf32, #tpu.memory_space<vmem_shared>>
      tpu.wait_dma2 semaphore(%run_scoped3A : memref<!tpu.dma_semaphore, #tpu.memory_space<semaphore_mem>>) src(%dma_wait3A_64 : memref<628x144xf32, #tpu.memory_space<vmem_shared>>) dst(%dma_wait3A_62 : memref<628x144xf32, #tpu.memory_space<hbm>>)
      tpu.yield
    }) : () -> ()
    return
  }
}

#map = affine_map<(d0, d1) -> (0, 0)>
module attributes {stable_mosaic.version = 14 : i64} {
  func.func @_sc_gat2_body(%arg0: i32, %arg1: i32, %arg2: memref<10048x32xf32, #tpu.memory_space<hbm>>, %arg3: memref<10048x16xf32, #tpu.memory_space<hbm>>, %arg4: memref<1024x96xi32, #tpu.memory_space<hbm>>, %arg5: memref<1024x96xi32, #tpu.memory_space<hbm>>, %arg6: memref<10048x32xf32, #tpu.memory_space<hbm>>, %arg7: memref<20096x32xf32, #tpu.memory_space<hbm>>, %arg8: memref<32x96xi32, #tpu.memory_space<vmem>>, %arg9: memref<32x96xi32, #tpu.memory_space<vmem>>, %arg10: memref<2x96x16xf32, #tpu.memory_space<vmem>>, %arg11: memref<2x96x32xf32, #tpu.memory_space<vmem>>, %arg12: memref<10048x32xf32, #tpu.memory_space<vmem_shared>>, %arg13: memref<!tpu.dma_semaphore, #tpu.memory_space<semaphore_mem>>, %arg14: memref<!tpu.dma_semaphore, #tpu.memory_space<semaphore_mem>>) attributes {dimension_semantics = [#tpu.dimension_semantics<core_parallel>, #tpu.dimension_semantics<subcore_parallel>], iteration_bounds = array<i64: 2, 16>, scalar_prefetch = 0 : i64, scratch_operands = 7 : i64, tpu.core_type = #tpu.core_type<sc_vector_subcore>, window_params = [{transform_indices = #map}, {transform_indices = #map}, {transform_indices = #map}, {transform_indices = #map}, {transform_indices = #map}, {transform_indices = #map}]} {
    %mul3A = arith.constant 2 : i32
    %mul3A_0 = arith.muli %arg1, %mul3A : i32
    %add3A = arith.addi %mul3A_0, %arg0 : i32
    %mul3A_1 = arith.constant 628 : i32
    %mul3A_2 = arith.muli %arg1, %mul3A_1 : i32
    %mul3A_3 = arith.constant 628 : i32
    %mul3A_4 = arith.muli %arg1, %mul3A_3 : i32
    "tpu.region"() ({
      %run_scoped3A = tpu.sem_alloc : memref<!tpu.dma_semaphore, #tpu.memory_space<semaphore_mem>>
      %dma_start3A_57 = arith.constant 0 : i32
      %dma_start3A_58 = tpu.memref_slice %arg12[%mul3A_4, %dma_start3A_57] : memref<10048x32xf32, #tpu.memory_space<vmem_shared>> -> memref<628x32xf32, #tpu.memory_space<vmem_shared>>
      %dma_start3A_59 = arith.constant 0 : i32
      %dma_start3A_60 = tpu.memref_slice %arg6[%mul3A_2, %dma_start3A_59] : memref<10048x32xf32, #tpu.memory_space<hbm>> -> memref<628x32xf32, #tpu.memory_space<hbm>>
      tpu.enqueue_dma source(%dma_start3A_60 : memref<628x32xf32, #tpu.memory_space<hbm>>) target(%dma_start3A_58 : memref<628x32xf32, #tpu.memory_space<vmem_shared>>) target_semaphore(%run_scoped3A : memref<!tpu.dma_semaphore, #tpu.memory_space<semaphore_mem>>)
      %dma_wait3A_61 = arith.constant 0 : i32
      %dma_wait3A_62 = tpu.memref_slice %arg12[%mul3A_4, %dma_wait3A_61] : memref<10048x32xf32, #tpu.memory_space<vmem_shared>> -> memref<628x32xf32, #tpu.memory_space<vmem_shared>>
      %dma_wait3A_63 = arith.constant 0 : i32
      %dma_wait3A_64 = tpu.memref_slice %arg6[%mul3A_2, %dma_wait3A_63] : memref<10048x32xf32, #tpu.memory_space<hbm>> -> memref<628x32xf32, #tpu.memory_space<hbm>>
      tpu.wait_dma2 semaphore(%run_scoped3A : memref<!tpu.dma_semaphore, #tpu.memory_space<semaphore_mem>>) src(%dma_wait3A_64 : memref<628x32xf32, #tpu.memory_space<hbm>>) dst(%dma_wait3A_62 : memref<628x32xf32, #tpu.memory_space<vmem_shared>>)
      tpu.yield
    }) : () -> ()
    %mul3A_5 = arith.constant 32 : i32
    %mul3A_6 = arith.muli %add3A, %mul3A_5 : i32
    "tpu.region"() ({
      %run_scoped3A = tpu.sem_alloc : memref<!tpu.dma_semaphore, #tpu.memory_space<semaphore_mem>>
      %dma_start3A_57 = arith.constant 0 : i32
      %dma_start3A_58 = tpu.memref_slice %arg4[%mul3A_6, %dma_start3A_57] : memref<1024x96xi32, #tpu.memory_space<hbm>> -> memref<32x96xi32, #tpu.memory_space<hbm>>
      %dma_start3A_59 = arith.constant 0 : i32
      %dma_start3A_60 = tpu.memref_slice %arg4[%mul3A_6, %dma_start3A_59] : memref<1024x96xi32, #tpu.memory_space<hbm>> -> memref<32x96xi32, #tpu.memory_space<hbm>>
      tpu.enqueue_dma source(%dma_start3A_60 : memref<32x96xi32, #tpu.memory_space<hbm>>) target(%arg8 : memref<32x96xi32, #tpu.memory_space<vmem>>) target_semaphore(%run_scoped3A : memref<!tpu.dma_semaphore, #tpu.memory_space<semaphore_mem>>)
      %dma_wait3A_61 = arith.constant 0 : i32
      %dma_wait3A_62 = tpu.memref_slice %arg4[%mul3A_6, %dma_wait3A_61] : memref<1024x96xi32, #tpu.memory_space<hbm>> -> memref<32x96xi32, #tpu.memory_space<hbm>>
      %dma_wait3A_63 = arith.constant 0 : i32
      %dma_wait3A_64 = tpu.memref_slice %arg4[%mul3A_6, %dma_wait3A_63] : memref<1024x96xi32, #tpu.memory_space<hbm>> -> memref<32x96xi32, #tpu.memory_space<hbm>>
      tpu.wait_dma2 semaphore(%run_scoped3A : memref<!tpu.dma_semaphore, #tpu.memory_space<semaphore_mem>>) src(%dma_wait3A_64 : memref<32x96xi32, #tpu.memory_space<hbm>>) dst(%arg8 : memref<32x96xi32, #tpu.memory_space<vmem>>)
      tpu.yield
    }) : () -> ()
    %mul3A_7 = arith.constant 32 : i32
    %mul3A_8 = arith.muli %add3A, %mul3A_7 : i32
    "tpu.region"() ({
      %run_scoped3A = tpu.sem_alloc : memref<!tpu.dma_semaphore, #tpu.memory_space<semaphore_mem>>
      %dma_start3A_57 = arith.constant 0 : i32
      %dma_start3A_58 = tpu.memref_slice %arg5[%mul3A_8, %dma_start3A_57] : memref<1024x96xi32, #tpu.memory_space<hbm>> -> memref<32x96xi32, #tpu.memory_space<hbm>>
      %dma_start3A_59 = arith.constant 0 : i32
      %dma_start3A_60 = tpu.memref_slice %arg5[%mul3A_8, %dma_start3A_59] : memref<1024x96xi32, #tpu.memory_space<hbm>> -> memref<32x96xi32, #tpu.memory_space<hbm>>
      tpu.enqueue_dma source(%dma_start3A_60 : memref<32x96xi32, #tpu.memory_space<hbm>>) target(%arg9 : memref<32x96xi32, #tpu.memory_space<vmem>>) target_semaphore(%run_scoped3A : memref<!tpu.dma_semaphore, #tpu.memory_space<semaphore_mem>>)
      %dma_wait3A_61 = arith.constant 0 : i32
      %dma_wait3A_62 = tpu.memref_slice %arg5[%mul3A_8, %dma_wait3A_61] : memref<1024x96xi32, #tpu.memory_space<hbm>> -> memref<32x96xi32, #tpu.memory_space<hbm>>
      %dma_wait3A_63 = arith.constant 0 : i32
      %dma_wait3A_64 = tpu.memref_slice %arg5[%mul3A_8, %dma_wait3A_63] : memref<1024x96xi32, #tpu.memory_space<hbm>> -> memref<32x96xi32, #tpu.memory_space<hbm>>
      tpu.wait_dma2 semaphore(%run_scoped3A : memref<!tpu.dma_semaphore, #tpu.memory_space<semaphore_mem>>) src(%dma_wait3A_64 : memref<32x96xi32, #tpu.memory_space<hbm>>) dst(%arg9 : memref<32x96xi32, #tpu.memory_space<vmem>>)
      tpu.yield
    }) : () -> ()
    %barrier3A = arith.constant 0 : index
    tpu.barrier barrier_id(%barrier3A)
    %dma_start3A = arith.constant 0 : i32
    %dma_start3A_9 = arith.constant 0 : i32
    %dma_start3A_10 = arith.constant 0 : i32
    %dma_start3A_11 = arith.constant 0 : i32
    %dma_start3A_12 = tpu.memref_slice %arg11[%dma_start3A_9, %dma_start3A_10, %dma_start3A_11] : memref<2x96x32xf32, #tpu.memory_space<vmem>> -> memref<1x96x32xf32, #tpu.memory_space<vmem>>
    %dma_start3A_13 = tpu.memref_squeeze %dma_start3A_12 : memref<1x96x32xf32, #tpu.memory_space<vmem>> -> memref<96x32xf32, #tpu.memory_space<vmem>>
    %dma_start3A_14 = arith.constant 0 : i32
    %dma_start3A_15 = tpu.memref_slice %arg8[%dma_start3A, %dma_start3A_14] : memref<32x96xi32, #tpu.memory_space<vmem>> -> memref<1x96xi32, #tpu.memory_space<vmem>>
    %dma_start3A_16 = tpu.memref_squeeze %dma_start3A_15 : memref<1x96xi32, #tpu.memory_space<vmem>> -> memref<96xi32, #tpu.memory_space<vmem>>
    %dma_start3A_17 = arith.constant 0 : i32
    %dma_start3A_18 = arith.constant 0 : i32
    %dma_start3A_19 = tpu.memref_slice %arg2[%dma_start3A_17, %dma_start3A_18] : memref<10048x32xf32, #tpu.memory_space<hbm>> -> memref<10048x32xf32, #tpu.memory_space<hbm>>
    tpu.enqueue_indirect_dma source(%dma_start3A_19 : memref<10048x32xf32, #tpu.memory_space<hbm>>) target(%dma_start3A_13 : memref<96x32xf32, #tpu.memory_space<vmem>>) offsets(%dma_start3A_16 : memref<96xi32, #tpu.memory_space<vmem>>) semaphore(%arg13 : memref<!tpu.dma_semaphore, #tpu.memory_space<semaphore_mem>>)
    %dma_start3A_20 = arith.constant 0 : i32
    %dma_start3A_21 = arith.constant 0 : i32
    %dma_start3A_22 = arith.constant 0 : i32
    %dma_start3A_23 = arith.constant 0 : i32
    %dma_start3A_24 = tpu.memref_slice %arg10[%dma_start3A_21, %dma_start3A_22, %dma_start3A_23] : memref<2x96x16xf32, #tpu.memory_space<vmem>> -> memref<1x96x16xf32, #tpu.memory_space<vmem>>
    %dma_start3A_25 = tpu.memref_squeeze %dma_start3A_24 : memref<1x96x16xf32, #tpu.memory_space<vmem>> -> memref<96x16xf32, #tpu.memory_space<vmem>>
    %dma_start3A_26 = arith.constant 0 : i32
    %dma_start3A_27 = tpu.memref_slice %arg9[%dma_start3A_20, %dma_start3A_26] : memref<32x96xi32, #tpu.memory_space<vmem>> -> memref<1x96xi32, #tpu.memory_space<vmem>>
    %dma_start3A_28 = tpu.memref_squeeze %dma_start3A_27 : memref<1x96xi32, #tpu.memory_space<vmem>> -> memref<96xi32, #tpu.memory_space<vmem>>
    %dma_start3A_29 = arith.constant 0 : i32
    %dma_start3A_30 = arith.constant 0 : i32
    %dma_start3A_31 = tpu.memref_slice %arg3[%dma_start3A_29, %dma_start3A_30] : memref<10048x16xf32, #tpu.memory_space<hbm>> -> memref<10048x16xf32, #tpu.memory_space<hbm>>
    tpu.enqueue_indirect_dma source(%dma_start3A_31 : memref<10048x16xf32, #tpu.memory_space<hbm>>) target(%dma_start3A_25 : memref<96x16xf32, #tpu.memory_space<vmem>>) offsets(%dma_start3A_28 : memref<96xi32, #tpu.memory_space<vmem>>) semaphore(%arg13 : memref<!tpu.dma_semaphore, #tpu.memory_space<semaphore_mem>>)
    %scan3A = arith.constant 0 : i32
    %scan3A_32 = arith.constant 0 : i32
    %scan3A_33 = arith.constant 32 : i32
    %scan3A_34 = arith.addi %scan3A_32, %scan3A_33 : i32
    %scan3A_35 = arith.constant 1 : i32
    scf.for %scan3A_57 = %scan3A_32 to %scan3A_34 step %scan3A_35  : i32 {
      %rem3A_58 = arith.constant 2 : i32
      %rem3A_59 = arith.remsi %scan3A_57, %rem3A_58 : i32
      %dma_wait3A_60 = arith.constant 0 : i32
      %dma_wait3A_61 = arith.constant 0 : i32
      %dma_wait3A_62 = tpu.memref_slice %arg11[%rem3A_59, %dma_wait3A_60, %dma_wait3A_61] : memref<2x96x32xf32, #tpu.memory_space<vmem>> -> memref<1x96x32xf32, #tpu.memory_space<vmem>>
      %dma_wait3A_63 = tpu.memref_squeeze %dma_wait3A_62 : memref<1x96x32xf32, #tpu.memory_space<vmem>> -> memref<96x32xf32, #tpu.memory_space<vmem>>
      %dma_wait3A_64 = arith.constant 0 : i32
      %dma_wait3A_65 = tpu.memref_slice %arg8[%scan3A_57, %dma_wait3A_64] : memref<32x96xi32, #tpu.memory_space<vmem>> -> memref<1x96xi32, #tpu.memory_space<vmem>>
      %dma_wait3A_66 = tpu.memref_squeeze %dma_wait3A_65 : memref<1x96xi32, #tpu.memory_space<vmem>> -> memref<96xi32, #tpu.memory_space<vmem>>
      %dma_wait3A_67 = arith.constant 0 : i32
      %dma_wait3A_68 = arith.constant 0 : i32
      %dma_wait3A_69 = tpu.memref_slice %arg2[%dma_wait3A_67, %dma_wait3A_68] : memref<10048x32xf32, #tpu.memory_space<hbm>> -> memref<10048x32xf32, #tpu.memory_space<hbm>>
      tpu.wait_indirect_dma semaphore(%arg13 : memref<!tpu.dma_semaphore, #tpu.memory_space<semaphore_mem>>) src(%dma_wait3A_69 : memref<10048x32xf32, #tpu.memory_space<hbm>>) dst(%dma_wait3A_63 : memref<96x32xf32, #tpu.memory_space<vmem>>)
      %dma_wait3A_70 = arith.constant 0 : i32
      %dma_wait3A_71 = arith.constant 0 : i32
      %dma_wait3A_72 = tpu.memref_slice %arg10[%rem3A_59, %dma_wait3A_70, %dma_wait3A_71] : memref<2x96x16xf32, #tpu.memory_space<vmem>> -> memref<1x96x16xf32, #tpu.memory_space<vmem>>
      %dma_wait3A_73 = tpu.memref_squeeze %dma_wait3A_72 : memref<1x96x16xf32, #tpu.memory_space<vmem>> -> memref<96x16xf32, #tpu.memory_space<vmem>>
      %dma_wait3A_74 = arith.constant 0 : i32
      %dma_wait3A_75 = tpu.memref_slice %arg9[%scan3A_57, %dma_wait3A_74] : memref<32x96xi32, #tpu.memory_space<vmem>> -> memref<1x96xi32, #tpu.memory_space<vmem>>
      %dma_wait3A_76 = tpu.memref_squeeze %dma_wait3A_75 : memref<1x96xi32, #tpu.memory_space<vmem>> -> memref<96xi32, #tpu.memory_space<vmem>>
      %dma_wait3A_77 = arith.constant 0 : i32
      %dma_wait3A_78 = arith.constant 0 : i32
      %dma_wait3A_79 = tpu.memref_slice %arg3[%dma_wait3A_77, %dma_wait3A_78] : memref<10048x16xf32, #tpu.memory_space<hbm>> -> memref<10048x16xf32, #tpu.memory_space<hbm>>
      tpu.wait_indirect_dma semaphore(%arg13 : memref<!tpu.dma_semaphore, #tpu.memory_space<semaphore_mem>>) src(%dma_wait3A_79 : memref<10048x16xf32, #tpu.memory_space<hbm>>) dst(%dma_wait3A_73 : memref<96x16xf32, #tpu.memory_space<vmem>>)
      %ge3A = arith.constant 1 : i32
      %ge3A_80 = arith.cmpi sge, %scan3A_57, %ge3A : i32
      %convert_element_type3A = arith.extui %ge3A_80 : i1 to i32
      %cond3A = arith.constant 0 : i32
      %cond3A_81 = arith.cmpi ne, %convert_element_type3A, %cond3A : i32
      scf.if %cond3A_81 {
        %sub3A = arith.constant 1 : i32
        %sub3A_104 = arith.subi %sub3A, %rem3A_59 : i32
        %sub3A_105 = arith.constant 1 : i32
        %sub3A_106 = arith.subi %scan3A_57, %sub3A_105 : i32
        %dma_wait3A_107 = arith.constant 0 : i32
        %dma_wait3A_108 = arith.constant 0 : i32
        %dma_wait3A_109 = tpu.memref_slice %arg11[%sub3A_104, %dma_wait3A_107, %dma_wait3A_108] : memref<2x96x32xf32, #tpu.memory_space<vmem>> -> memref<1x96x32xf32, #tpu.memory_space<vmem>>
        %dma_wait3A_110 = tpu.memref_squeeze %dma_wait3A_109 : memref<1x96x32xf32, #tpu.memory_space<vmem>> -> memref<96x32xf32, #tpu.memory_space<vmem>>
        %dma_wait3A_111 = arith.constant 0 : i32
        %dma_wait3A_112 = tpu.memref_slice %arg9[%sub3A_106, %dma_wait3A_111] : memref<32x96xi32, #tpu.memory_space<vmem>> -> memref<1x96xi32, #tpu.memory_space<vmem>>
        %dma_wait3A_113 = tpu.memref_squeeze %dma_wait3A_112 : memref<1x96xi32, #tpu.memory_space<vmem>> -> memref<96xi32, #tpu.memory_space<vmem>>
        %dma_wait3A_114 = arith.constant 0 : i32
        %dma_wait3A_115 = arith.constant 0 : i32
        %dma_wait3A_116 = tpu.memref_slice %arg12[%dma_wait3A_114, %dma_wait3A_115] : memref<10048x32xf32, #tpu.memory_space<vmem_shared>> -> memref<10048x32xf32, #tpu.memory_space<vmem_shared>>
        tpu.wait_indirect_dma semaphore(%arg14 : memref<!tpu.dma_semaphore, #tpu.memory_space<semaphore_mem>>) src(%dma_wait3A_110 : memref<96x32xf32, #tpu.memory_space<vmem>>) dst(%dma_wait3A_116 : memref<10048x32xf32, #tpu.memory_space<vmem_shared>>)
      } else {
      }
      %add3A_82 = arith.constant 1 : i32
      %add3A_83 = arith.addi %scan3A_57, %add3A_82 : i32
      %lt3A = arith.constant 32 : i32
      %lt3A_84 = arith.cmpi slt, %add3A_83, %lt3A : i32
      %convert_element_type3A_85 = arith.extui %lt3A_84 : i1 to i32
      %cond3A_86 = arith.constant 0 : i32
      %cond3A_87 = arith.cmpi ne, %convert_element_type3A_85, %cond3A_86 : i32
      scf.if %cond3A_87 {
        %add3A_104 = arith.constant 1 : i32
        %add3A_105 = arith.addi %scan3A_57, %add3A_104 : i32
        %sub3A = arith.constant 1 : i32
        %sub3A_106 = arith.subi %sub3A, %rem3A_59 : i32
        %dma_start3A_107 = arith.constant 0 : i32
        %dma_start3A_108 = arith.constant 0 : i32
        %dma_start3A_109 = tpu.memref_slice %arg11[%sub3A_106, %dma_start3A_107, %dma_start3A_108] : memref<2x96x32xf32, #tpu.memory_space<vmem>> -> memref<1x96x32xf32, #tpu.memory_space<vmem>>
        %dma_start3A_110 = tpu.memref_squeeze %dma_start3A_109 : memref<1x96x32xf32, #tpu.memory_space<vmem>> -> memref<96x32xf32, #tpu.memory_space<vmem>>
        %dma_start3A_111 = arith.constant 0 : i32
        %dma_start3A_112 = tpu.memref_slice %arg8[%add3A_105, %dma_start3A_111] : memref<32x96xi32, #tpu.memory_space<vmem>> -> memref<1x96xi32, #tpu.memory_space<vmem>>
        %dma_start3A_113 = tpu.memref_squeeze %dma_start3A_112 : memref<1x96xi32, #tpu.memory_space<vmem>> -> memref<96xi32, #tpu.memory_space<vmem>>
        %dma_start3A_114 = arith.constant 0 : i32
        %dma_start3A_115 = arith.constant 0 : i32
        %dma_start3A_116 = tpu.memref_slice %arg2[%dma_start3A_114, %dma_start3A_115] : memref<10048x32xf32, #tpu.memory_space<hbm>> -> memref<10048x32xf32, #tpu.memory_space<hbm>>
        tpu.enqueue_indirect_dma source(%dma_start3A_116 : memref<10048x32xf32, #tpu.memory_space<hbm>>) target(%dma_start3A_110 : memref<96x32xf32, #tpu.memory_space<vmem>>) offsets(%dma_start3A_113 : memref<96xi32, #tpu.memory_space<vmem>>) semaphore(%arg13 : memref<!tpu.dma_semaphore, #tpu.memory_space<semaphore_mem>>)
        %add3A_117 = arith.constant 1 : i32
        %add3A_118 = arith.addi %scan3A_57, %add3A_117 : i32
        %sub3A_119 = arith.constant 1 : i32
        %sub3A_120 = arith.subi %sub3A_119, %rem3A_59 : i32
        %dma_start3A_121 = arith.constant 0 : i32
        %dma_start3A_122 = arith.constant 0 : i32
        %dma_start3A_123 = tpu.memref_slice %arg10[%sub3A_120, %dma_start3A_121, %dma_start3A_122] : memref<2x96x16xf32, #tpu.memory_space<vmem>> -> memref<1x96x16xf32, #tpu.memory_space<vmem>>
        %dma_start3A_124 = tpu.memref_squeeze %dma_start3A_123 : memref<1x96x16xf32, #tpu.memory_space<vmem>> -> memref<96x16xf32, #tpu.memory_space<vmem>>
        %dma_start3A_125 = arith.constant 0 : i32
        %dma_start3A_126 = tpu.memref_slice %arg9[%add3A_118, %dma_start3A_125] : memref<32x96xi32, #tpu.memory_space<vmem>> -> memref<1x96xi32, #tpu.memory_space<vmem>>
        %dma_start3A_127 = tpu.memref_squeeze %dma_start3A_126 : memref<1x96xi32, #tpu.memory_space<vmem>> -> memref<96xi32, #tpu.memory_space<vmem>>
        %dma_start3A_128 = arith.constant 0 : i32
        %dma_start3A_129 = arith.constant 0 : i32
        %dma_start3A_130 = tpu.memref_slice %arg3[%dma_start3A_128, %dma_start3A_129] : memref<10048x16xf32, #tpu.memory_space<hbm>> -> memref<10048x16xf32, #tpu.memory_space<hbm>>
        tpu.enqueue_indirect_dma source(%dma_start3A_130 : memref<10048x16xf32, #tpu.memory_space<hbm>>) target(%dma_start3A_124 : memref<96x16xf32, #tpu.memory_space<vmem>>) offsets(%dma_start3A_127 : memref<96xi32, #tpu.memory_space<vmem>>) semaphore(%arg13 : memref<!tpu.dma_semaphore, #tpu.memory_space<semaphore_mem>>)
      } else {
      }
      %scan3A_88 = arith.constant 0 : i32
      %scan3A_89 = arith.constant 0 : i32
      %scan3A_90 = arith.constant 96 : i32
      %scan3A_91 = arith.addi %scan3A_89, %scan3A_90 : i32
      %scan3A_92 = arith.constant 1 : i32
      scf.for %scan3A_104 = %scan3A_89 to %scan3A_91 step %scan3A_92  : i32 {
        %get3A = arith.index_cast %rem3A_59 : i32 to index
        %get3A_105 = arith.index_cast %scan3A_104 : i32 to index
        %get3A_106 = arith.constant 16 : index
        %get3A_107 = tpu.vector_load %arg11[%get3A, %get3A_105, %get3A_106] {strides = array<i32>} : memref<2x96x32xf32, #tpu.memory_space<vmem>>, vector<1x1x16xf32>,
        %get3A_108 = vector.shape_cast %get3A_107 : vector<1x1x16xf32> to vector<16xf32>
        %get3A_109 = arith.index_cast %rem3A_59 : i32 to index
        %get3A_110 = arith.index_cast %scan3A_104 : i32 to index
        %get3A_111 = arith.constant 0 : index
        %get3A_112 = tpu.vector_load %arg10[%get3A_109, %get3A_110, %get3A_111] {strides = array<i32>} : memref<2x96x16xf32, #tpu.memory_space<vmem>>, vector<1x1x16xf32>,
        %get3A_113 = vector.shape_cast %get3A_112 : vector<1x1x16xf32> to vector<16xf32>
        %add3A_114 = arith.addf %get3A_108, %get3A_113 : vector<16xf32>
        %ge3A_115 = arith.constant 0.000000e+00 : f32
        %ge3A_116 = vector.broadcast %ge3A_115 : f32 to vector<16xf32>
        %ge3A_117 = arith.cmpf oge, %add3A_114, %ge3A_116 : vector<16xf32>
        %mul3A_118 = arith.constant 2.000000e-01 : f32
        %mul3A_119 = vector.broadcast %mul3A_118 : f32 to vector<16xf32>
        %mul3A_120 = arith.mulf %mul3A_119, %add3A_114 : vector<16xf32>
        %select_n3A = arith.select %ge3A_117, %add3A_114, %mul3A_120 : vector<16xi1>, vector<16xf32>
        %exp3A = math.exp %select_n3A : vector<16xf32>
        %get3A_121 = arith.index_cast %rem3A_59 : i32 to index
        %get3A_122 = arith.index_cast %scan3A_104 : i32 to index
        %get3A_123 = arith.constant 0 : index
        %get3A_124 = tpu.vector_load %arg11[%get3A_121, %get3A_122, %get3A_123] {strides = array<i32>} : memref<2x96x32xf32, #tpu.memory_space<vmem>>, vector<1x1x16xf32>,
        %get3A_125 = vector.shape_cast %get3A_124 : vector<1x1x16xf32> to vector<16xf32>
        %mul3A_126 = arith.mulf %get3A_125, %exp3A : vector<16xf32>
        %swap3A = arith.index_cast %rem3A_59 : i32 to index
        %swap3A_127 = arith.index_cast %scan3A_104 : i32 to index
        %swap3A_128 = arith.constant 0 : index
        %swap3A_129 = tpu.vector_load %arg11[%swap3A, %swap3A_127, %swap3A_128] {strides = array<i32>} : memref<2x96x32xf32, #tpu.memory_space<vmem>>, vector<1x1x16xf32>,
        %swap3A_130 = vector.shape_cast %swap3A_129 : vector<1x1x16xf32> to vector<16xf32>
        %swap3A_131 = vector.shape_cast %mul3A_126 : vector<16xf32> to vector<1x1x16xf32>
        tpu.vector_store %arg11[%swap3A, %swap3A_127, %swap3A_128], %swap3A_131 {strides = array<i32>} : memref<2x96x32xf32, #tpu.memory_space<vmem>>, vector<1x1x16xf32>,
        %swap3A_132 = arith.index_cast %rem3A_59 : i32 to index
        %swap3A_133 = arith.index_cast %scan3A_104 : i32 to index
        %swap3A_134 = arith.constant 16 : index
        %swap3A_135 = tpu.vector_load %arg11[%swap3A_132, %swap3A_133, %swap3A_134] {strides = array<i32>} : memref<2x96x32xf32, #tpu.memory_space<vmem>>, vector<1x1x16xf32>,
        %swap3A_136 = vector.shape_cast %swap3A_135 : vector<1x1x16xf32> to vector<16xf32>
        %swap3A_137 = vector.shape_cast %exp3A : vector<16xf32> to vector<1x1x16xf32>
        tpu.vector_store %arg11[%swap3A_132, %swap3A_133, %swap3A_134], %swap3A_137 {strides = array<i32>} : memref<2x96x32xf32, #tpu.memory_space<vmem>>, vector<1x1x16xf32>,
      }
      %scan3A_93 = arith.constant 96 : i32
      %dma_start3A_94 = arith.constant 0 : i32
      %dma_start3A_95 = arith.constant 0 : i32
      %dma_start3A_96 = tpu.memref_slice %arg11[%rem3A_59, %dma_start3A_94, %dma_start3A_95] : memref<2x96x32xf32, #tpu.memory_space<vmem>> -> memref<1x96x32xf32, #tpu.memory_space<vmem>>
      %dma_start3A_97 = tpu.memref_squeeze %dma_start3A_96 : memref<1x96x32xf32, #tpu.memory_space<vmem>> -> memref<96x32xf32, #tpu.memory_space<vmem>>
      %dma_start3A_98 = arith.constant 0 : i32
      %dma_start3A_99 = tpu.memref_slice %arg9[%scan3A_57, %dma_start3A_98] : memref<32x96xi32, #tpu.memory_space<vmem>> -> memref<1x96xi32, #tpu.memory_space<vmem>>
      %dma_start3A_100 = tpu.memref_squeeze %dma_start3A_99 : memref<1x96xi32, #tpu.memory_space<vmem>> -> memref<96xi32, #tpu.memory_space<vmem>>
      %dma_start3A_101 = arith.constant 0 : i32
      %dma_start3A_102 = arith.constant 0 : i32
      %dma_start3A_103 = tpu.memref_slice %arg12[%dma_start3A_101, %dma_start3A_102] : memref<10048x32xf32, #tpu.memory_space<vmem_shared>> -> memref<10048x32xf32, #tpu.memory_space<vmem_shared>>
      tpu.enqueue_indirect_dma source(%dma_start3A_97 : memref<96x32xf32, #tpu.memory_space<vmem>>) target(%dma_start3A_103 : memref<10048x32xf32, #tpu.memory_space<vmem_shared>>) offsets(%dma_start3A_100 : memref<96xi32, #tpu.memory_space<vmem>>) semaphore(%arg14 : memref<!tpu.dma_semaphore, #tpu.memory_space<semaphore_mem>>) {add = true}
    }
    %scan3A_36 = arith.constant 32 : i32
    %rem3A = arith.constant 31 : i32
    %rem3A_37 = arith.constant 2 : i32
    %rem3A_38 = arith.remsi %rem3A, %rem3A_37 : i32
    %dma_wait3A = arith.constant 31 : i32
    %dma_wait3A_39 = arith.constant 0 : i32
    %dma_wait3A_40 = arith.constant 0 : i32
    %dma_wait3A_41 = tpu.memref_slice %arg11[%rem3A_38, %dma_wait3A_39, %dma_wait3A_40] : memref<2x96x32xf32, #tpu.memory_space<vmem>> -> memref<1x96x32xf32, #tpu.memory_space<vmem>>
    %dma_wait3A_42 = tpu.memref_squeeze %dma_wait3A_41 : memref<1x96x32xf32, #tpu.memory_space<vmem>> -> memref<96x32xf32, #tpu.memory_space<vmem>>
    %dma_wait3A_43 = arith.constant 0 : i32
    %dma_wait3A_44 = tpu.memref_slice %arg9[%dma_wait3A, %dma_wait3A_43] : memref<32x96xi32, #tpu.memory_space<vmem>> -> memref<1x96xi32, #tpu.memory_space<vmem>>
    %dma_wait3A_45 = tpu.memref_squeeze %dma_wait3A_44 : memref<1x96xi32, #tpu.memory_space<vmem>> -> memref<96xi32, #tpu.memory_space<vmem>>
    %dma_wait3A_46 = arith.constant 0 : i32
    %dma_wait3A_47 = arith.constant 0 : i32
    %dma_wait3A_48 = tpu.memref_slice %arg12[%dma_wait3A_46, %dma_wait3A_47] : memref<10048x32xf32, #tpu.memory_space<vmem_shared>> -> memref<10048x32xf32, #tpu.memory_space<vmem_shared>>
    tpu.wait_indirect_dma semaphore(%arg14 : memref<!tpu.dma_semaphore, #tpu.memory_space<semaphore_mem>>) src(%dma_wait3A_42 : memref<96x32xf32, #tpu.memory_space<vmem>>) dst(%dma_wait3A_48 : memref<10048x32xf32, #tpu.memory_space<vmem_shared>>)
    %barrier3A_49 = arith.constant 0 : index
    tpu.barrier barrier_id(%barrier3A_49)
    %mul3A_50 = arith.constant 628 : i32
    %mul3A_51 = arith.muli %arg1, %mul3A_50 : i32
    %mul3A_52 = arith.constant 10048 : i32
    %mul3A_53 = arith.muli %arg0, %mul3A_52 : i32
    %mul3A_54 = arith.constant 628 : i32
    %mul3A_55 = arith.muli %arg1, %mul3A_54 : i32
    %add3A_56 = arith.addi %mul3A_53, %mul3A_55 : i32
    "tpu.region"() ({
      %run_scoped3A = tpu.sem_alloc : memref<!tpu.dma_semaphore, #tpu.memory_space<semaphore_mem>>
      %dma_start3A_57 = arith.constant 0 : i32
      %dma_start3A_58 = tpu.memref_slice %arg7[%add3A_56, %dma_start3A_57] : memref<20096x32xf32, #tpu.memory_space<hbm>> -> memref<628x32xf32, #tpu.memory_space<hbm>>
      %dma_start3A_59 = arith.constant 0 : i32
      %dma_start3A_60 = tpu.memref_slice %arg12[%mul3A_51, %dma_start3A_59] : memref<10048x32xf32, #tpu.memory_space<vmem_shared>> -> memref<628x32xf32, #tpu.memory_space<vmem_shared>>
      tpu.enqueue_dma source(%dma_start3A_60 : memref<628x32xf32, #tpu.memory_space<vmem_shared>>) target(%dma_start3A_58 : memref<628x32xf32, #tpu.memory_space<hbm>>) target_semaphore(%run_scoped3A : memref<!tpu.dma_semaphore, #tpu.memory_space<semaphore_mem>>)
      %dma_wait3A_61 = arith.constant 0 : i32
      %dma_wait3A_62 = tpu.memref_slice %arg7[%add3A_56, %dma_wait3A_61] : memref<20096x32xf32, #tpu.memory_space<hbm>> -> memref<628x32xf32, #tpu.memory_space<hbm>>
      %dma_wait3A_63 = arith.constant 0 : i32
      %dma_wait3A_64 = tpu.memref_slice %arg12[%mul3A_51, %dma_wait3A_63] : memref<10048x32xf32, #tpu.memory_space<vmem_shared>> -> memref<628x32xf32, #tpu.memory_space<vmem_shared>>
      tpu.wait_dma2 semaphore(%run_scoped3A : memref<!tpu.dma_semaphore, #tpu.memory_space<semaphore_mem>>) src(%dma_wait3A_64 : memref<628x32xf32, #tpu.memory_space<vmem_shared>>) dst(%dma_wait3A_62 : memref<628x32xf32, #tpu.memory_space<hbm>>)
      tpu.yield
    }) : () -> ()
    return
  }
}

module attributes {stable_mosaic.version = 14 : i64} {
  func.func @_tc_msg_body(%arg0: i32, %arg1: memref<512x16xf32, #tpu.memory_space<vmem>>, %arg2: memref<512x16xf32, #tpu.memory_space<vmem>>, %arg3: memref<16x128xf32, #tpu.memory_space<vmem>>, %arg4: memref<1x128xf32, #tpu.memory_space<vmem>>, %arg5: memref<2048x128xf32, #tpu.memory_space<vmem>>, %arg6: memref<16x128xf32, #tpu.memory_space<vmem>>, %arg7: memref<512x144xf32, #tpu.memory_space<vmem>>) attributes {dimension_semantics = [#tpu.dimension_semantics<arbitrary>], iteration_bounds = array<i64: 157>, scalar_prefetch = 0 : i64, scratch_operands = 0 : i64, tpu.core_type = #tpu.core_type<tc>, window_params = [{transform_indices = @transform_0, window_bounds = array<i64: 512, 16>}, {transform_indices = @transform_1, window_bounds = array<i64: 512, 16>}, {pipeline_mode = #tpu.pipeline_mode<synchronous>, transform_indices = @transform_2, window_bounds = array<i64: 16, 128>}, {pipeline_mode = #tpu.pipeline_mode<synchronous>, transform_indices = @transform_3, window_bounds = array<i64: 1, 128>}, {pipeline_mode = #tpu.pipeline_mode<synchronous>, transform_indices = @transform_4, window_bounds = array<i64: 2048, 128>}, {pipeline_mode = #tpu.pipeline_mode<synchronous>, transform_indices = @transform_5, window_bounds = array<i64: 16, 128>}, {transform_indices = @transform_6, window_bounds = array<i64: 512, 144>}]} {
    %get3A = arith.constant 0 : index
    %get3A_0 = arith.constant 0 : index
    %get3A_1 = vector.load %arg1[%get3A, %get3A_0] : memref<512x16xf32, #tpu.memory_space<vmem>>, vector<512x16xf32>
    %get3A_2 = arith.constant 0 : index
    %get3A_3 = arith.constant 0 : index
    %get3A_4 = vector.load %arg3[%get3A_2, %get3A_3] : memref<16x128xf32, #tpu.memory_space<vmem>>, vector<16x128xf32>
    %dot_general3A = arith.constant dense<0.000000e+00> : vector<512x128xf32>
    %dot_general3A_5 = tpu.matmul %get3A_1, %get3A_4, %dot_general3A {dimension_numbers = #tpu.dot_dimension_numbers<[1], [0], [0], [1], [0, 0, 1, 1], [], []>, transpose_lhs_hint = false} : vector<512x16xf32>, vector<16x128xf32>, vector<512x128xf32> -> vector<512x128xf32>
    %get3A_6 = arith.constant 0 : index
    %get3A_7 = arith.constant 0 : index
    %get3A_8 = vector.load %arg4[%get3A_6, %get3A_7] : memref<1x128xf32, #tpu.memory_space<vmem>>, vector<1x128xf32>
    %add3A = vector.broadcast %get3A_8 : vector<1x128xf32> to vector<512x128xf32>
    %add3A_9 = arith.addf %dot_general3A_5, %add3A : vector<512x128xf32>
    %max3A = arith.constant 0.000000e+00 : f32
    %max3A_10 = vector.broadcast %max3A : f32 to vector<512x128xf32>
    %max3A_11 = arith.maximumf %add3A_9, %max3A_10 : vector<512x128xf32>
    %get3A_12 = arith.constant 0 : index
    %get3A_13 = arith.constant 0 : index
    %get3A_14 = vector.load %arg2[%get3A_12, %get3A_13] : memref<512x16xf32, #tpu.memory_space<vmem>>, vector<512x16xf32>
    %slice3A = vector.extract_strided_slice %get3A_14 {offsets = [0, 0], sizes = [512, 1], strides = [1, 1]} : vector<512x16xf32> to vector<512x1xf32>
    %mul3A = vector.broadcast %slice3A : vector<512x1xf32> to vector<512x128xf32>
    %mul3A_15 = arith.mulf %mul3A, %max3A_11 : vector<512x128xf32>
    %slice3A_16 = vector.extract_strided_slice %get3A_14 {offsets = [0, 1], sizes = [512, 1], strides = [1, 1]} : vector<512x16xf32> to vector<512x1xf32>
    %mul3A_17 = vector.broadcast %slice3A_16 : vector<512x1xf32> to vector<512x128xf32>
    %mul3A_18 = arith.mulf %mul3A_17, %max3A_11 : vector<512x128xf32>
    %slice3A_19 = vector.extract_strided_slice %get3A_14 {offsets = [0, 2], sizes = [512, 1], strides = [1, 1]} : vector<512x16xf32> to vector<512x1xf32>
    %mul3A_20 = vector.broadcast %slice3A_19 : vector<512x1xf32> to vector<512x128xf32>
    %mul3A_21 = arith.mulf %mul3A_20, %max3A_11 : vector<512x128xf32>
    %slice3A_22 = vector.extract_strided_slice %get3A_14 {offsets = [0, 3], sizes = [512, 1], strides = [1, 1]} : vector<512x16xf32> to vector<512x1xf32>
    %mul3A_23 = vector.broadcast %slice3A_22 : vector<512x1xf32> to vector<512x128xf32>
    %mul3A_24 = arith.mulf %mul3A_23, %max3A_11 : vector<512x128xf32>
    %slice3A_25 = vector.extract_strided_slice %get3A_14 {offsets = [0, 4], sizes = [512, 1], strides = [1, 1]} : vector<512x16xf32> to vector<512x1xf32>
    %mul3A_26 = vector.broadcast %slice3A_25 : vector<512x1xf32> to vector<512x128xf32>
    %mul3A_27 = arith.mulf %mul3A_26, %max3A_11 : vector<512x128xf32>
    %slice3A_28 = vector.extract_strided_slice %get3A_14 {offsets = [0, 5], sizes = [512, 1], strides = [1, 1]} : vector<512x16xf32> to vector<512x1xf32>
    %mul3A_29 = vector.broadcast %slice3A_28 : vector<512x1xf32> to vector<512x128xf32>
    %mul3A_30 = arith.mulf %mul3A_29, %max3A_11 : vector<512x128xf32>
    %slice3A_31 = vector.extract_strided_slice %get3A_14 {offsets = [0, 6], sizes = [512, 1], strides = [1, 1]} : vector<512x16xf32> to vector<512x1xf32>
    %mul3A_32 = vector.broadcast %slice3A_31 : vector<512x1xf32> to vector<512x128xf32>
    %mul3A_33 = arith.mulf %mul3A_32, %max3A_11 : vector<512x128xf32>
    %slice3A_34 = vector.extract_strided_slice %get3A_14 {offsets = [0, 7], sizes = [512, 1], strides = [1, 1]} : vector<512x16xf32> to vector<512x1xf32>
    %mul3A_35 = vector.broadcast %slice3A_34 : vector<512x1xf32> to vector<512x128xf32>
    %mul3A_36 = arith.mulf %mul3A_35, %max3A_11 : vector<512x128xf32>
    %slice3A_37 = vector.extract_strided_slice %get3A_14 {offsets = [0, 8], sizes = [512, 1], strides = [1, 1]} : vector<512x16xf32> to vector<512x1xf32>
    %mul3A_38 = vector.broadcast %slice3A_37 : vector<512x1xf32> to vector<512x128xf32>
    %mul3A_39 = arith.mulf %mul3A_38, %max3A_11 : vector<512x128xf32>
    %slice3A_40 = vector.extract_strided_slice %get3A_14 {offsets = [0, 9], sizes = [512, 1], strides = [1, 1]} : vector<512x16xf32> to vector<512x1xf32>
    %mul3A_41 = vector.broadcast %slice3A_40 : vector<512x1xf32> to vector<512x128xf32>
    %mul3A_42 = arith.mulf %mul3A_41, %max3A_11 : vector<512x128xf32>
    %slice3A_43 = vector.extract_strided_slice %get3A_14 {offsets = [0, 10], sizes = [512, 1], strides = [1, 1]} : vector<512x16xf32> to vector<512x1xf32>
    %mul3A_44 = vector.broadcast %slice3A_43 : vector<512x1xf32> to vector<512x128xf32>
    %mul3A_45 = arith.mulf %mul3A_44, %max3A_11 : vector<512x128xf32>
    %slice3A_46 = vector.extract_strided_slice %get3A_14 {offsets = [0, 11], sizes = [512, 1], strides = [1, 1]} : vector<512x16xf32> to vector<512x1xf32>
    %mul3A_47 = vector.broadcast %slice3A_46 : vector<512x1xf32> to vector<512x128xf32>
    %mul3A_48 = arith.mulf %mul3A_47, %max3A_11 : vector<512x128xf32>
    %slice3A_49 = vector.extract_strided_slice %get3A_14 {offsets = [0, 12], sizes = [512, 1], strides = [1, 1]} : vector<512x16xf32> to vector<512x1xf32>
    %mul3A_50 = vector.broadcast %slice3A_49 : vector<512x1xf32> to vector<512x128xf32>
    %mul3A_51 = arith.mulf %mul3A_50, %max3A_11 : vector<512x128xf32>
    %slice3A_52 = vector.extract_strided_slice %get3A_14 {offsets = [0, 13], sizes = [512, 1], strides = [1, 1]} : vector<512x16xf32> to vector<512x1xf32>
    %mul3A_53 = vector.broadcast %slice3A_52 : vector<512x1xf32> to vector<512x128xf32>
    %mul3A_54 = arith.mulf %mul3A_53, %max3A_11 : vector<512x128xf32>
    %slice3A_55 = vector.extract_strided_slice %get3A_14 {offsets = [0, 14], sizes = [512, 1], strides = [1, 1]} : vector<512x16xf32> to vector<512x1xf32>
    %mul3A_56 = vector.broadcast %slice3A_55 : vector<512x1xf32> to vector<512x128xf32>
    %mul3A_57 = arith.mulf %mul3A_56, %max3A_11 : vector<512x128xf32>
    %slice3A_58 = vector.extract_strided_slice %get3A_14 {offsets = [0, 15], sizes = [512, 1], strides = [1, 1]} : vector<512x16xf32> to vector<512x1xf32>
    %mul3A_59 = vector.broadcast %slice3A_58 : vector<512x1xf32> to vector<512x128xf32>
    %mul3A_60 = arith.mulf %mul3A_59, %max3A_11 : vector<512x128xf32>
    %concatenate3A = tpu.concatenate %mul3A_15, %mul3A_18, %mul3A_21, %mul3A_24, %mul3A_27, %mul3A_30, %mul3A_33, %mul3A_36, %mul3A_39, %mul3A_42, %mul3A_45, %mul3A_48, %mul3A_51, %mul3A_54, %mul3A_57, %mul3A_60 in 1 : vector<512x128xf32>, vector<512x128xf32>, vector<512x128xf32>, vector<512x128xf32>, vector<512x128xf32>, vector<512x128xf32>, vector<512x128xf32>, vector<512x128xf32>, vector<512x128xf32>, vector<512x128xf32>, vector<512x128xf32>, vector<512x128xf32>, vector<512x128xf32>, vector<512x128xf32>, vector<512x128xf32>, vector<512x128xf32> -> vector<512x2048xf32>
    %get3A_61 = arith.constant 0 : index
    %get3A_62 = arith.constant 0 : index
    %get3A_63 = vector.load %arg5[%get3A_61, %get3A_62] : memref<2048x128xf32, #tpu.memory_space<vmem>>, vector<2048x128xf32>
    %dot_general3A_64 = arith.constant dense<0.000000e+00> : vector<512x128xf32>
    %dot_general3A_65 = tpu.matmul %concatenate3A, %get3A_63, %dot_general3A_64 {dimension_numbers = #tpu.dot_dimension_numbers<[1], [0], [0], [1], [0, 0, 1, 1], [], []>, transpose_lhs_hint = false} : vector<512x2048xf32>, vector<2048x128xf32>, vector<512x128xf32> -> vector<512x128xf32>
    %get3A_66 = arith.constant 0 : index
    %get3A_67 = arith.constant 0 : index
    %get3A_68 = vector.load %arg6[%get3A_66, %get3A_67] : memref<16x128xf32, #tpu.memory_space<vmem>>, vector<16x128xf32>
    %dot_general3A_69 = arith.constant dense<0.000000e+00> : vector<512x128xf32>
    %dot_general3A_70 = tpu.matmul %get3A_14, %get3A_68, %dot_general3A_69 {dimension_numbers = #tpu.dot_dimension_numbers<[1], [0], [0], [1], [0, 0, 1, 1], [], []>, transpose_lhs_hint = false} : vector<512x16xf32>, vector<16x128xf32>, vector<512x128xf32> -> vector<512x128xf32>
    %add3A_71 = arith.addf %dot_general3A_65, %dot_general3A_70 : vector<512x128xf32>
    %broadcast_in_dim3A = arith.constant 1.000000e+00 : f32
    %broadcast_in_dim3A_72 = vector.broadcast %broadcast_in_dim3A : f32 to vector<512x1xf32>
    %broadcast_in_dim3A_73 = arith.constant 0.000000e+00 : f32
    %broadcast_in_dim3A_74 = vector.broadcast %broadcast_in_dim3A_73 : f32 to vector<512x15xf32>
    %concatenate3A_75 = tpu.concatenate %add3A_71, %broadcast_in_dim3A_72, %broadcast_in_dim3A_74 in 1 : vector<512x128xf32>, vector<512x1xf32>, vector<512x15xf32> -> vector<512x144xf32>
    %swap3A = arith.constant 0 : index
    %swap3A_76 = arith.constant 0 : index
    %swap3A_77 = vector.load %arg7[%swap3A, %swap3A_76] : memref<512x144xf32, #tpu.memory_space<vmem>>, vector<512x144xf32>
    tpu.vector_store %arg7[%swap3A, %swap3A_76], %concatenate3A_75 {strides = array<i32>} : memref<512x144xf32, #tpu.memory_space<vmem>>, vector<512x144xf32>,
    return
  }
  func.func @transform_0(%arg0: i32) -> (i32, i32) {
    %c0_i32 = arith.constant 0 : i32
    %c0_i32_0 = arith.constant 0 : i32
    return %arg0, %c0_i32 : i32, i32
  }
  func.func @transform_1(%arg0: i32) -> (i32, i32) {
    %c0_i32 = arith.constant 0 : i32
    %c0_i32_0 = arith.constant 0 : i32
    return %arg0, %c0_i32 : i32, i32
  }
  func.func @transform_2(%arg0: i32) -> (i32, i32) {
    %c0_i32 = arith.constant 0 : i32
    %c0_i32_0 = arith.constant 0 : i32
    %c0_i32_1 = arith.constant 0 : i32
    return %c0_i32, %c0_i32_0 : i32, i32
  }
  func.func @transform_3(%arg0: i32) -> (i32, i32) {
    %c0_i32 = arith.constant 0 : i32
    %c0_i32_0 = arith.constant 0 : i32
    %c0_i32_1 = arith.constant 0 : i32
    return %c0_i32, %c0_i32_0 : i32, i32
  }
  func.func @transform_4(%arg0: i32) -> (i32, i32) {
    %c0_i32 = arith.constant 0 : i32
    %c0_i32_0 = arith.constant 0 : i32
    %c0_i32_1 = arith.constant 0 : i32
    return %c0_i32, %c0_i32_0 : i32, i32
  }
  func.func @transform_5(%arg0: i32) -> (i32, i32) {
    %c0_i32 = arith.constant 0 : i32
    %c0_i32_0 = arith.constant 0 : i32
    %c0_i32_1 = arith.constant 0 : i32
    return %c0_i32, %c0_i32_0 : i32, i32
  }
  func.func @transform_6(%arg0: i32) -> (i32, i32) {
    %c0_i32 = arith.constant 0 : i32
    %c0_i32_0 = arith.constant 0 : i32
    return %arg0, %c0_i32 : i32, i32
  }
}

module attributes {stable_mosaic.version = 14 : i64} {
  func.func @_tc_h_gat1_body(%arg0: i32, %arg1: memref<2x2512x144xf32, #tpu.memory_space<vmem>>, %arg2: memref<2512x16xf32, #tpu.memory_space<vmem>>, %arg3: memref<16x128xf32, #tpu.memory_space<vmem>>, %arg4: memref<1x128xf32, #tpu.memory_space<vmem>>, %arg5: memref<128x128xf32, #tpu.memory_space<vmem>>, %arg6: memref<128x16xf32, #tpu.memory_space<vmem>>, %arg7: memref<128x16xf32, #tpu.memory_space<vmem>>, %arg8: memref<2512x144xf32, #tpu.memory_space<vmem>>, %arg9: memref<2512x16xf32, #tpu.memory_space<vmem>>) attributes {dimension_semantics = [#tpu.dimension_semantics<arbitrary>], iteration_bounds = array<i64: 4>, scalar_prefetch = 0 : i64, scratch_operands = 0 : i64, tpu.core_type = #tpu.core_type<tc>, window_params = [{transform_indices = @transform_0, window_bounds = array<i64: 2, 2512, 144>}, {transform_indices = @transform_1, window_bounds = array<i64: 2512, 16>}, {pipeline_mode = #tpu.pipeline_mode<synchronous>, transform_indices = @transform_2, window_bounds = array<i64: 16, 128>}, {pipeline_mode = #tpu.pipeline_mode<synchronous>, transform_indices = @transform_3, window_bounds = array<i64: 1, 128>}, {pipeline_mode = #tpu.pipeline_mode<synchronous>, transform_indices = @transform_4, window_bounds = array<i64: 128, 128>}, {pipeline_mode = #tpu.pipeline_mode<synchronous>, transform_indices = @transform_5, window_bounds = array<i64: 128, 16>}, {pipeline_mode = #tpu.pipeline_mode<synchronous>, transform_indices = @transform_6, window_bounds = array<i64: 128, 16>}, {transform_indices = @transform_7, window_bounds = array<i64: 2512, 144>}, {transform_indices = @transform_8, window_bounds = array<i64: 2512, 16>}]} {
    %get3A = arith.constant 0 : index
    %get3A_0 = arith.constant 0 : index
    %get3A_1 = arith.constant 0 : index
    %get3A_2 = vector.load %arg1[%get3A, %get3A_0, %get3A_1] : memref<2x2512x144xf32, #tpu.memory_space<vmem>>, vector<1x2512x144xf32>
    %get3A_3 = vector.shape_cast %get3A_2 : vector<1x2512x144xf32> to vector<2512x144xf32>
    %get3A_4 = arith.constant 1 : index
    %get3A_5 = arith.constant 0 : index
    %get3A_6 = arith.constant 0 : index
    %get3A_7 = vector.load %arg1[%get3A_4, %get3A_5, %get3A_6] : memref<2x2512x144xf32, #tpu.memory_space<vmem>>, vector<1x2512x144xf32>
    %get3A_8 = vector.shape_cast %get3A_7 : vector<1x2512x144xf32> to vector<2512x144xf32>
    %add3A = arith.addf %get3A_3, %get3A_8 : vector<2512x144xf32>
    %slice3A = vector.extract_strided_slice %add3A {offsets = [0, 128], sizes = [2512, 1], strides = [1, 1]} : vector<2512x144xf32> to vector<2512x1xf32>
    %max3A = arith.constant 1.000000e+00 : f32
    %max3A_9 = vector.broadcast %max3A : f32 to vector<2512x1xf32>
    %max3A_10 = arith.maximumf %slice3A, %max3A_9 : vector<2512x1xf32>
    %slice3A_11 = vector.extract_strided_slice %add3A {offsets = [0, 0], sizes = [2512, 128], strides = [1, 1]} : vector<2512x144xf32> to vector<2512x128xf32>
    %div3A = vector.broadcast %max3A_10 : vector<2512x1xf32> to vector<2512x128xf32>
    %div3A_12 = arith.divf %slice3A_11, %div3A : vector<2512x128xf32>
    %get3A_13 = arith.constant 0 : index
    %get3A_14 = arith.constant 0 : index
    %get3A_15 = vector.load %arg2[%get3A_13, %get3A_14] : memref<2512x16xf32, #tpu.memory_space<vmem>>, vector<2512x16xf32>
    %get3A_16 = arith.constant 0 : index
    %get3A_17 = arith.constant 0 : index
    %get3A_18 = vector.load %arg3[%get3A_16, %get3A_17] : memref<16x128xf32, #tpu.memory_space<vmem>>, vector<16x128xf32>
    %dot_general3A = arith.constant dense<0.000000e+00> : vector<2512x128xf32>
    %dot_general3A_19 = tpu.matmul %get3A_15, %get3A_18, %dot_general3A {dimension_numbers = #tpu.dot_dimension_numbers<[1], [0], [0], [1], [0, 0, 1, 1], [], []>, transpose_lhs_hint = false} : vector<2512x16xf32>, vector<16x128xf32>, vector<2512x128xf32> -> vector<2512x128xf32>
    %add3A_20 = arith.addf %div3A_12, %dot_general3A_19 : vector<2512x128xf32>
    %get3A_21 = arith.constant 0 : index
    %get3A_22 = arith.constant 0 : index
    %get3A_23 = vector.load %arg4[%get3A_21, %get3A_22] : memref<1x128xf32, #tpu.memory_space<vmem>>, vector<1x128xf32>
    %add3A_24 = vector.broadcast %get3A_23 : vector<1x128xf32> to vector<2512x128xf32>
    %add3A_25 = arith.addf %add3A_20, %add3A_24 : vector<2512x128xf32>
    %max3A_26 = arith.constant 0.000000e+00 : f32
    %max3A_27 = vector.broadcast %max3A_26 : f32 to vector<2512x128xf32>
    %max3A_28 = arith.maximumf %add3A_25, %max3A_27 : vector<2512x128xf32>
    %get3A_29 = arith.constant 0 : index
    %get3A_30 = arith.constant 0 : index
    %get3A_31 = vector.load %arg5[%get3A_29, %get3A_30] : memref<128x128xf32, #tpu.memory_space<vmem>>, vector<128x128xf32>
    %dot_general3A_32 = arith.constant dense<0.000000e+00> : vector<2512x128xf32>
    %dot_general3A_33 = tpu.matmul %max3A_28, %get3A_31, %dot_general3A_32 {dimension_numbers = #tpu.dot_dimension_numbers<[1], [0], [0], [1], [0, 0, 1, 1], [], []>, transpose_lhs_hint = false} : vector<2512x128xf32>, vector<128x128xf32>, vector<2512x128xf32> -> vector<2512x128xf32>
    %get3A_34 = arith.constant 0 : index
    %get3A_35 = arith.constant 0 : index
    %get3A_36 = vector.load %arg6[%get3A_34, %get3A_35] : memref<128x16xf32, #tpu.memory_space<vmem>>, vector<128x16xf32>
    %dot_general3A_37 = arith.constant dense<0.000000e+00> : vector<2512x16xf32>
    %dot_general3A_38 = tpu.matmul %dot_general3A_33, %get3A_36, %dot_general3A_37 {dimension_numbers = #tpu.dot_dimension_numbers<[1], [0], [0], [1], [0, 0, 1, 1], [], []>, transpose_lhs_hint = false} : vector<2512x128xf32>, vector<128x16xf32>, vector<2512x16xf32> -> vector<2512x16xf32>
    %concatenate3A = tpu.concatenate %dot_general3A_33, %dot_general3A_38 in 1 : vector<2512x128xf32>, vector<2512x16xf32> -> vector<2512x144xf32>
    %swap3A = arith.constant 0 : index
    %swap3A_39 = arith.constant 0 : index
    %swap3A_40 = vector.load %arg8[%swap3A, %swap3A_39] : memref<2512x144xf32, #tpu.memory_space<vmem>>, vector<2512x144xf32>
    tpu.vector_store %arg8[%swap3A, %swap3A_39], %concatenate3A {strides = array<i32>} : memref<2512x144xf32, #tpu.memory_space<vmem>>, vector<2512x144xf32>,
    %get3A_41 = arith.constant 0 : index
    %get3A_42 = arith.constant 0 : index
    %get3A_43 = vector.load %arg7[%get3A_41, %get3A_42] : memref<128x16xf32, #tpu.memory_space<vmem>>, vector<128x16xf32>
    %dot_general3A_44 = arith.constant dense<0.000000e+00> : vector<2512x16xf32>
    %dot_general3A_45 = tpu.matmul %dot_general3A_33, %get3A_43, %dot_general3A_44 {dimension_numbers = #tpu.dot_dimension_numbers<[1], [0], [0], [1], [0, 0, 1, 1], [], []>, transpose_lhs_hint = false} : vector<2512x128xf32>, vector<128x16xf32>, vector<2512x16xf32> -> vector<2512x16xf32>
    %swap3A_46 = arith.constant 0 : index
    %swap3A_47 = arith.constant 0 : index
    %swap3A_48 = vector.load %arg9[%swap3A_46, %swap3A_47] : memref<2512x16xf32, #tpu.memory_space<vmem>>, vector<2512x16xf32>
    tpu.vector_store %arg9[%swap3A_46, %swap3A_47], %dot_general3A_45 {strides = array<i32>} : memref<2512x16xf32, #tpu.memory_space<vmem>>, vector<2512x16xf32>,
    return
  }
  func.func @transform_0(%arg0: i32) -> (i32, i32, i32) {
    %c0_i32 = arith.constant 0 : i32
    %c0_i32_0 = arith.constant 0 : i32
    %c0_i32_1 = arith.constant 0 : i32
    return %c0_i32, %arg0, %c0_i32_0 : i32, i32, i32
  }
  func.func @transform_1(%arg0: i32) -> (i32, i32) {
    %c0_i32 = arith.constant 0 : i32
    %c0_i32_0 = arith.constant 0 : i32
    return %arg0, %c0_i32 : i32, i32
  }
  func.func @transform_2(%arg0: i32) -> (i32, i32) {
    %c0_i32 = arith.constant 0 : i32
    %c0_i32_0 = arith.constant 0 : i32
    %c0_i32_1 = arith.constant 0 : i32
    return %c0_i32, %c0_i32_0 : i32, i32
  }
  func.func @transform_3(%arg0: i32) -> (i32, i32) {
    %c0_i32 = arith.constant 0 : i32
    %c0_i32_0 = arith.constant 0 : i32
    %c0_i32_1 = arith.constant 0 : i32
    return %c0_i32, %c0_i32_0 : i32, i32
  }
  func.func @transform_4(%arg0: i32) -> (i32, i32) {
    %c0_i32 = arith.constant 0 : i32
    %c0_i32_0 = arith.constant 0 : i32
    %c0_i32_1 = arith.constant 0 : i32
    return %c0_i32, %c0_i32_0 : i32, i32
  }
  func.func @transform_5(%arg0: i32) -> (i32, i32) {
    %c0_i32 = arith.constant 0 : i32
    %c0_i32_0 = arith.constant 0 : i32
    %c0_i32_1 = arith.constant 0 : i32
    return %c0_i32, %c0_i32_0 : i32, i32
  }
  func.func @transform_6(%arg0: i32) -> (i32, i32) {
    %c0_i32 = arith.constant 0 : i32
    %c0_i32_0 = arith.constant 0 : i32
    %c0_i32_1 = arith.constant 0 : i32
    return %c0_i32, %c0_i32_0 : i32, i32
  }
  func.func @transform_7(%arg0: i32) -> (i32, i32) {
    %c0_i32 = arith.constant 0 : i32
    %c0_i32_0 = arith.constant 0 : i32
    return %arg0, %c0_i32 : i32, i32
  }
  func.func @transform_8(%arg0: i32) -> (i32, i32) {
    %c0_i32 = arith.constant 0 : i32
    %c0_i32_0 = arith.constant 0 : i32
    return %arg0, %c0_i32 : i32, i32
  }
}

module attributes {stable_mosaic.version = 14 : i64} {
  func.func @_tc_gat2_prep_body(%arg0: i32, %arg1: memref<2x2512x144xf32, #tpu.memory_space<vmem>>, %arg2: memref<1x128xf32, #tpu.memory_space<vmem>>, %arg3: memref<128x16xf32, #tpu.memory_space<vmem>>, %arg4: memref<16x16xf32, #tpu.memory_space<vmem>>, %arg5: memref<16x16xf32, #tpu.memory_space<vmem>>, %arg6: memref<2512x32xf32, #tpu.memory_space<vmem>>, %arg7: memref<2512x16xf32, #tpu.memory_space<vmem>>) attributes {dimension_semantics = [#tpu.dimension_semantics<arbitrary>], iteration_bounds = array<i64: 4>, scalar_prefetch = 0 : i64, scratch_operands = 0 : i64, tpu.core_type = #tpu.core_type<tc>, window_params = [{transform_indices = @transform_0, window_bounds = array<i64: 2, 2512, 144>}, {pipeline_mode = #tpu.pipeline_mode<synchronous>, transform_indices = @transform_1, window_bounds = array<i64: 1, 128>}, {pipeline_mode = #tpu.pipeline_mode<synchronous>, transform_indices = @transform_2, window_bounds = array<i64: 128, 16>}, {pipeline_mode = #tpu.pipeline_mode<synchronous>, transform_indices = @transform_3, window_bounds = array<i64: 16, 16>}, {pipeline_mode = #tpu.pipeline_mode<synchronous>, transform_indices = @transform_4, window_bounds = array<i64: 16, 16>}, {transform_indices = @transform_5, window_bounds = array<i64: 2512, 32>}, {transform_indices = @transform_6, window_bounds = array<i64: 2512, 16>}]} {
    %get3A = arith.constant 0 : index
    %get3A_0 = arith.constant 0 : index
    %get3A_1 = arith.constant 0 : index
    %get3A_2 = vector.load %arg1[%get3A, %get3A_0, %get3A_1] : memref<2x2512x144xf32, #tpu.memory_space<vmem>>, vector<1x2512x144xf32>
    %get3A_3 = vector.shape_cast %get3A_2 : vector<1x2512x144xf32> to vector<2512x144xf32>
    %get3A_4 = arith.constant 1 : index
    %get3A_5 = arith.constant 0 : index
    %get3A_6 = arith.constant 0 : index
    %get3A_7 = vector.load %arg1[%get3A_4, %get3A_5, %get3A_6] : memref<2x2512x144xf32, #tpu.memory_space<vmem>>, vector<1x2512x144xf32>
    %get3A_8 = vector.shape_cast %get3A_7 : vector<1x2512x144xf32> to vector<2512x144xf32>
    %add3A = arith.addf %get3A_3, %get3A_8 : vector<2512x144xf32>
    %slice3A = vector.extract_strided_slice %add3A {offsets = [0, 0], sizes = [2512, 128], strides = [1, 1]} : vector<2512x144xf32> to vector<2512x128xf32>
    %slice3A_9 = vector.extract_strided_slice %add3A {offsets = [0, 128], sizes = [2512, 8], strides = [1, 1]} : vector<2512x144xf32> to vector<2512x8xf32>
    %tile3A = tpu.concatenate %slice3A_9, %slice3A_9, %slice3A_9, %slice3A_9, %slice3A_9, %slice3A_9, %slice3A_9, %slice3A_9, %slice3A_9, %slice3A_9, %slice3A_9, %slice3A_9, %slice3A_9, %slice3A_9, %slice3A_9, %slice3A_9 in 1 : vector<2512x8xf32>, vector<2512x8xf32>, vector<2512x8xf32>, vector<2512x8xf32>, vector<2512x8xf32>, vector<2512x8xf32>, vector<2512x8xf32>, vector<2512x8xf32>, vector<2512x8xf32>, vector<2512x8xf32>, vector<2512x8xf32>, vector<2512x8xf32>, vector<2512x8xf32>, vector<2512x8xf32>, vector<2512x8xf32>, vector<2512x8xf32> -> vector<2512x128xf32>
    %add3A_10 = arith.constant 1.000000e-16 : f32
    %add3A_11 = vector.broadcast %add3A_10 : f32 to vector<2512x128xf32>
    %add3A_12 = arith.addf %tile3A, %add3A_11 : vector<2512x128xf32>
    %div3A = arith.divf %slice3A, %add3A_12 : vector<2512x128xf32>
    %get3A_13 = arith.constant 0 : index
    %get3A_14 = arith.constant 0 : index
    %get3A_15 = vector.load %arg2[%get3A_13, %get3A_14] : memref<1x128xf32, #tpu.memory_space<vmem>>, vector<1x128xf32>
    %add3A_16 = vector.broadcast %get3A_15 : vector<1x128xf32> to vector<2512x128xf32>
    %add3A_17 = arith.addf %div3A, %add3A_16 : vector<2512x128xf32>
    %gt3A = arith.constant 0.000000e+00 : f32
    %gt3A_18 = vector.broadcast %gt3A : f32 to vector<2512x128xf32>
    %gt3A_19 = arith.cmpf ogt, %add3A_17, %gt3A_18 : vector<2512x128xf32>
    %min3A = arith.constant 0.000000e+00 : f32
    %min3A_20 = vector.broadcast %min3A : f32 to vector<2512x128xf32>
    %min3A_21 = arith.minimumf %add3A_17, %min3A_20 : vector<2512x128xf32>
    %exp3A = math.exp %min3A_21 : vector<2512x128xf32>
    %sub3A = arith.constant 1.000000e+00 : f32
    %sub3A_22 = vector.broadcast %sub3A : f32 to vector<2512x128xf32>
    %sub3A_23 = arith.subf %exp3A, %sub3A_22 : vector<2512x128xf32>
    %select_n3A = arith.select %gt3A_19, %add3A_17, %sub3A_23 : vector<2512x128xi1>, vector<2512x128xf32>
    %get3A_24 = arith.constant 0 : index
    %get3A_25 = arith.constant 0 : index
    %get3A_26 = vector.load %arg3[%get3A_24, %get3A_25] : memref<128x16xf32, #tpu.memory_space<vmem>>, vector<128x16xf32>
    %dot_general3A = arith.constant dense<0.000000e+00> : vector<2512x16xf32>
    %dot_general3A_27 = tpu.matmul %select_n3A, %get3A_26, %dot_general3A {dimension_numbers = #tpu.dot_dimension_numbers<[1], [0], [0], [1], [0, 0, 1, 1], [], []>, transpose_lhs_hint = false} : vector<2512x128xf32>, vector<128x16xf32>, vector<2512x16xf32> -> vector<2512x16xf32>
    %get3A_28 = arith.constant 0 : index
    %get3A_29 = arith.constant 0 : index
    %get3A_30 = vector.load %arg4[%get3A_28, %get3A_29] : memref<16x16xf32, #tpu.memory_space<vmem>>, vector<16x16xf32>
    %dot_general3A_31 = arith.constant dense<0.000000e+00> : vector<2512x16xf32>
    %dot_general3A_32 = tpu.matmul %dot_general3A_27, %get3A_30, %dot_general3A_31 {dimension_numbers = #tpu.dot_dimension_numbers<[1], [0], [0], [1], [0, 0, 1, 1], [], []>, transpose_lhs_hint = false} : vector<2512x16xf32>, vector<16x16xf32>, vector<2512x16xf32> -> vector<2512x16xf32>
    %concatenate3A = tpu.concatenate %dot_general3A_27, %dot_general3A_32 in 1 : vector<2512x16xf32>, vector<2512x16xf32> -> vector<2512x32xf32>
    %swap3A = arith.constant 0 : index
    %swap3A_33 = arith.constant 0 : index
    %swap3A_34 = vector.load %arg6[%swap3A, %swap3A_33] : memref<2512x32xf32, #tpu.memory_space<vmem>>, vector<2512x32xf32>
    tpu.vector_store %arg6[%swap3A, %swap3A_33], %concatenate3A {strides = array<i32>} : memref<2512x32xf32, #tpu.memory_space<vmem>>, vector<2512x32xf32>,
    %get3A_35 = arith.constant 0 : index
    %get3A_36 = arith.constant 0 : index
    %get3A_37 = vector.load %arg5[%get3A_35, %get3A_36] : memref<16x16xf32, #tpu.memory_space<vmem>>, vector<16x16xf32>
    %dot_general3A_38 = arith.constant dense<0.000000e+00> : vector<2512x16xf32>
    %dot_general3A_39 = tpu.matmul %dot_general3A_27, %get3A_37, %dot_general3A_38 {dimension_numbers = #tpu.dot_dimension_numbers<[1], [0], [0], [1], [0, 0, 1, 1], [], []>, transpose_lhs_hint = false} : vector<2512x16xf32>, vector<16x16xf32>, vector<2512x16xf32> -> vector<2512x16xf32>
    %swap3A_40 = arith.constant 0 : index
    %swap3A_41 = arith.constant 0 : index
    %swap3A_42 = vector.load %arg7[%swap3A_40, %swap3A_41] : memref<2512x16xf32, #tpu.memory_space<vmem>>, vector<2512x16xf32>
    tpu.vector_store %arg7[%swap3A_40, %swap3A_41], %dot_general3A_39 {strides = array<i32>} : memref<2512x16xf32, #tpu.memory_space<vmem>>, vector<2512x16xf32>,
    return
  }
  func.func @transform_0(%arg0: i32) -> (i32, i32, i32) {
    %c0_i32 = arith.constant 0 : i32
    %c0_i32_0 = arith.constant 0 : i32
    %c0_i32_1 = arith.constant 0 : i32
    return %c0_i32, %arg0, %c0_i32_0 : i32, i32, i32
  }
  func.func @transform_1(%arg0: i32) -> (i32, i32) {
    %c0_i32 = arith.constant 0 : i32
    %c0_i32_0 = arith.constant 0 : i32
    %c0_i32_1 = arith.constant 0 : i32
    return %c0_i32, %c0_i32_0 : i32, i32
  }
  func.func @transform_2(%arg0: i32) -> (i32, i32) {
    %c0_i32 = arith.constant 0 : i32
    %c0_i32_0 = arith.constant 0 : i32
    %c0_i32_1 = arith.constant 0 : i32
    return %c0_i32, %c0_i32_0 : i32, i32
  }
  func.func @transform_3(%arg0: i32) -> (i32, i32) {
    %c0_i32 = arith.constant 0 : i32
    %c0_i32_0 = arith.constant 0 : i32
    %c0_i32_1 = arith.constant 0 : i32
    return %c0_i32, %c0_i32_0 : i32, i32
  }
  func.func @transform_4(%arg0: i32) -> (i32, i32) {
    %c0_i32 = arith.constant 0 : i32
    %c0_i32_0 = arith.constant 0 : i32
    %c0_i32_1 = arith.constant 0 : i32
    return %c0_i32, %c0_i32_0 : i32, i32
  }
  func.func @transform_5(%arg0: i32) -> (i32, i32) {
    %c0_i32 = arith.constant 0 : i32
    %c0_i32_0 = arith.constant 0 : i32
    return %arg0, %c0_i32 : i32, i32
  }
  func.func @transform_6(%arg0: i32) -> (i32, i32) {
    %c0_i32 = arith.constant 0 : i32
    %c0_i32_0 = arith.constant 0 : i32
    return %arg0, %c0_i32 : i32, i32
  }
}

module attributes {stable_mosaic.version = 14 : i64} {
  func.func @_tc_final_body(%arg0: i32, %arg1: memref<2x2512x32xf32, #tpu.memory_space<vmem>>, %arg2: memref<1x16xf32, #tpu.memory_space<vmem>>, %arg3: memref<2512x16xf32, #tpu.memory_space<vmem>>) attributes {dimension_semantics = [#tpu.dimension_semantics<arbitrary>], iteration_bounds = array<i64: 4>, scalar_prefetch = 0 : i64, scratch_operands = 0 : i64, tpu.core_type = #tpu.core_type<tc>, window_params = [{transform_indices = @transform_0, window_bounds = array<i64: 2, 2512, 32>}, {pipeline_mode = #tpu.pipeline_mode<synchronous>, transform_indices = @transform_1, window_bounds = array<i64: 1, 16>}, {transform_indices = @transform_2, window_bounds = array<i64: 2512, 16>}]} {
    %get3A = arith.constant 0 : index
    %get3A_0 = arith.constant 0 : index
    %get3A_1 = arith.constant 0 : index
    %get3A_2 = vector.load %arg1[%get3A, %get3A_0, %get3A_1] : memref<2x2512x32xf32, #tpu.memory_space<vmem>>, vector<1x2512x32xf32>
    %get3A_3 = vector.shape_cast %get3A_2 : vector<1x2512x32xf32> to vector<2512x32xf32>
    %get3A_4 = arith.constant 1 : index
    %get3A_5 = arith.constant 0 : index
    %get3A_6 = arith.constant 0 : index
    %get3A_7 = vector.load %arg1[%get3A_4, %get3A_5, %get3A_6] : memref<2x2512x32xf32, #tpu.memory_space<vmem>>, vector<1x2512x32xf32>
    %get3A_8 = vector.shape_cast %get3A_7 : vector<1x2512x32xf32> to vector<2512x32xf32>
    %add3A = arith.addf %get3A_3, %get3A_8 : vector<2512x32xf32>
    %slice3A = vector.extract_strided_slice %add3A {offsets = [0, 0], sizes = [2512, 16], strides = [1, 1]} : vector<2512x32xf32> to vector<2512x16xf32>
    %slice3A_9 = vector.extract_strided_slice %add3A {offsets = [0, 16], sizes = [2512, 1], strides = [1, 1]} : vector<2512x32xf32> to vector<2512x1xf32>
    %add3A_10 = arith.constant 1.000000e-16 : f32
    %add3A_11 = vector.broadcast %add3A_10 : f32 to vector<2512x1xf32>
    %add3A_12 = arith.addf %slice3A_9, %add3A_11 : vector<2512x1xf32>
    %div3A = vector.broadcast %add3A_12 : vector<2512x1xf32> to vector<2512x16xf32>
    %div3A_13 = arith.divf %slice3A, %div3A : vector<2512x16xf32>
    %get3A_14 = arith.constant 0 : index
    %get3A_15 = arith.constant 0 : index
    %get3A_16 = vector.load %arg2[%get3A_14, %get3A_15] : memref<1x16xf32, #tpu.memory_space<vmem>>, vector<1x16xf32>
    %add3A_17 = vector.broadcast %get3A_16 : vector<1x16xf32> to vector<2512x16xf32>
    %add3A_18 = arith.addf %div3A_13, %add3A_17 : vector<2512x16xf32>
    %reduce_max3A = arith.constant dense<0xFF800000> : vector<2512xf32>
    %reduce_max3A_19 = vector.multi_reduction <maximumf>, %add3A_18, %reduce_max3A [1] : vector<2512x16xf32> to vector<2512xf32>
    %broadcast_in_dim3A = vector.shape_cast %reduce_max3A_19 : vector<2512xf32> to vector<2512x1xf32>
    %sub3A = vector.broadcast %broadcast_in_dim3A : vector<2512x1xf32> to vector<2512x16xf32>
    %sub3A_20 = arith.subf %add3A_18, %sub3A : vector<2512x16xf32>
    %exp3A = math.exp %sub3A_20 : vector<2512x16xf32>
    %reduce_sum3A = arith.constant dense<0.000000e+00> : vector<2512xf32>
    %reduce_sum3A_21 = vector.multi_reduction <add>, %exp3A, %reduce_sum3A [1] : vector<2512x16xf32> to vector<2512xf32>
    %broadcast_in_dim3A_22 = vector.shape_cast %reduce_sum3A_21 : vector<2512xf32> to vector<2512x1xf32>
    %log3A = math.log %broadcast_in_dim3A_22 : vector<2512x1xf32>
    %sub3A_23 = vector.broadcast %log3A : vector<2512x1xf32> to vector<2512x16xf32>
    %sub3A_24 = arith.subf %sub3A_20, %sub3A_23 : vector<2512x16xf32>
    %swap3A = arith.constant 0 : index
    %swap3A_25 = arith.constant 0 : index
    %swap3A_26 = vector.load %arg3[%swap3A, %swap3A_25] : memref<2512x16xf32, #tpu.memory_space<vmem>>, vector<2512x16xf32>
    tpu.vector_store %arg3[%swap3A, %swap3A_25], %sub3A_24 {strides = array<i32>} : memref<2512x16xf32, #tpu.memory_space<vmem>>, vector<2512x16xf32>,
    return
  }
  func.func @transform_0(%arg0: i32) -> (i32, i32, i32) {
    %c0_i32 = arith.constant 0 : i32
    %c0_i32_0 = arith.constant 0 : i32
    %c0_i32_1 = arith.constant 0 : i32
    return %c0_i32, %arg0, %c0_i32_0 : i32, i32, i32
  }
  func.func @transform_1(%arg0: i32) -> (i32, i32) {
    %c0_i32 = arith.constant 0 : i32
    %c0_i32_0 = arith.constant 0 : i32
    %c0_i32_1 = arith.constant 0 : i32
    return %c0_i32, %c0_i32_0 : i32, i32
  }
  func.func @transform_2(%arg0: i32) -> (i32, i32) {
    %c0_i32 = arith.constant 0 : i32
    %c0_i32_0 = arith.constant 0 : i32
    return %arg0, %c0_i32 : i32, i32
  }
}

</mosaic_0001>

<sc_bundles>
// kernel: kernel.10.cloned.1.call-start
scs
__scs_entry_jumppad:
0x0: {  	(pc) =	sbr.rel $0x88, $3  }
0x1: {  	(tag) =	ssettag $0x0;
	lr =	simm.s32 $0x1  }
0x2: {  	[smem:$0x3F90] =	sst lr;
	_ =	strace $0xD0000000  }
0x3: {  	_ = 	snop  }
0x4: {  	_ = 	snop  }
0x5: {  	_ = 	snop  }
0x6: {  	_ = 	snop  }
0x7: {  	_ = 	snop  }
__scs_overlays_trampoline_lowered:
0x8: {  	[smem:$0x3F9F] =	sst s0  }
0x9: {  	[smem:$0x3FA0] =	sst s1  }
0xa: {  	[smem:$0x3FA1] =	sst s2  }
0xb: {  	[smem:$0x3FA2] =	sst s3  }
0xc: {  	[smem:$0x3FA3] =	sst s4  }
0xd: {  	[smem:$0x3FA4] =	sst s5  }
0xe: {  	[smem:$0x3FA5] =	sst s6  }
0xf: {  	[smem:$0x3FA6] =	sst s7  }
0x10: {  	[smem:$0x3FA7] =	sst s8  }
0x11: {  	[smem:$0x3FA8] =	sst s9;
	s0 =	simm.s32 @!p0 $0x0  }
0x12: {  	s1 =	sld [smem:$0x3F8E];
	s0 =	simm.s32 @p0 $0x1  }
0x13: {  	[smem:$0x3FA9] =	sst s0;
	s0 =	simm.s32 @!p1 $0x0  }
0x14: {  	s2 =	sld [smem:$0x3F8D];
	s0 =	simm.s32 @p1 $0x1  }
0x15: {  	[smem:$0x3FAA] =	sst s0;
	s0 =	simm.s32 @!p2 $0x0  }
0x16: {  	s3 =	sld [smem:$0x3FDB];
	s0 =	simm.s32 @p2 $0x1  }
0x17: {  	s4 =	simm.s32 $0x1BF5;
	[smem:$0x3FAC] =	sst s0  }
0x18: {  	s0 =	sld [smem:$0x3F8F];
	_ =	swait.ge [sflag:s4], $0x0  }
0x19: {  	s7 =	sld [smem:$0x3F90]  }
0x1a: {  	s8 =	sadd.s32 $0xFFFFE003, lr  }
0x1b: {  	s9 =	sadd.s32 $0xFFFFFEF7, lr;
	s5 =	simm.s32 $0xFFFFFFFF;
	p2 =	slt.u32 s8, $0xFFFFF086  }
0x1c: {  	p1 =	slt.u32 s9, $0xF7A;
	s5 =	simm.s32 @!p2 $0x0  }
0x1d: {  	s5 =	simm.s32 @p1 $0x1;
	p0 =	seq.s32 s7, s2  }
0x1e: {  	s7 =	smul.u32 @!p0 $0xF7A, s2;
	p2 =	seq.s32 @!p0 s5, $0x0  }
0x1f: {  	s9 =	smul.u32 $0xF7A, s1;
	s8 =	simm.s32 @!p0 $0x1BF5;
	p2 =	por !p2, p0  }
0x20: {  	[sflag:s8] =	ssyncset.s32 @!p0 $0xFFFFF086;
	s6 =	sadd.s32 @!p0 s3, s7;
	s7 =	simm.s32 @!p0 $0x108  }
0x21: {  	s3 =	sadd.s32 s3, s9;
	s6 =	sadd.s32 @!p0 $0x88, s6;
	s7 =	simm.s32 @p2 $0x1082  }
0x22: {  	[simem:s7], [sflag:s8] =	dma.local @!p0 [hbm:s6], $0xF7A  }
0x23: {  	s9 =	sor.u32 $0xD0000000, s2;
	s6 =	simm.s32 $0x108;
	_ =	swait.ge @!p0 [sflag:s8], $0x0  }
0x24: {  	s3 =	sadd.s32 $0x88, s3;
	s6 =	simm.s32 @!p1 $0x1082;
	[sflag:s4] =	ssyncset.s32 $0xFFFFF086  }
0x25: {  	[simem:s6], [sflag:s4] =	dma.local [hbm:s3], $0xF7A  }
0x26: {  	[smem:$0x3F90] =	sst s1;
	(tag) =	ssettag s2;
	_ =	strace s9  }
0x27: {  	s1 =	sld [smem:$0x3FA0]  }
0x28: {  	s2 =	sld [smem:$0x3FA1]  }
0x29: {  	s4 =	sld [smem:$0x3FA3]  }
0x2a: {  	p0 =	seq.s32 s5, $0x0;
	s5 =	sld [smem:$0x3FA4]  }
0x2b: {  	s6 =	sld [smem:$0x3FA5]  }
0x2c: {  	s7 =	sld [smem:$0x3FA6]  }
0x2d: {  	s3 =	simm.s32 $0x108;
	s8 =	sld [smem:$0x3FA7]  }
0x2e: {  	s3 =	simm.s32 @!p0 $0x1082;
	s9 =	sld [smem:$0x3FA8]  }
0x2f: {  	lr =	sadd.s32 s0, s3;
	s0 =	sld [smem:$0x3F9F]  }
0x30: {  	s3 =	sld [smem:$0x3FA2]  }
0x31: {  	[smem:$0x3FAB] =	sst s10  }
0x32: {  	s10 =	sld [smem:$0x3FA9];
	_ =	sdelay $0x3  }
0x33: {  	p0 =	seq.s32 s10, $0x1;
	s10 =	sld [smem:$0x3FAB];
	_ =	sdelay $0x3  }
0x34: {  	[smem:$0x3FAB] =	sst s10  }
0x35: {  	s10 =	sld [smem:$0x3FAA];
	_ =	sdelay $0x3  }
0x36: {  	p1 =	seq.s32 s10, $0x1;
	s10 =	sld [smem:$0x3FAB];
	_ =	sdelay $0x3  }
0x37: {  	[smem:$0x3FAB] =	sst s10  }
0x38: {  	s10 =	sld [smem:$0x3FAC]  }
0x39: {  	_ = 	snop;
	(pc) =	sbr.ind lr, $3  }
0x3a: {  	_ = 	snop  }
0x3b: {  	_ = 	snop  }
0x3c: {  	p2 =	seq.s32 s10, $0x1;
	s10 =	sld [smem:$0x3FAB]  }
0x3d: {  	_ =	shalt  }
0x3e: {  	_ =	shalt  }
0x3f: {  	_ =	shalt  }
0x40: {  	_ =	shalt  }
0x41: {  	_ =	shalt  }
0x42: {  	_ =	shalt  }
0x43: {  	_ =	shalt  }
0x44: {  	_ =	shalt  }
0x45: {  	_ =	shalt  }
0x46: {  	_ =	shalt  }
0x47: {  	_ =	shalt  }
0x48: {  	_ =	shalt  }
0x49: {  	_ =	shalt  }
0x4a: {  	_ =	shalt  }
0x4b: {  	_ =	shalt  }
0x4c: {  	_ =	shalt  }
0x4d: {  	_ =	shalt  }
0x4e: {  	_ =	shalt  }
0x4f: {  	_ =	shalt  }
0x50: {  	_ =	shalt  }
0x51: {  	_ =	shalt  }
0x52: {  	_ =	shalt  }
0x53: {  	_ =	shalt  }
0x54: {  	_ =	shalt  }
0x55: {  	_ =	shalt  }
0x56: {  	_ =	shalt  }
0x57: {  	_ =	shalt  }
0x58: {  	_ =	shalt  }
0x59: {  	_ =	shalt  }
0x5a: {  	_ =	shalt  }
0x5b: {  	_ =	shalt  }
0x5c: {  	_ =	shalt  }
0x5d: {  	_ =	shalt  }
0x5e: {  	_ =	shalt  }
0x5f: {  	_ =	shalt  }
0x60: {  	_ =	shalt  }
0x61: {  	_ =	shalt  }
0x62: {  	_ =	shalt  }
0x63: {  	_ =	shalt  }
0x64: {  	_ =	shalt  }
0x65: {  	_ =	shalt  }
0x66: {  	_ =	shalt  }
0x67: {  	_ =	shalt  }
0x68: {  	_ =	shalt  }
0x69: {  	_ =	shalt  }
0x6a: {  	_ =	shalt  }
0x6b: {  	_ =	shalt  }
0x6c: {  	_ =	shalt  }
0x6d: {  	_ =	shalt  }
0x6e: {  	_ =	shalt  }
0x6f: {  	_ =	shalt  }
0x70: {  	_ =	shalt  }
0x71: {  	_ =	shalt  }
0x72: {  	_ =	shalt  }
0x73: {  	_ =	shalt  }
0x74: {  	_ =	shalt  }
0x75: {  	_ =	shalt  }
0x76: {  	_ =	shalt  }
0x77: {  	_ =	shalt  }
0x78: {  	_ =	shalt  }
0x79: {  	_ =	shalt  }
0x7a: {  	_ =	shalt  }
0x7b: {  	_ =	shalt  }
0x7c: {  	_ =	shalt  }
0x7d: {  	_ =	shalt  }
0x7e: {  	_ =	shalt  }
0x7f: {  	_ =	shalt  }
0x80: {  	_ =	shalt  }
0x81: {  	_ =	shalt  }
0x82: {  	_ =	shalt  }
0x83: {  	_ =	shalt  }
0x84: {  	_ =	shalt  }
0x85: {  	_ =	shalt  }
0x86: {  	_ =	shalt  }
0x87: {  	_ =	shalt  }
.Lfunc_end0:
.L_simem_size_0:
called_computation_lowered:
.L_overlay_start_0:
0x88: {  	s2 =	sld [smem:$0x3FD9]  }
0x89: {  	s3 =	sld [smem:$0x3FFE];
	_ =	sdelay $0x1  }
0x8a: {  	s1 =	srdreg.scid  }
0x8b: {  	s0 =	sand.u32 $0x1, s1  }
0x8c: {  	s17 =	sshll.u32 s0, $0xA;
	s2 =	sadd.s32 s3, s2  }
0x8d: {  	s2 =	sadd.s32 s2, s17  }
0x8e: {  	[smem:$0x3FB7] =	sst s2  }
0x8f: {  	_ = 	snop  }
0x90: {  	s2 =	sld [smem:$0x3FD0];
	(tm) =	ssettm $0x1  }
0x91: {  	s18 =	sld [smem:$0x3FFB];
	_ =	sdelay $0x3  }
0x92: {  	_ =	strace s18  }
0x93: {  	s3 =	sld [smem:$0x3FFC];
	_ =	sdelay $0x3  }
0x94: {  	_ =	strace s3  }
0x95: {  	s3 =	sld [smem:$0x3FFD];
	_ =	sdelay $0x3  }
0x96: {  	_ =	strace s3  }
0x97: {  	_ =	strace $0x8FFFFFFF  }
0x98: {  	s19 =	sld [smem:$0x3FDB];
	_ =	sdelay $0x1  }
0x99: {  	s4 =	simm.s32 $_scs_section_size  }
0x9a: {  	s5 =	simm.s32 $_size__tile_overlayer_lowered;
	s6 =	simm.s32 $_tile_overlayer_lowered  }
0x9b: {  	s22 =	simm.s32 $0x1BFF;
	s21 =	sshll.u32 s6, $0x1;
	s3 =	sadd.s32 s4, s19  }
0x9c: {  	s7 =	simm.s32 $0x0;
	s20 =	sshll.u32 s5, $0x1;
	s5 =	sadd.s32 s21, s3  }
0x9d: {  	[timem:s7], [sflag:s22] =	dma.local [hbm:s5], s20  }
0x9e: {  	_ =	swait.ge [sflag:s22], s20  }
0x9f: {  	s4 =	ssub.s32 $0x0, s20;
	[sflag:s22] =	ssyncset.done $0x0  }
0xa0: {  	[sflag:s22] =	ssyncadd.s32 s4;
	_ =	sdelay $0x1  }
0xa1: {  	s23 =	simm.s32 $0x1B8B  }
0xa2: {  	_ =	swait.ge [sflag:s23], $0x1  }
0xa3: {  	[sflag:s23] =	ssyncset.done $0x0  }
0xa4: {  	s25 =	simm.s32 $0x1B8E;
	s24 =	sld [smem:$0x3FFE];
	[sflag:s23] =	ssyncadd.s32 $0xFFFFFFFF  }
0xa5: {  	s26 =	simm.s32 $execute0_lowered;
	[smem:$0x3FD2] =	sst s25  }
0xa6: {  	s5 =	sshll.u32 s26, $0x1;
	_ =	strace $0x80000046;
	[dreg:$0x1] =	wrdreg $0xFFFFFFFF  }
0xa7: {  	s28 =	simm.s32 $_size_execute0_lowered;
	s3 =	sadd.s32 s3, s5;
	[dreg:$0x0] =	wrdreg $0x0  }
0xa8: {  	s5 =	sshll.u32 s28, $0x1;
	[dreg:$0x2] =	wrdreg s3  }
0xa9: {  	[dreg:$0x3] =	wrdreg s5  }
0xaa: {  	[dreg:$0x4] =	wrdreg $0xC0  }
0xab: {  	_ =	task [dreg:s7], $0x5FFFF  }
0xac: {  	[dreg:$0x1] =	wrdreg $0xFFFFFFFF  }
0xad: {  	[dreg:$0x0] =	wrdreg $0x60  }
0xae: {  	[dreg:$0x2] =	wrdreg s2  }
0xaf: {  	[dreg:$0x3] =	wrdreg s24  }
0xb0: {  	[dreg:$0x4] =	wrdreg $0x9  }
0xb1: {  	_ =	task.clear_ibuf [dreg:s7], $0x5FFFF;
	_ =	strace $0x90000046  }
0xb2: {  	s29 =	simm.s32 $0x9;
	_ =	strace $0x80000048  }
0xb3: {  	_ =	swait.ge [sflag:s29], $0x1  }
0xb4: {  	[sflag:s29] =	ssyncadd.s32 $0xFFFFFFFF  }
0xb5: {  	_ =	strace $0x90000048  }
0xb6: {  	_ =	sfence  }
0xb7: {  	s30 =	sld [smem:$0x0];
	_ =	sdelay $0x2  }
0xb8: {  	s31 =	sshll.u32 s1, $0xD;
	s1 =	sshrl.u32 s1, $0x2  }
0xb9: {  	s3 =	sand.u32 $0x4000, s31;
	s1 =	sadd.s32 s1, s30  }
0xba: {  	s0 =	sor.u32 s3, s0;
	s1 =	sshll.u32 s1, $0x11  }
0xbb: {  	s0 =	sor.u32 s1, s0  }
0xbc: {  	s0 =	sadd.s32 $0x8F2B, s0  }
0xbd: {  	[sflag:s0] =	ssyncadd.remote.s32 $0x1  }
0xbe: {  	_ =	sfence.sel $0xFFFF  }
0xbf: {  	[dreg:$0x0] =	wrdreg $0xFFFFFFFF;
	(pc) =	sbr.abs _section_cstart, $3  }
0xc0: {  	[dreg:$0x1] =	wrdreg $0xFFFFFFFF  }
0xc1: {  	_ =	task.clear_ibuf [dreg:s7], $0x2FFFF;
	_ =	strace $0x9FFFFFFF  }
0xc2: {  	(tm) =	ssettm $0x7FFFFFFF  }
0xc3: {  	_ =	shalt  }
tec
execute0_lowered:
.L_overlay_start_1:
0x0: {  	(tag) =	ssettag $0x1  }
0x1: {  	s1 =	srdreg.scid;
	s2 =	rddreg [dreg:$0x0]  }
0x2: {  	s0 =	stileid.u32;
	s5 =	rddreg [dreg:$0x1]  }
0x3: {  	s3 =	simm.s32 $0x0;
	s11 =	simm.s32 $0xC0;
	s12 =	simm.s32 $0x1800  }
0x4: {  	s13 =	simm.s32 $0x1;
	s14 =	simm.s32 $0x0;
	s4 =	sand.u32 $0x1, s1  }
0x5: {  	s28 =	sshll.u32 s0, $0x1;
	s1 =	rddreg [dreg:$0x2];
	s7 =	smul.u32 $0x3000, s0  }
0x6: {  	[smem:$0x7FF] =	sst s3;
	s6 =	sor.u32 s4, s28;
	s10 =	smul.u32 $0x1800, s4  }
0x7: {  	s8 =	ssub.s32 $0x2, s4;
	_ =	strace $0x80000047;
	s6 =	smul.u32 $0x180, s6  }
0x8: {  	s9 =	sshrl.u32 s8, $0x1;
	s30 =	sadd.s32 s7, s5;
	s7 =	simm.s32 $0x2  }
0x9: {  	s31 =	ssub.s32 s8, s9;
	s8 =	simm.s32 $0x60;
	s9 =	simm.s32 $0xC00  }
0xa: {  	s29 =	sadd.s32 s6, s5;
	s5 =	smax.u32 s31, $0x1;
	s6 =	sadd.s32 s10, s30  }
0xb: {  	s10 =	simm.s32 $0x1200;
	s4 =	sadd.s32 $0x30000, s29;
	s6 =	sadd.s32 $0x33000, s6  }
.LBB2_1:
0xc: {  	[tilespmem:s3], [sflag:$0x2] =	stream.linear.gather [hbm4b:s4+s3], $0xC00, $0x38;
	[tilespmem:$0x1800] =	vst v63  }
0xd: {  	_ =	swait.ge [sflag:s7], $0xC00  }
0xe: {  	p0 =	por $0x0, $0x0;
	[sflag:s7] =	ssyncset.done $0x0  }
0xf: {  	s17 =	sand.u32 $0x3, s3;
	s15 =	simm.s32 @!p0 $0xFFFFFFFF;
	[sflag:s7] =	ssyncadd.s32 $0xFFFFF400  }
0x10: {  	[tilespmem:s9], [sflag:$0x1] =	stream.indirect.gather [hbm4b:s2+s8], $0x10, s3, s8, $0xb8;
	[tilespmem:$0x1800] =	vst v63  }
0x11: {  	s17 =	smul.u32 $0x1800, s17;
	s15 =	sand.u32 @!p0 $0x3, s15  }
0x12: {  	[tilespmem:s10], [sflag:$0x1] =	stream.indirect.gather [hbm4b:s2+s8], $0x10, s8, s8, $0xb8;
	[tilespmem:$0x1800] =	vst v63  }
0x13: {  	s15 =	smul.u32 @!p0 $0x1800, s15  }
0x14: {  	[tilespmem:s12], [sflag:$0x1] =	stream.indirect.gather [hbm4b:s2+s8], $0x10, s11, s8, $0xb8;
	[tilespmem:$0x1800] =	vst v63  }
0x15: {  	s16 =	simm.s32 $0x120;
	s18 =	simm.s32 @!p0 $0x60;
	_ =	swait.ge [sflag:s13], $0x600  }
0x16: {  	s31 =	sshrl.u32 s17, $0x2;
	s15 =	sshrl.u32 @!p0 s15, $0x2;
	[sflag:s13] =	ssyncset.done $0x0  }
0x17: {  	s17 =	simm.s32 $0x1;
	s15 =	sadd.s32 @!p0 $0xC00, s15;
	[sflag:s13] =	ssyncadd.s32 $0xFFFFFA00  }
0x18: {  	[tilespmem:s15], [sflag:$0x1] =	stream.indirect.gather @!p0 [hbm4b:s2+s18], $0x10, s16, s18, $0xb8;
	[tilespmem:$0x1800] =	vst v63  }
0x19: {  	s15 =	sadd.s32 $0xC00, s31;
	s18 =	simm.s32 $0x2;
	p0 =	por $0x0, $0x0  }
0x1a: {  	[hbm4b:s6+s3] =	stream.linear.scatter [tilespmem:s15], [sflag:$0x2], $0x600, $0x38;
	[tilespmem:$0x1800] =	vst v63  }
0x1b: {  	s16 =	simm.s32 $0x180;
	s15 =	sadd.s32 $0xC0, s6;
	_ =	swait.ge [sflag:s7], $0x600  }
.LBB2_2:
0x1c: {  	s19 =	sadd.s32 @!p0 $0xFFFFFFFF, s17;
	[sflag:s7] =	ssyncset.done $0x0  }
0x1d: {  	s20 =	smov.u32 s18;
	s18 =	sadd.s32 $0x1, s18;
	s21 =	smov.u32 s15  }
0x1e: {  	p1 =	sne.s32 s18, $0x20;
	s19 =	sand.u32 @!p0 $0x3, s19;
	[sflag:s7] =	ssyncadd.s32 $0xFFFFFA00  }
0x1f: {  	s19 =	smul.u32 @!p0 $0x1800, s19  }
0x20: {  	s22 =	sand.u32 $0x3, s17;
	s17 =	smov.u32 s20;
	_ =	swait.ge [sflag:s13], $0x600  }
0x21: {  	s20 =	smul.u32 $0x1800, s22;
	[sflag:s13] =	ssyncset.done $0x0;
	s19 =	sshrl.u32 @!p0 s19, $0x2  }
0x22: {  	s22 =	simm.s32 @!p0 $0x60;
	[sflag:s13] =	ssyncadd.s32 $0xFFFFFA00;
	s19 =	sadd.s32 @!p0 $0xC00, s19  }
0x23: {  	[tilespmem:s19], [sflag:$0x1] =	stream.indirect.gather @!p0 [hbm4b:s2+s22], $0x10, s16, s22, $0xb8;
	[tilespmem:$0x1800] =	vst v63  }
.Ltmp0:
0x24: {  	_ = 	snop;
	(pc) =	sbr.rel @p1 .LBB2_2-.Ltmp0, $4  }
0x25: {  	s19 =	sshrl.u32 s20, $0x2  }
0x26: {  	s15 =	sadd.s32 $0xC0, s15;
	s19 =	sadd.s32 $0xC00, s19  }
0x27: {  	[hbm4b:s21+s3] =	stream.linear.scatter [tilespmem:s19], [sflag:$0x2], $0x600, $0x38;
	[tilespmem:$0x1800] =	vst v63  }
0x28: {  	p0 =	sgt.u32 s17, $0x1C;
	s16 =	sadd.s32 $0x60, s16;
	_ =	swait.ge [sflag:s7], $0x600  }
0x29: {  	s18 =	sadd.s32 @!p0 $0xFFFFFFFF, s17  }
0x2a: {  	[sflag:s7] =	ssyncset.done $0x0;
	s18 =	sand.u32 @!p0 $0x3, s18  }
0x2b: {  	[sflag:s7] =	ssyncadd.s32 $0xFFFFFA00;
	s18 =	smul.u32 @!p0 $0x1800, s18  }
0x2c: {  	s30 =	sand.u32 $0x3, s17;
	s19 =	simm.s32 @!p0 $0x60;
	_ =	swait.ge [sflag:s13], $0x600  }
0x2d: {  	s14 =	sadd.s32 $0x1, s14;
	[sflag:s13] =	ssyncset.done $0x0;
	s18 =	sshrl.u32 @!p0 s18, $0x2  }
0x2e: {  	s17 =	smul.u32 $0x1800, s30;
	[sflag:s13] =	ssyncadd.s32 $0xFFFFFA00;
	s18 =	sadd.s32 @!p0 $0xC00, s18  }
0x2f: {  	[tilespmem:s18], [sflag:$0x1] =	stream.indirect.gather @!p0 [hbm4b:s2+s19], $0x10, s16, s19, $0xb8;
	[tilespmem:$0x1800] =	vst v63  }
0x30: {  	s31 =	sshrl.u32 s17, $0x2;
	p0 =	sne.s32 s14, s5  }
.Ltmp1:
0x31: {  	s16 =	sadd.s32 $0xC00, s31;
	(pc) =	sbr.rel @p0 .LBB2_1-.Ltmp1, $4  }
0x32: {  	[hbm4b:s15+s3] =	stream.linear.scatter [tilespmem:s16], [sflag:$0x2], $0x600, $0x38;
	[tilespmem:$0x1800] =	vst v63  }
0x33: {  	_ =	swait.ge [sflag:s7], $0x600  }
0x34: {  	[sflag:s7] =	ssyncset.done $0x0  }
0x35: {  	[sflag:s7] =	ssyncadd.s32 $0xFFFFFA00  }
0x36: {  	_ =	sfence.sel $0x180000  }
0x37: {  	[bflag:$0x0] =	sbarrier.arrive $0xFFFF  }
0x38: {  	p0 =	sne.s32 s0, $0x0;
	_ =	strace $0x90000047  }
0x39: {  	s0 =	sadd.s32 @!p0 $0x100000, s1;
	[bflag:$0x2] =	sbarrier.arrive $0xFFFF  }
0x3a: {  	[sflag:s0] =	ssyncadd.tile.s32 @!p0 $0x1;
	_ =	shalt  }
.Lfunc_end2:
_tile_overlayer_lowered:
.L_overlay_start_2:
0x3b: {  	(tag) =	ssettag $0x2  }
0x3c: {  	s0 =	rddreg [dreg:$0x0];
	s2 =	stileid.u32  }
0x3d: {  	s1 =	rddreg [dreg:$0x1];
	p0 =	sne.s32 s2, $0x0  }
0x3e: {  	s3 =	rddreg [dreg:$0x2];
	[bflag:$0x3] =	sbarrier.arrive $0xFFFF;
	s2 =	simm.s32 @!p0 $0x1C02  }
0x3f: {  	[timem:s3], [sflag:s2] =	dma.local @!p0 [hbm:s0], s1  }
0x40: {  	s0 =	simm.s32 @!p0 $0x2  }
0x41: {  	_ =	swait.ge @!p0 [sflag:s0], s1  }
0x42: {  	s1 =	ssub.s32 @!p0 $0x0, s1;
	[sflag:s0] =	ssyncset.done @!p0 $0x0  }
0x43: {  	[sflag:s0] =	ssyncadd.s32 @!p0 s1  }
0x44: {  	[bflag:$0x3] =	sbarrier.arrive $0xFFFF  }
0x45: {  	_ =	shalt  }

// kernel: kernel.13.cloned.1.call-start
scs
__scs_entry_jumppad:
0x0: {  	(pc) =	sbr.rel $0x88, $3  }
0x1: {  	(tag) =	ssettag $0x0;
	lr =	simm.s32 $0x1  }
0x2: {  	[smem:$0x3F90] =	sst lr;
	_ =	strace $0xD0000000  }
0x3: {  	_ = 	snop  }
0x4: {  	_ = 	snop  }
0x5: {  	_ = 	snop  }
0x6: {  	_ = 	snop  }
0x7: {  	_ = 	snop  }
__scs_overlays_trampoline_lowered:
0x8: {  	[smem:$0x3F9F] =	sst s0  }
0x9: {  	[smem:$0x3FA0] =	sst s1  }
0xa: {  	[smem:$0x3FA1] =	sst s2  }
0xb: {  	[smem:$0x3FA2] =	sst s3  }
0xc: {  	[smem:$0x3FA3] =	sst s4  }
0xd: {  	[smem:$0x3FA4] =	sst s5  }
0xe: {  	[smem:$0x3FA5] =	sst s6  }
0xf: {  	[smem:$0x3FA6] =	sst s7  }
0x10: {  	[smem:$0x3FA7] =	sst s8  }
0x11: {  	[smem:$0x3FA8] =	sst s9;
	s0 =	simm.s32 @!p0 $0x0  }
0x12: {  	s1 =	sld [smem:$0x3F8E];
	s0 =	simm.s32 @p0 $0x1  }
0x13: {  	[smem:$0x3FA9] =	sst s0;
	s0 =	simm.s32 @!p1 $0x0  }
0x14: {  	s2 =	sld [smem:$0x3F8D];
	s0 =	simm.s32 @p1 $0x1  }
0x15: {  	[smem:$0x3FAA] =	sst s0;
	s0 =	simm.s32 @!p2 $0x0  }
0x16: {  	s3 =	sld [smem:$0x3FDB];
	s0 =	simm.s32 @p2 $0x1  }
0x17: {  	s4 =	simm.s32 $0x1BF5;
	[smem:$0x3FAC] =	sst s0  }
0x18: {  	s0 =	sld [smem:$0x3F8F];
	_ =	swait.ge [sflag:s4], $0x0  }
0x19: {  	s7 =	sld [smem:$0x3F90]  }
0x1a: {  	s8 =	sadd.s32 $0xFFFFE003, lr  }
0x1b: {  	s9 =	sadd.s32 $0xFFFFFEF7, lr;
	s5 =	simm.s32 $0xFFFFFFFF;
	p2 =	slt.u32 s8, $0xFFFFF086  }
0x1c: {  	p1 =	slt.u32 s9, $0xF7A;
	s5 =	simm.s32 @!p2 $0x0  }
0x1d: {  	s5 =	simm.s32 @p1 $0x1;
	p0 =	seq.s32 s7, s2  }
0x1e: {  	s7 =	smul.u32 @!p0 $0xF7A, s2;
	p2 =	seq.s32 @!p0 s5, $0x0  }
0x1f: {  	s9 =	smul.u32 $0xF7A, s1;
	s8 =	simm.s32 @!p0 $0x1BF5;
	p2 =	por !p2, p0  }
0x20: {  	[sflag:s8] =	ssyncset.s32 @!p0 $0xFFFFF086;
	s6 =	sadd.s32 @!p0 s3, s7;
	s7 =	simm.s32 @!p0 $0x108  }
0x21: {  	s3 =	sadd.s32 s3, s9;
	s6 =	sadd.s32 @!p0 $0x88, s6;
	s7 =	simm.s32 @p2 $0x1082  }
0x22: {  	[simem:s7], [sflag:s8] =	dma.local @!p0 [hbm:s6], $0xF7A  }
0x23: {  	s9 =	sor.u32 $0xD0000000, s2;
	s6 =	simm.s32 $0x108;
	_ =	swait.ge @!p0 [sflag:s8], $0x0  }
0x24: {  	s3 =	sadd.s32 $0x88, s3;
	s6 =	simm.s32 @!p1 $0x1082;
	[sflag:s4] =	ssyncset.s32 $0xFFFFF086  }
0x25: {  	[simem:s6], [sflag:s4] =	dma.local [hbm:s3], $0xF7A  }
0x26: {  	[smem:$0x3F90] =	sst s1;
	(tag) =	ssettag s2;
	_ =	strace s9  }
0x27: {  	s1 =	sld [smem:$0x3FA0]  }
0x28: {  	s2 =	sld [smem:$0x3FA1]  }
0x29: {  	s4 =	sld [smem:$0x3FA3]  }
0x2a: {  	p0 =	seq.s32 s5, $0x0;
	s5 =	sld [smem:$0x3FA4]  }
0x2b: {  	s6 =	sld [smem:$0x3FA5]  }
0x2c: {  	s7 =	sld [smem:$0x3FA6]  }
0x2d: {  	s3 =	simm.s32 $0x108;
	s8 =	sld [smem:$0x3FA7]  }
0x2e: {  	s3 =	simm.s32 @!p0 $0x1082;
	s9 =	sld [smem:$0x3FA8]  }
0x2f: {  	lr =	sadd.s32 s0, s3;
	s0 =	sld [smem:$0x3F9F]  }
0x30: {  	s3 =	sld [smem:$0x3FA2]  }
0x31: {  	[smem:$0x3FAB] =	sst s10  }
0x32: {  	s10 =	sld [smem:$0x3FA9];
	_ =	sdelay $0x3  }
0x33: {  	p0 =	seq.s32 s10, $0x1;
	s10 =	sld [smem:$0x3FAB];
	_ =	sdelay $0x3  }
0x34: {  	[smem:$0x3FAB] =	sst s10  }
0x35: {  	s10 =	sld [smem:$0x3FAA];
	_ =	sdelay $0x3  }
0x36: {  	p1 =	seq.s32 s10, $0x1;
	s10 =	sld [smem:$0x3FAB];
	_ =	sdelay $0x3  }
0x37: {  	[smem:$0x3FAB] =	sst s10  }
0x38: {  	s10 =	sld [smem:$0x3FAC]  }
0x39: {  	_ = 	snop;
	(pc) =	sbr.ind lr, $3  }
0x3a: {  	_ = 	snop  }
0x3b: {  	_ = 	snop  }
0x3c: {  	p2 =	seq.s32 s10, $0x1;
	s10 =	sld [smem:$0x3FAB]  }
0x3d: {  	_ =	shalt  }
0x3e: {  	_ =	shalt  }
0x3f: {  	_ =	shalt  }
0x40: {  	_ =	shalt  }
0x41: {  	_ =	shalt  }
0x42: {  	_ =	shalt  }
0x43: {  	_ =	shalt  }
0x44: {  	_ =	shalt  }
0x45: {  	_ =	shalt  }
0x46: {  	_ =	shalt  }
0x47: {  	_ =	shalt  }
0x48: {  	_ =	shalt  }
0x49: {  	_ =	shalt  }
0x4a: {  	_ =	shalt  }
0x4b: {  	_ =	shalt  }
0x4c: {  	_ =	shalt  }
0x4d: {  	_ =	shalt  }
0x4e: {  	_ =	shalt  }
0x4f: {  	_ =	shalt  }
0x50: {  	_ =	shalt  }
0x51: {  	_ =	shalt  }
0x52: {  	_ =	shalt  }
0x53: {  	_ =	shalt  }
0x54: {  	_ =	shalt  }
0x55: {  	_ =	shalt  }
0x56: {  	_ =	shalt  }
0x57: {  	_ =	shalt  }
0x58: {  	_ =	shalt  }
0x59: {  	_ =	shalt  }
0x5a: {  	_ =	shalt  }
0x5b: {  	_ =	shalt  }
0x5c: {  	_ =	shalt  }
0x5d: {  	_ =	shalt  }
0x5e: {  	_ =	shalt  }
0x5f: {  	_ =	shalt  }
0x60: {  	_ =	shalt  }
0x61: {  	_ =	shalt  }
0x62: {  	_ =	shalt  }
0x63: {  	_ =	shalt  }
0x64: {  	_ =	shalt  }
0x65: {  	_ =	shalt  }
0x66: {  	_ =	shalt  }
0x67: {  	_ =	shalt  }
0x68: {  	_ =	shalt  }
0x69: {  	_ =	shalt  }
0x6a: {  	_ =	shalt  }
0x6b: {  	_ =	shalt  }
0x6c: {  	_ =	shalt  }
0x6d: {  	_ =	shalt  }
0x6e: {  	_ =	shalt  }
0x6f: {  	_ =	shalt  }
0x70: {  	_ =	shalt  }
0x71: {  	_ =	shalt  }
0x72: {  	_ =	shalt  }
0x73: {  	_ =	shalt  }
0x74: {  	_ =	shalt  }
0x75: {  	_ =	shalt  }
0x76: {  	_ =	shalt  }
0x77: {  	_ =	shalt  }
0x78: {  	_ =	shalt  }
0x79: {  	_ =	shalt  }
0x7a: {  	_ =	shalt  }
0x7b: {  	_ =	shalt  }
0x7c: {  	_ =	shalt  }
0x7d: {  	_ =	shalt  }
0x7e: {  	_ =	shalt  }
0x7f: {  	_ =	shalt  }
0x80: {  	_ =	shalt  }
0x81: {  	_ =	shalt  }
0x82: {  	_ =	shalt  }
0x83: {  	_ =	shalt  }
0x84: {  	_ =	shalt  }
0x85: {  	_ =	shalt  }
0x86: {  	_ =	shalt  }
0x87: {  	_ =	shalt  }
.Lfunc_end0:
.L_simem_size_0:
called_computation.1_lowered:
.L_overlay_start_0:
0x88: {  	s2 =	sld [smem:$0x3FD9]  }
0x89: {  	s3 =	sld [smem:$0x3FFE];
	_ =	sdelay $0x1  }
0x8a: {  	s1 =	srdreg.scid  }
0x8b: {  	s0 =	sand.u32 $0x1, s1  }
0x8c: {  	s16 =	sshll.u32 s0, $0xA;
	s2 =	sadd.s32 s3, s2  }
0x8d: {  	s2 =	sadd.s32 s2, s16  }
0x8e: {  	[smem:$0x3FB7] =	sst s2  }
0x8f: {  	_ = 	snop  }
0x90: {  	(tm) =	ssettm $0x1  }
0x91: {  	s17 =	sld [smem:$0x3FFB];
	_ =	sdelay $0x3  }
0x92: {  	_ =	strace s17  }
0x93: {  	s2 =	sld [smem:$0x3FFC];
	_ =	sdelay $0x3  }
0x94: {  	_ =	strace s2  }
0x95: {  	s2 =	sld [smem:$0x3FFD];
	_ =	sdelay $0x3  }
0x96: {  	_ =	strace s2  }
0x97: {  	_ =	strace $0x8FFFFFFF  }
0x98: {  	s18 =	sld [smem:$0x3FDB];
	_ =	sdelay $0x1  }
0x99: {  	s19 =	simm.s32 $_scs_section_size  }
0x9a: {  	s4 =	simm.s32 $_size__tile_overlayer_lowered;
	s5 =	simm.s32 $_tile_overlayer_lowered  }
0x9b: {  	s22 =	simm.s32 $0x1BFF;
	s21 =	sshll.u32 s5, $0x1;
	s2 =	sadd.s32 s19, s18  }
0x9c: {  	s6 =	simm.s32 $0x0;
	s20 =	sshll.u32 s4, $0x1;
	s4 =	sadd.s32 s21, s2  }
0x9d: {  	[timem:s6], [sflag:s22] =	dma.local [hbm:s4], s20  }
0x9e: {  	_ =	swait.ge [sflag:s22], s20  }
0x9f: {  	s3 =	ssub.s32 $0x0, s20;
	[sflag:s22] =	ssyncset.done $0x0  }
0xa0: {  	[sflag:s22] =	ssyncadd.s32 s3;
	_ =	sdelay $0x1  }
0xa1: {  	s23 =	simm.s32 $0x1B8B  }
0xa2: {  	_ =	swait.ge [sflag:s23], $0x1  }
0xa3: {  	[sflag:s23] =	ssyncset.done $0x0  }
0xa4: {  	s25 =	simm.s32 $0x1B8E;
	s24 =	sld [smem:$0x3FFE];
	[sflag:s23] =	ssyncadd.s32 $0xFFFFFFFF  }
0xa5: {  	s26 =	simm.s32 $execute0_lowered;
	[smem:$0x3FD2] =	sst s25  }
0xa6: {  	s4 =	sshll.u32 s26, $0x1;
	_ =	strace $0x80000049;
	[dreg:$0x1] =	wrdreg $0xFFFFFFFF  }
0xa7: {  	s28 =	simm.s32 $_size_execute0_lowered;
	s2 =	sadd.s32 s2, s4;
	[dreg:$0x0] =	wrdreg $0x0  }
0xa8: {  	s4 =	sshll.u32 s28, $0x1;
	[dreg:$0x2] =	wrdreg s2  }
0xa9: {  	[dreg:$0x3] =	wrdreg s4  }
0xaa: {  	[dreg:$0x4] =	wrdreg $0xC0  }
0xab: {  	_ =	task [dreg:s6], $0x5FFFF  }
0xac: {  	[dreg:$0x1] =	wrdreg $0xFFFFFFFF  }
0xad: {  	[dreg:$0x0] =	wrdreg $0x60  }
0xae: {  	[dreg:$0x2] =	wrdreg s24  }
0xaf: {  	[dreg:$0x3] =	wrdreg $0x78000  }
0xb0: {  	[dreg:$0x4] =	wrdreg $0x9  }
0xb1: {  	_ =	task.clear_ibuf [dreg:s6], $0x5FFFF;
	_ =	strace $0x90000049  }
0xb2: {  	s29 =	simm.s32 $0x9;
	_ =	strace $0x8000004B  }
0xb3: {  	_ =	swait.ge [sflag:s29], $0x1  }
0xb4: {  	[sflag:s29] =	ssyncadd.s32 $0xFFFFFFFF  }
0xb5: {  	_ =	strace $0x9000004B  }
0xb6: {  	_ =	sfence  }
0xb7: {  	s30 =	sld [smem:$0x0];
	_ =	sdelay $0x2  }
0xb8: {  	s31 =	sshll.u32 s1, $0xD;
	s1 =	sshrl.u32 s1, $0x2  }
0xb9: {  	s3 =	sand.u32 $0x4000, s31;
	s1 =	sadd.s32 s1, s30  }
0xba: {  	s0 =	sor.u32 s3, s0;
	s1 =	sshll.u32 s1, $0x11  }
0xbb: {  	s0 =	sor.u32 s1, s0  }
0xbc: {  	s0 =	sadd.s32 $0x8F2B, s0  }
0xbd: {  	[sflag:s0] =	ssyncadd.remote.s32 $0x1  }
0xbe: {  	_ =	sfence.sel $0xFFFF  }
0xbf: {  	[dreg:$0x0] =	wrdreg $0xFFFFFFFF;
	(pc) =	sbr.abs _section_cstart, $3  }
0xc0: {  	[dreg:$0x1] =	wrdreg $0xFFFFFFFF  }
0xc1: {  	_ =	task.clear_ibuf [dreg:s6], $0x2FFFF;
	_ =	strace $0x9FFFFFFF  }
0xc2: {  	(tm) =	ssettm $0x7FFFFFFF  }
0xc3: {  	_ =	shalt  }
tec
execute0_lowered:
.L_overlay_start_1:
0x0: {  	(tag) =	ssettag $0x1  }
0x1: {  	s1 =	srdreg.scid;
	s4 =	rddreg [dreg:$0x0]  }
0x2: {  	s0 =	stileid.u32;
	s2 =	rddreg [dreg:$0x1]  }
0x3: {  	s3 =	simm.s32 $0x0;
	s16 =	simm.s32 $0x2;
	s17 =	simm.s32 $0x0  }
0x4: {  	s5 =	sand.u32 $0x1, s1;
	s1 =	rddreg [dreg:$0x2];
	s8 =	smul.u32 $0x16140, s0  }
0x5: {  	s24 =	sshll.u32 s0, $0x1;
	[smem:$0x7FF] =	sst s3;
	s9 =	smul.u32 $0x2C28, s0  }
0x6: {  	s11 =	sadd.s32 $0x61E800, s4;
	s28 =	smul.u32 $0x1B000, s0;
	s29 =	sshll.u32 s0, $0x6  }
0x7: {  	s6 =	sor.u32 s5, s24;
	_ =	strace $0x8000004A;
	s10 =	smul.u32 $0x2C280, s5  }
0x8: {  	s25 =	ssub.s32 $0x2, s5;
	s30 =	smul.u32 $0xD800, s5;
	s5 =	sor.u32 $0x1C03, s29  }
0x9: {  	s7 =	smul.u32 $0x180, s6;
	s12 =	sshrl.u32 s8, $0x3;
	s26 =	sshrl.u32 s25, $0x1  }
0xa: {  	s13 =	smul.u32 $0xD800, s6;
	s14 =	sadd.s32 s8, s2;
	s15 =	sadd.s32 s28, s11  }
0xb: {  	s12 =	sadd.s32 s12, s4;
	s9 =	sadd.s32 s9, s10;
	s10 =	ssub.s32 s25, s26  }
.Ltmp0:
0xc: {  	s31 =	sadd.s32 s30, s15;
	s15 =	simm.s32 $0x60;
	(pc) =	sbr.rel .LBB2_1-.Ltmp0, $4  }
0xd: {  	s7 =	sadd.s32 s7, s4;
	s9 =	sadd.s32 s9, s4;
	s4 =	sadd.s32 $0x30000, s12  }
0xe: {  	s12 =	simm.s32 $0x3;
	s6 =	sadd.s32 $0x19B800, s7;
	s7 =	sadd.s32 s11, s13  }
0xf: {  	s8 =	sadd.s32 $0x5C400, s9;
	s9 =	smax.u32 s10, $0x1;
	s10 =	sadd.s32 $0x6C0, s31  }
0x10: {  	s11 =	sshrl.u32 s14, $0x3;
	s13 =	simm.s32 $0xC00;
	s14 =	simm.s32 $0x1  }
.LBB2_4:
0x11: {  	[spmem:s2] =	stream.indirect.scatter.add.f32 [tilespmem:s22], [sflag:$0x2], $0x90, s19, s15, $0xb8;
	[tilespmem:$0x1D940] =	vst v63  }
0x12: {  	_ =	swait.ge [sflag:s16], $0x3600  }
0x13: {  	s17 =	sadd.s32 $0x1, s17;
	[sflag:s16] =	ssyncset.done $0x0  }
0x14: {  	p0 =	sne.s32 s17, s9;
	[sflag:s16] =	ssyncadd.s32 $0xFFFFCA00  }
.Ltmp1:
0x15: {  	[bflag:$0x0] =	sbarrier.arrive $0xFFFF;
	(pc) =	sbr.rel @!p0 .LBB2_5-.Ltmp1, $4  }
0x16: {  	[hbm:s8], [sflag:s5] =	dma.local [spmem:s11], $0x2C28  }
0x17: {  	_ =	swait.ge [sflag:s12], $0x2C28  }
0x18: {  	[sflag:s12] =	ssyncset.done $0x0  }
0x19: {  	[sflag:s12] =	ssyncadd.s32 $0xFFFFD3D8  }
.LBB2_1:
0x1a: {  	[spmem:s11], [sflag:s5] =	dma.local [hbm:s4], $0x2C28  }
0x1b: {  	_ =	swait.ge [sflag:s12], $0x2C28  }
0x1c: {  	[sflag:s12] =	ssyncset.done $0x0  }
0x1d: {  	[sflag:s12] =	ssyncadd.s32 $0xFFFFD3D8  }
0x1e: {  	[tilespmem:s3], [sflag:$0x3] =	stream.linear.gather [hbm4b:s6+s3], $0xC00, $0x38;
	[tilespmem:$0x1D940] =	vst v63  }
0x1f: {  	_ =	swait.ge [sflag:s12], $0xC00  }
0x20: {  	[sflag:s12] =	ssyncset.done $0x0  }
0x21: {  	s18 =	simm.s32 $0x0;
	[sflag:s12] =	ssyncadd.s32 $0xFFFFF400  }
0x22: {  	s20 =	smov.u32 s10;
	s19 =	simm.s32 $0x0;
	[bflag:$0x0] =	sbarrier.arrive $0xFFFF  }
0x23: {  	[tilespmem:s13], [sflag:$0x1] =	stream.linear.gather [hbm4b:s7+s3], $0x3600, $0x38;
	[tilespmem:$0x1D940] =	vst v63  }
.LBB2_2:
0x24: {  	p0 =	seq.s32 s18, $0x0  }
0x25: {  	p1 =	seq.s32 @!p0 s18, $0x1F  }
0x26: {  	_ =	swait.ge [sflag:s14], $0x3600;
	p1 =	por p0, !p1  }
.Ltmp2:
0x27: {  	s21 =	sand.u32 $0x1, s18;
	[sflag:s14] =	ssyncset.done $0x0;
	(pc) =	sbr.rel @!p1 .LBB2_4-.Ltmp2, $4  }
0x28: {  	s22 =	smul.u32 $0xD800, s21;
	s23 =	simm.s32 @!p0 $0x2;
	[sflag:s14] =	ssyncadd.s32 $0xFFFFCA00  }
0x29: {  	_ =	swait.ge @!p0 [sflag:s23], $0x3600  }
0x2a: {  	s22 =	sshrl.u32 s22, $0x2;
	[sflag:s23] =	ssyncset.done @!p0 $0x0  }
0x2b: {  	s22 =	sadd.s32 $0xC00, s22;
	[sflag:s23] =	ssyncadd.s32 @!p0 $0xFFFFCA00  }
0x2c: {  	s21 =	sxor.u32 $0x1, s21  }
0x2d: {  	s21 =	smul.u32 $0xD800, s21;
	_ =	sdelay $0x1  }
0x2e: {  	s21 =	sshrl.u32 s21, $0x2  }
.Ltmp3:
0x2f: {  	s21 =	sadd.s32 $0xC00, s21;
	(pc) =	sbr.rel .LBB2_2-.Ltmp3, $4  }
0x30: {  	[tilespmem:s21], [sflag:$0x1] =	stream.linear.gather [hbm4b:s20+s3], $0x3600, $0x38;
	[tilespmem:$0x1D940] =	vst v63  }
0x31: {  	_ = 	snop  }
0x32: {  	[spmem:s2] =	stream.indirect.scatter.add.f32 [tilespmem:s22], [sflag:$0x2], $0x90, s19, s15, $0xb8;
	[tilespmem:$0x1D940] =	vst v63  }
0x33: {  	s18 =	sadd.s32 $0x1, s18;
	s20 =	sadd.s32 $0x6C0, s20;
	s19 =	sadd.s32 $0x60, s19  }
.LBB2_5:
0x34: {  	_ =	sfence.sel $0x180000  }
0x35: {  	[bflag:$0x0] =	sbarrier.arrive $0xFFFF  }
0x36: {  	p0 =	sne.s32 s0, $0x0;
	_ =	strace $0x9000004A  }
0x37: {  	s0 =	sadd.s32 @!p0 $0x100000, s1;
	[bflag:$0x2] =	sbarrier.arrive $0xFFFF  }
0x38: {  	[sflag:s0] =	ssyncadd.tile.s32 @!p0 $0x1;
	_ =	shalt  }
.Lfunc_end2:
_tile_overlayer_lowered:
.L_overlay_start_2:
0x39: {  	(tag) =	ssettag $0x2  }
0x3a: {  	s0 =	rddreg [dreg:$0x0];
	s2 =	stileid.u32  }
0x3b: {  	s1 =	rddreg [dreg:$0x1];
	p0 =	sne.s32 s2, $0x0  }
0x3c: {  	s3 =	rddreg [dreg:$0x2];
	[bflag:$0x3] =	sbarrier.arrive $0xFFFF;
	s2 =	simm.s32 @!p0 $0x1C03  }
0x3d: {  	[timem:s3], [sflag:s2] =	dma.local @!p0 [hbm:s0], s1  }
0x3e: {  	s0 =	simm.s32 @!p0 $0x3  }
0x3f: {  	_ =	swait.ge @!p0 [sflag:s0], s1  }
0x40: {  	s1 =	ssub.s32 @!p0 $0x0, s1;
	[sflag:s0] =	ssyncset.done @!p0 $0x0  }
0x41: {  	[sflag:s0] =	ssyncadd.s32 @!p0 s1  }
0x42: {  	[bflag:$0x3] =	sbarrier.arrive $0xFFFF  }
0x43: {  	_ =	shalt  }

// kernel: kernel.16.cloned.1.call-start
scs
__scs_entry_jumppad:
0x0: {  	(pc) =	sbr.rel $0x88, $3  }
0x1: {  	(tag) =	ssettag $0x0;
	lr =	simm.s32 $0x1  }
0x2: {  	[smem:$0x3F90] =	sst lr;
	_ =	strace $0xD0000000  }
0x3: {  	_ = 	snop  }
0x4: {  	_ = 	snop  }
0x5: {  	_ = 	snop  }
0x6: {  	_ = 	snop  }
0x7: {  	_ = 	snop  }
__scs_overlays_trampoline_lowered:
0x8: {  	[smem:$0x3F9F] =	sst s0  }
0x9: {  	[smem:$0x3FA0] =	sst s1  }
0xa: {  	[smem:$0x3FA1] =	sst s2  }
0xb: {  	[smem:$0x3FA2] =	sst s3  }
0xc: {  	[smem:$0x3FA3] =	sst s4  }
0xd: {  	[smem:$0x3FA4] =	sst s5  }
0xe: {  	[smem:$0x3FA5] =	sst s6  }
0xf: {  	[smem:$0x3FA6] =	sst s7  }
0x10: {  	[smem:$0x3FA7] =	sst s8  }
0x11: {  	[smem:$0x3FA8] =	sst s9;
	s0 =	simm.s32 @!p0 $0x0  }
0x12: {  	s1 =	sld [smem:$0x3F8E];
	s0 =	simm.s32 @p0 $0x1  }
0x13: {  	[smem:$0x3FA9] =	sst s0;
	s0 =	simm.s32 @!p1 $0x0  }
0x14: {  	s2 =	sld [smem:$0x3F8D];
	s0 =	simm.s32 @p1 $0x1  }
0x15: {  	[smem:$0x3FAA] =	sst s0;
	s0 =	simm.s32 @!p2 $0x0  }
0x16: {  	s3 =	sld [smem:$0x3FDB];
	s0 =	simm.s32 @p2 $0x1  }
0x17: {  	s4 =	simm.s32 $0x1BF5;
	[smem:$0x3FAC] =	sst s0  }
0x18: {  	s0 =	sld [smem:$0x3F8F];
	_ =	swait.ge [sflag:s4], $0x0  }
0x19: {  	s7 =	sld [smem:$0x3F90]  }
0x1a: {  	s8 =	sadd.s32 $0xFFFFE003, lr  }
0x1b: {  	s9 =	sadd.s32 $0xFFFFFEF7, lr;
	s5 =	simm.s32 $0xFFFFFFFF;
	p2 =	slt.u32 s8, $0xFFFFF086  }
0x1c: {  	p1 =	slt.u32 s9, $0xF7A;
	s5 =	simm.s32 @!p2 $0x0  }
0x1d: {  	s5 =	simm.s32 @p1 $0x1;
	p0 =	seq.s32 s7, s2  }
0x1e: {  	s7 =	smul.u32 @!p0 $0xF7A, s2;
	p2 =	seq.s32 @!p0 s5, $0x0  }
0x1f: {  	s9 =	smul.u32 $0xF7A, s1;
	s8 =	simm.s32 @!p0 $0x1BF5;
	p2 =	por !p2, p0  }
0x20: {  	[sflag:s8] =	ssyncset.s32 @!p0 $0xFFFFF086;
	s6 =	sadd.s32 @!p0 s3, s7;
	s7 =	simm.s32 @!p0 $0x108  }
0x21: {  	s3 =	sadd.s32 s3, s9;
	s6 =	sadd.s32 @!p0 $0x88, s6;
	s7 =	simm.s32 @p2 $0x1082  }
0x22: {  	[simem:s7], [sflag:s8] =	dma.local @!p0 [hbm:s6], $0xF7A  }
0x23: {  	s9 =	sor.u32 $0xD0000000, s2;
	s6 =	simm.s32 $0x108;
	_ =	swait.ge @!p0 [sflag:s8], $0x0  }
0x24: {  	s3 =	sadd.s32 $0x88, s3;
	s6 =	simm.s32 @!p1 $0x1082;
	[sflag:s4] =	ssyncset.s32 $0xFFFFF086  }
0x25: {  	[simem:s6], [sflag:s4] =	dma.local [hbm:s3], $0xF7A  }
0x26: {  	[smem:$0x3F90] =	sst s1;
	(tag) =	ssettag s2;
	_ =	strace s9  }
0x27: {  	s1 =	sld [smem:$0x3FA0]  }
0x28: {  	s2 =	sld [smem:$0x3FA1]  }
0x29: {  	s4 =	sld [smem:$0x3FA3]  }
0x2a: {  	p0 =	seq.s32 s5, $0x0;
	s5 =	sld [smem:$0x3FA4]  }
0x2b: {  	s6 =	sld [smem:$0x3FA5]  }
0x2c: {  	s7 =	sld [smem:$0x3FA6]  }
0x2d: {  	s3 =	simm.s32 $0x108;
	s8 =	sld [smem:$0x3FA7]  }
0x2e: {  	s3 =	simm.s32 @!p0 $0x1082;
	s9 =	sld [smem:$0x3FA8]  }
0x2f: {  	lr =	sadd.s32 s0, s3;
	s0 =	sld [smem:$0x3F9F]  }
0x30: {  	s3 =	sld [smem:$0x3FA2]  }
0x31: {  	[smem:$0x3FAB] =	sst s10  }
0x32: {  	s10 =	sld [smem:$0x3FA9];
	_ =	sdelay $0x3  }
0x33: {  	p0 =	seq.s32 s10, $0x1;
	s10 =	sld [smem:$0x3FAB];
	_ =	sdelay $0x3  }
0x34: {  	[smem:$0x3FAB] =	sst s10  }
0x35: {  	s10 =	sld [smem:$0x3FAA];
	_ =	sdelay $0x3  }
0x36: {  	p1 =	seq.s32 s10, $0x1;
	s10 =	sld [smem:$0x3FAB];
	_ =	sdelay $0x3  }
0x37: {  	[smem:$0x3FAB] =	sst s10  }
0x38: {  	s10 =	sld [smem:$0x3FAC]  }
0x39: {  	_ = 	snop;
	(pc) =	sbr.ind lr, $3  }
0x3a: {  	_ = 	snop  }
0x3b: {  	_ = 	snop  }
0x3c: {  	p2 =	seq.s32 s10, $0x1;
	s10 =	sld [smem:$0x3FAB]  }
0x3d: {  	_ =	shalt  }
0x3e: {  	_ =	shalt  }
0x3f: {  	_ =	shalt  }
0x40: {  	_ =	shalt  }
0x41: {  	_ =	shalt  }
0x42: {  	_ =	shalt  }
0x43: {  	_ =	shalt  }
0x44: {  	_ =	shalt  }
0x45: {  	_ =	shalt  }
0x46: {  	_ =	shalt  }
0x47: {  	_ =	shalt  }
0x48: {  	_ =	shalt  }
0x49: {  	_ =	shalt  }
0x4a: {  	_ =	shalt  }
0x4b: {  	_ =	shalt  }
0x4c: {  	_ =	shalt  }
0x4d: {  	_ =	shalt  }
0x4e: {  	_ =	shalt  }
0x4f: {  	_ =	shalt  }
0x50: {  	_ =	shalt  }
0x51: {  	_ =	shalt  }
0x52: {  	_ =	shalt  }
0x53: {  	_ =	shalt  }
0x54: {  	_ =	shalt  }
0x55: {  	_ =	shalt  }
0x56: {  	_ =	shalt  }
0x57: {  	_ =	shalt  }
0x58: {  	_ =	shalt  }
0x59: {  	_ =	shalt  }
0x5a: {  	_ =	shalt  }
0x5b: {  	_ =	shalt  }
0x5c: {  	_ =	shalt  }
0x5d: {  	_ =	shalt  }
0x5e: {  	_ =	shalt  }
0x5f: {  	_ =	shalt  }
0x60: {  	_ =	shalt  }
0x61: {  	_ =	shalt  }
0x62: {  	_ =	shalt  }
0x63: {  	_ =	shalt  }
0x64: {  	_ =	shalt  }
0x65: {  	_ =	shalt  }
0x66: {  	_ =	shalt  }
0x67: {  	_ =	shalt  }
0x68: {  	_ =	shalt  }
0x69: {  	_ =	shalt  }
0x6a: {  	_ =	shalt  }
0x6b: {  	_ =	shalt  }
0x6c: {  	_ =	shalt  }
0x6d: {  	_ =	shalt  }
0x6e: {  	_ =	shalt  }
0x6f: {  	_ =	shalt  }
0x70: {  	_ =	shalt  }
0x71: {  	_ =	shalt  }
0x72: {  	_ =	shalt  }
0x73: {  	_ =	shalt  }
0x74: {  	_ =	shalt  }
0x75: {  	_ =	shalt  }
0x76: {  	_ =	shalt  }
0x77: {  	_ =	shalt  }
0x78: {  	_ =	shalt  }
0x79: {  	_ =	shalt  }
0x7a: {  	_ =	shalt  }
0x7b: {  	_ =	shalt  }
0x7c: {  	_ =	shalt  }
0x7d: {  	_ =	shalt  }
0x7e: {  	_ =	shalt  }
0x7f: {  	_ =	shalt  }
0x80: {  	_ =	shalt  }
0x81: {  	_ =	shalt  }
0x82: {  	_ =	shalt  }
0x83: {  	_ =	shalt  }
0x84: {  	_ =	shalt  }
0x85: {  	_ =	shalt  }
0x86: {  	_ =	shalt  }
0x87: {  	_ =	shalt  }
.Lfunc_end0:
.L_simem_size_0:
called_computation.2_lowered:
.L_overlay_start_0:
0x88: {  	s2 =	sld [smem:$0x3FD9]  }
0x89: {  	s3 =	sld [smem:$0x3FFE];
	_ =	sdelay $0x1  }
0x8a: {  	s1 =	srdreg.scid  }
0x8b: {  	s0 =	sand.u32 $0x1, s1  }
0x8c: {  	s17 =	sshll.u32 s0, $0xA;
	s2 =	sadd.s32 s3, s2  }
0x8d: {  	s2 =	sadd.s32 s2, s17  }
0x8e: {  	[smem:$0x3FB7] =	sst s2  }
0x8f: {  	_ = 	snop  }
0x90: {  	s2 =	sld [smem:$0x3FD0];
	(tm) =	ssettm $0x1  }
0x91: {  	s18 =	sld [smem:$0x3FFB];
	_ =	sdelay $0x3  }
0x92: {  	_ =	strace s18  }
0x93: {  	s3 =	sld [smem:$0x3FFC];
	_ =	sdelay $0x3  }
0x94: {  	_ =	strace s3  }
0x95: {  	s3 =	sld [smem:$0x3FFD];
	_ =	sdelay $0x3  }
0x96: {  	_ =	strace s3  }
0x97: {  	_ =	strace $0x8FFFFFFF  }
0x98: {  	s19 =	sld [smem:$0x3FDB];
	_ =	sdelay $0x1  }
0x99: {  	s4 =	simm.s32 $_scs_section_size  }
0x9a: {  	s5 =	simm.s32 $_size__tile_overlayer_lowered;
	s6 =	simm.s32 $_tile_overlayer_lowered  }
0x9b: {  	s22 =	simm.s32 $0x1BFF;
	s21 =	sshll.u32 s6, $0x1;
	s3 =	sadd.s32 s4, s19  }
0x9c: {  	s7 =	simm.s32 $0x0;
	s20 =	sshll.u32 s5, $0x1;
	s5 =	sadd.s32 s21, s3  }
0x9d: {  	[timem:s7], [sflag:s22] =	dma.local [hbm:s5], s20  }
0x9e: {  	_ =	swait.ge [sflag:s22], s20  }
0x9f: {  	s4 =	ssub.s32 $0x0, s20;
	[sflag:s22] =	ssyncset.done $0x0  }
0xa0: {  	[sflag:s22] =	ssyncadd.s32 s4;
	_ =	sdelay $0x1  }
0xa1: {  	s23 =	simm.s32 $0x1B8B  }
0xa2: {  	_ =	swait.ge [sflag:s23], $0x1  }
0xa3: {  	[sflag:s23] =	ssyncset.done $0x0  }
0xa4: {  	s25 =	simm.s32 $0x1B8E;
	s24 =	sld [smem:$0x3FFE];
	[sflag:s23] =	ssyncadd.s32 $0xFFFFFFFF  }
0xa5: {  	s26 =	simm.s32 $execute0_lowered;
	[smem:$0x3FD2] =	sst s25  }
0xa6: {  	s5 =	sshll.u32 s26, $0x1;
	_ =	strace $0x8000004C;
	[dreg:$0x1] =	wrdreg $0xFFFFFFFF  }
0xa7: {  	s28 =	simm.s32 $_size_execute0_lowered;
	s3 =	sadd.s32 s3, s5;
	[dreg:$0x0] =	wrdreg $0x0  }
0xa8: {  	s5 =	sshll.u32 s28, $0x1;
	[dreg:$0x2] =	wrdreg s3  }
0xa9: {  	[dreg:$0x3] =	wrdreg s5  }
0xaa: {  	[dreg:$0x4] =	wrdreg $0xC0  }
0xab: {  	_ =	task [dreg:s7], $0x5FFFF  }
0xac: {  	[dreg:$0x1] =	wrdreg $0xFFFFFFFF  }
0xad: {  	[dreg:$0x0] =	wrdreg $0x60  }
0xae: {  	[dreg:$0x2] =	wrdreg s24  }
0xaf: {  	[dreg:$0x3] =	wrdreg s2  }
0xb0: {  	[dreg:$0x4] =	wrdreg $0x90000  }
0xb1: {  	[dreg:$0x5] =	wrdreg $0x9  }
0xb2: {  	_ =	task.clear_ibuf [dreg:s7], $0x6FFFF;
	_ =	strace $0x9000004C  }
0xb3: {  	s29 =	simm.s32 $0x9;
	_ =	strace $0x8000004E  }
0xb4: {  	_ =	swait.ge [sflag:s29], $0x1  }
0xb5: {  	[sflag:s29] =	ssyncadd.s32 $0xFFFFFFFF  }
0xb6: {  	_ =	strace $0x9000004E  }
0xb7: {  	_ =	sfence  }
0xb8: {  	s30 =	sld [smem:$0x0];
	_ =	sdelay $0x2  }
0xb9: {  	s31 =	sshll.u32 s1, $0xD;
	s1 =	sshrl.u32 s1, $0x2  }
0xba: {  	s3 =	sand.u32 $0x4000, s31;
	s1 =	sadd.s32 s1, s30  }
0xbb: {  	s0 =	sor.u32 s3, s0;
	s1 =	sshll.u32 s1, $0x11  }
0xbc: {  	s0 =	sor.u32 s1, s0  }
0xbd: {  	s0 =	sadd.s32 $0x8F2B, s0  }
0xbe: {  	[sflag:s0] =	ssyncadd.remote.s32 $0x1  }
0xbf: {  	_ =	sfence.sel $0xFFFF  }
0xc0: {  	[dreg:$0x0] =	wrdreg $0xFFFFFFFF;
	(pc) =	sbr.abs _section_cstart, $3  }
0xc1: {  	[dreg:$0x1] =	wrdreg $0xFFFFFFFF  }
0xc2: {  	_ =	task.clear_ibuf [dreg:s7], $0x2FFFF;
	_ =	strace $0x9FFFFFFF  }
0xc3: {  	(tm) =	ssettm $0x7FFFFFFF  }
tec
execute0_lowered:
.L_overlay_start_1:
0x0: {  	(tag) =	ssettag $0x1  }
0x1: {  	s7 =	rddreg [dreg:$0x0]  }
0x2: {  	s1 =	srdreg.scid;
	s2 =	rddreg [dreg:$0x1]  }
0x3: {  	s0 =	stileid.u32;
	s3 =	rddreg [dreg:$0x2];
	s4 =	simm.s32 $0x0  }
0x4: {  	s15 =	simm.s32 $0x60;
	s16 =	simm.s32 $0x2400;
	s17 =	simm.s32 $0x1800  }
0x5: {  	s18 =	simm.s32 $0x1;
	s19 =	simm.s32 $0x2;
	s20 =	simm.s32 $0x0  }
0x6: {  	s6 =	sand.u32 $0x1, s1;
	s8 =	sshll.u32 s0, $0x6;
	s10 =	smul.u32 $0x16140, s0  }
0x7: {  	[smem:$0x7FF] =	sst s4;
	s11 =	smul.u32 $0x2C28, s0;
	s5 =	sadd.s32 $0x5C400, s7  }
0x8: {  	s1 =	sshll.u32 s6, $0x5;
	s12 =	smul.u32 $0x2C280, s6;
	s6 =	ssub.s32 $0x2, s6  }
0x9: {  	s1 =	sor.u32 s1, s8;
	s13 =	sshrl.u32 s10, $0x3;
	s31 =	sshrl.u32 s6, $0x1  }
0xa: {  	s14 =	sadd.s32 s10, s3;
	s9 =	smul.u32 $0xC, s1;
	s1 =	rddreg [dreg:$0x3]  }
0xb: {  	_ =	strace $0x8000004D;
	s13 =	sadd.s32 s13, s7;
	s11 =	sadd.s32 s11, s12  }
0xc: {  	s12 =	ssub.s32 s6, s31;
	s11 =	sadd.s32 s11, s7;
	s6 =	sadd.s32 $0x30000, s13  }
0xd: {  	s13 =	simm.s32 $0x3;
	s9 =	sadd.s32 s9, s7;
	s7 =	sor.u32 $0x1C03, s8  }
0xe: {  	s10 =	sadd.s32 $0xB7A00, s11;
	s11 =	smax.u32 s12, $0x1;
	s12 =	sshrl.u32 s14, $0x3  }
0xf: {  	s14 =	simm.s32 $0xC00;
	s8 =	sadd.s32 $0x3C00, s9;
	s9 =	sadd.s32 $0xB4A00, s9  }
.LBB2_1:
0x10: {  	[spmem:s12], [sflag:s7] =	dma.local [hbm:s6], $0x2C28  }
0x11: {  	_ =	swait.ge [sflag:s13], $0x2C28  }
0x12: {  	[sflag:s13] =	ssyncset.done $0x0  }
0x13: {  	[sflag:s13] =	ssyncadd.s32 $0xFFFFD3D8  }
0x14: {  	[tilespmem:s4], [sflag:$0x3] =	stream.linear.gather [hbm4b:s8+s4], $0xC00, $0x38;
	[tilespmem:$0x1F140] =	vst v63  }
0x15: {  	_ =	swait.ge [sflag:s13], $0xC00  }
0x16: {  	[sflag:s13] =	ssyncset.done $0x0  }
0x17: {  	[sflag:s13] =	ssyncadd.s32 $0xFFFFF400  }
0x18: {  	[tilespmem:s14], [sflag:$0x3] =	stream.linear.gather [hbm4b:s9+s4], $0xC00, $0x38;
	[tilespmem:$0x1F140] =	vst v63  }
0x19: {  	_ =	swait.ge [sflag:s13], $0xC00  }
0x1a: {  	[sflag:s13] =	ssyncset.done $0x0  }
0x1b: {  	[sflag:s13] =	ssyncadd.s32 $0xFFFFF400  }
0x1c: {  	[bflag:$0x0] =	sbarrier.arrive $0xFFFF  }
0x1d: {  	[tilespmem:s16], [sflag:$0x1] =	stream.indirect.gather [hbm4b:s5+s15], $0x90, s4, s15, $0xb8;
	[tilespmem:$0x1F140] =	vst v63  }
0x1e: {  	s21 =	simm.s32 $0x0  }
0x1f: {  	[tilespmem:s17], [sflag:$0x1] =	stream.indirect.gather [hbm4b:s2+s15], $0x10, s14, s15, $0xb8;
	[tilespmem:$0x1F140] =	vst v63  }
.LBB2_2:
0x20: {  	_ =	swait.ge [sflag:s18], $0x3600  }
0x21: {  	p0 =	seq.s32 s21, $0x0;
	[sflag:s18] =	ssyncset.done $0x0  }
0x22: {  	p1 =	seq.s32 @!p0 s21, $0x1F;
	[sflag:s18] =	ssyncadd.s32 $0xFFFFCA00  }
0x23: {  	p1 =	por p0, !p1;
	_ =	swait.ge [sflag:s18], $0x600  }
.Ltmp0:
0x24: {  	[sflag:s18] =	ssyncset.done $0x0;
	(pc) =	sbr.rel @!p1 .LBB2_4-.Ltmp0, $4  }
0x25: {  	s22 =	simm.s32 @!p0 $0x2;
	[sflag:s18] =	ssyncadd.s32 $0xFFFFFA00  }
0x26: {  	_ =	swait.ge @!p0 [sflag:s22], $0x3600  }
0x27: {  	[sflag:s22] =	ssyncset.done @!p0 $0x0  }
0x28: {  	s23 =	sand.u32 $0x1, s21;
	[sflag:s22] =	ssyncadd.s32 @!p0 $0xFFFFCA00;
	s22 =	simm.s32 @!p0 $0x20  }
0x29: {  	s24 =	sxor.u32 $0x1, s23  }
0x2a: {  	s22 =	sadd.s32 @!p0 $0x1, s21;
	s25 =	smul.u32 $0xD800, s24  }
0x2b: {  	s22 =	simm.s32 @p0 $0x1;
	s24 =	smul.u32 $0x1800, s24  }
0x2c: {  	s26 =	smul.u32 $0x60, s22;
	s25 =	sshrl.u32 s25, $0x2  }
0x2d: {  	s24 =	sshrl.u32 s24, $0x2;
	s25 =	sadd.s32 $0x2400, s25  }
0x2e: {  	[tilespmem:s25], [sflag:$0x1] =	stream.indirect.gather [hbm4b:s5+s15], $0x90, s26, s15, $0xb8;
	[tilespmem:$0x1F140] =	vst v63  }
0x2f: {  	s24 =	sor.u32 $0x1800, s24;
	s31 =	sadd.s32 $0xC00, s26  }
0x30: {  	[tilespmem:s24], [sflag:$0x1] =	stream.indirect.gather [hbm4b:s2+s15], $0x10, s31, s15, $0xb8;
	[tilespmem:$0x1F140] =	vst v63  }
.LBB2_4:
0x31: {  	s24 =	smul.u32 $0x1800, s23;
	_ =	sdelay $0x1  }
0x32: {  	s24 =	sshrl.u32 s24, $0x2  }
0x33: {  	s24 =	sor.u32 $0x1800, s24  }
0x34: {  	s31 =	smul.u32 $0xD800, s23;
	v0 =	vmov s24;
	_ =	sdelay $0x1  }
0x35: {  	s23 =	sshrl.u32 s31, $0x2  }
0x36: {  	s24 =	sadd.s32 $0x2440, s23  }
0x37: {  	s25 =	simm.s32 $0x0;
	v2 =	vld [tilespmem:s24+$0x40]  }
0x38: {  	v1 =	vld.idx.msk [tilespmem:v0+s25+$0x0 ss:$0x1], $0xffff;
	_ =	sdelay $0x4  }
0x39: {  	v1 =	vadd.f32 v1, v2;
	_ =	sdelay $0x1  }
0x3a: {  	v2 =	vmul.f32 $2.000000030e-01, v1  }
0x3b: {  	vm0 =	vge.f32 v1, $0.0e+00  }
0x3c: {  	v1 =	vsel vm0, v1, v2  }
0x3d: {  	v1 =	vmul.f32 $1.442695020e+00, v1;
	_ =	sdelay $0x1  }
0x3e: {  	(erf) = vpow2.f32 v1;
	_ =	sdelay $0x4  }
0x3f: {  	v1 =	vld [tilespmem:s24+$0x30]  }
0x40: {  	v2 =	vld [tilespmem:s24+$0x20]  }
0x41: {  	v3 =	vld [tilespmem:s24+$0x10]  }
0x42: {  	v4 =	vld [tilespmem:s24+$0x0]  }
0x43: {  	v5 =	vld [tilespmem:s24+$0xFFFFFFF0];
	v6 =	vpop (erf)  }
0x44: {  	v7 =	vld [tilespmem:s24+$0xFFFFFFE0];
	v1 =	vmul.f32 v1, v6  }
0x45: {  	v8 =	vld [tilespmem:s24+$0xFFFFFFD0];
	v2 =	vmul.f32 v2, v6;
	[tilespmem:s24+$0x40] =	vst v6  }
0x46: {  	v9 =	vld [tilespmem:s24+$0xFFFFFFC0];
	v3 =	vmul.f32 v3, v6;
	[tilespmem:s24+$0x30] =	vst v1  }
0x47: {  	v1 =	vmul.f32 v4, v6;
	[tilespmem:s24+$0x20] =	vst v2  }
0x48: {  	v2 =	vmul.f32 v5, v6;
	[tilespmem:s24+$0x10] =	vst v3  }
0x49: {  	v3 =	vmul.f32 v6, v7;
	[tilespmem:s24+$0x0] =	vst v1  }
0x4a: {  	v1 =	vmul.f32 v6, v8;
	[tilespmem:s24+$0xFFFFFFF0] =	vst v2  }
0x4b: {  	v2 =	vmul.f32 v6, v9;
	[tilespmem:s24+$0xFFFFFFE0] =	vst v3  }
0x4c: {  	[tilespmem:s24+$0xFFFFFFD0] =	vst v1  }
0x4d: {  	s26 =	simm.s32 $0x10;
	s23 =	sadd.s32 $0x2400, s23;
	s25 =	simm.s32 $0x80;
	[tilespmem:s24+$0xFFFFFFC0] =	vst v2  }
.LBB2_5:
0x4e: {  	p0 =	sne.s32 s25, $0x17C0;
	v1 =	vld.idx.msk [tilespmem:v0+s26+$0x0 ss:$0x1], $0xffff;
	s24 =	sadd.s32 $0x90, s24  }
0x4f: {  	v2 =	vld [tilespmem:s24+$0x40];
	_ =	sdelay $0x4  }
0x50: {  	v1 =	vadd.f32 v1, v2;
	_ =	sdelay $0x1  }
0x51: {  	v2 =	vmul.f32 $2.000000030e-01, v1  }
0x52: {  	vm0 =	vge.f32 v1, $0.0e+00  }
0x53: {  	v1 =	vsel vm0, v1, v2  }
0x54: {  	v1 =	vmul.f32 $1.442695020e+00, v1;
	_ =	sdelay $0x1  }
0x55: {  	(erf) = vpow2.f32 v1  }
0x56: {  	v1 =	vld [tilespmem:s24+$0xFFFFFFF0]  }
0x57: {  	v2 =	vld [tilespmem:s24+$0x30]  }
0x58: {  	v3 =	vld [tilespmem:s24+$0x20]  }
0x59: {  	v4 =	vld [tilespmem:s24+$0x10]  }
0x5a: {  	v5 =	vld [tilespmem:s24+$0x0]  }
0x5b: {  	v6 =	vld [tilespmem:s24+$0xFFFFFFE0]  }
0x5c: {  	v7 =	vld [tilespmem:s24+$0xFFFFFFD0]  }
0x5d: {  	v8 =	vld [tilespmem:s24+$0xFFFFFFC0]  }
0x5e: {  	v9 =	vpop (erf)  }
0x5f: {  	v3 =	vmul.f32 v3, v9;
	v2 =	vmul.f32 v2, v9;
	[tilespmem:s24+$0x40] =	vst v9  }
0x60: {  	v5 =	vmul.f32 v5, v9;
	v4 =	vmul.f32 v4, v9  }
0x61: {  	v1 =	vmul.f32 v1, v9;
	v6 =	vmul.f32 v9, v6;
	[tilespmem:s24+$0x30] =	vst v2  }
0x62: {  	v7 =	vmul.f32 v9, v7;
	v2 =	vmul.f32 v9, v8;
	[tilespmem:s24+$0x20] =	vst v3  }
0x63: {  	[tilespmem:s24+$0x10] =	vst v4  }
.Ltmp1:
0x64: {  	[tilespmem:s24+$0x0] =	vst v5;
	(pc) =	sbr.rel @p0 .LBB2_5-.Ltmp1, $4  }
0x65: {  	[tilespmem:s24+$0xFFFFFFF0] =	vst v1  }
0x66: {  	[tilespmem:s24+$0xFFFFFFE0] =	vst v6  }
0x67: {  	[tilespmem:s24+$0xFFFFFFD0] =	vst v7  }
0x68: {  	s26 =	sshra.s32 s25, $0x2;
	s25 =	sadd.s32 $0x40, s25;
	[tilespmem:s24+$0xFFFFFFC0] =	vst v2  }
0x69: {  	_ =	sdelay $0x3  }
0x6a: {  	v0 =	vld.idx.msk [tilespmem:v0+s26+$0x0 ss:$0x1], $0xffff;
	s24 =	sadd.s32 $0x90, s24  }
0x6b: {  	v1 =	vld [tilespmem:s24+$0x40];
	_ =	sdelay $0x4  }
0x6c: {  	v0 =	vadd.f32 v0, v1;
	_ =	sdelay $0x1  }
0x6d: {  	v1 =	vmul.f32 $2.000000030e-01, v0  }
0x6e: {  	vm0 =	vge.f32 v0, $0.0e+00  }
0x6f: {  	v0 =	vsel vm0, v0, v1  }
0x70: {  	v0 =	vmul.f32 $1.442695020e+00, v0;
	_ =	sdelay $0x1  }
0x71: {  	(erf) = vpow2.f32 v0;
	_ =	sdelay $0x4  }
0x72: {  	v57 =	vld [tilespmem:s24+$0x30]  }
0x73: {  	v58 =	vld [tilespmem:s24+$0x20]  }
0x74: {  	v2 =	vld [tilespmem:s24+$0x10]  }
0x75: {  	v3 =	vld [tilespmem:s24+$0x0]  }
0x76: {  	v4 =	vld [tilespmem:s24+$0xFFFFFFF0];
	v5 =	vpop (erf)  }
0x77: {  	v6 =	vld [tilespmem:s24+$0xFFFFFFE0];
	v0 =	vmul.f32 v57, v5  }
0x78: {  	v7 =	vld [tilespmem:s24+$0xFFFFFFD0];
	v1 =	vmul.f32 v58, v5;
	[tilespmem:s24+$0x40] =	vst v5  }
0x79: {  	v8 =	vld [tilespmem:s24+$0xFFFFFFC0];
	v2 =	vmul.f32 v2, v5;
	[tilespmem:s24+$0x30] =	vst v0  }
0x7a: {  	v59 =	vmul.f32 v3, v5;
	[tilespmem:s24+$0x20] =	vst v1  }
0x7b: {  	v60 =	vmul.f32 v4, v5;
	[tilespmem:s24+$0x10] =	vst v2  }
0x7c: {  	v61 =	vmul.f32 v5, v6;
	[tilespmem:s24+$0x0] =	vst v59  }
0x7d: {  	s21 =	smul.u32 $0x180, s21;
	p0 =	slt.u32 s22, $0x20;
	v62 =	vmul.f32 v5, v7;
	[tilespmem:s24+$0xFFFFFFF0] =	vst v60  }
.Ltmp2:
0x7e: {  	v63 =	vmul.f32 v5, v8;
	[tilespmem:s24+$0xFFFFFFE0] =	vst v61;
	(pc) =	sbr.rel @p0 .LBB2_2-.Ltmp2, $4  }
0x7f: {  	s21 =	sshra.s32 s21, $0x2;
	[tilespmem:s24+$0xFFFFFFD0] =	vst v62  }
0x80: {  	s21 =	sadd.s32 $0xC00, s21;
	[tilespmem:s24+$0xFFFFFFC0] =	vst v63  }
0x81: {  	[spmem:s3] =	stream.indirect.scatter.add.f32 [tilespmem:s23], [sflag:$0x2], $0x90, s21, s15, $0xb8;
	[tilespmem:$0x1F140] =	vst v63  }
0x82: {  	s21 =	smov.u32 s22  }
0x83: {  	_ =	swait.ge [sflag:s19], $0x3600  }
0x84: {  	s20 =	sadd.s32 $0x1, s20;
	[sflag:s19] =	ssyncset.done $0x0  }
0x85: {  	p0 =	sne.s32 s20, s11;
	[sflag:s19] =	ssyncadd.s32 $0xFFFFCA00  }
.Ltmp3:
0x86: {  	[bflag:$0x0] =	sbarrier.arrive $0xFFFF;
	(pc) =	sbr.rel @p0 .LBB2_1-.Ltmp3, $4  }
0x87: {  	[hbm:s10], [sflag:s7] =	dma.local [spmem:s12], $0x2C28  }
0x88: {  	_ =	swait.ge [sflag:s13], $0x2C28  }
0x89: {  	[sflag:s13] =	ssyncset.done $0x0  }
0x8a: {  	[sflag:s13] =	ssyncadd.s32 $0xFFFFD3D8  }
0x8b: {  	_ =	sfence.sel $0x180000  }
0x8c: {  	[bflag:$0x0] =	sbarrier.arrive $0xFFFF  }
0x8d: {  	p0 =	sne.s32 s0, $0x0;
	_ =	strace $0x9000004D  }
0x8e: {  	s0 =	sadd.s32 @!p0 $0x100000, s1;
	[bflag:$0x2] =	sbarrier.arrive $0xFFFF  }
0x8f: {  	[sflag:s0] =	ssyncadd.tile.s32 @!p0 $0x1;
	_ =	shalt  }
.Lfunc_end2:
_tile_overlayer_lowered:
.L_overlay_start_2:
0x90: {  	(tag) =	ssettag $0x2  }
0x91: {  	s0 =	rddreg [dreg:$0x0];
	s2 =	stileid.u32  }
0x92: {  	s1 =	rddreg [dreg:$0x1];
	p0 =	sne.s32 s2, $0x0  }
0x93: {  	s3 =	rddreg [dreg:$0x2];
	[bflag:$0x3] =	sbarrier.arrive $0xFFFF;
	s2 =	simm.s32 @!p0 $0x1C03  }
0x94: {  	[timem:s3], [sflag:s2] =	dma.local @!p0 [hbm:s0], s1  }
0x95: {  	s0 =	simm.s32 @!p0 $0x3  }
0x96: {  	_ =	swait.ge @!p0 [sflag:s0], s1  }
0x97: {  	s1 =	ssub.s32 @!p0 $0x0, s1;
	[sflag:s0] =	ssyncset.done @!p0 $0x0  }
0x98: {  	[sflag:s0] =	ssyncadd.s32 @!p0 s1  }
0x99: {  	[bflag:$0x3] =	sbarrier.arrive $0xFFFF  }
0x9a: {  	_ =	shalt  }

// kernel: kernel.19.cloned.1.call-start
scs
__scs_entry_jumppad:
0x0: {  	(pc) =	sbr.rel $0x88, $3  }
0x1: {  	(tag) =	ssettag $0x0;
	lr =	simm.s32 $0x1  }
0x2: {  	[smem:$0x3F90] =	sst lr;
	_ =	strace $0xD0000000  }
0x3: {  	_ = 	snop  }
0x4: {  	_ = 	snop  }
0x5: {  	_ = 	snop  }
0x6: {  	_ = 	snop  }
0x7: {  	_ = 	snop  }
__scs_overlays_trampoline_lowered:
0x8: {  	[smem:$0x3F9F] =	sst s0  }
0x9: {  	[smem:$0x3FA0] =	sst s1  }
0xa: {  	[smem:$0x3FA1] =	sst s2  }
0xb: {  	[smem:$0x3FA2] =	sst s3  }
0xc: {  	[smem:$0x3FA3] =	sst s4  }
0xd: {  	[smem:$0x3FA4] =	sst s5  }
0xe: {  	[smem:$0x3FA5] =	sst s6  }
0xf: {  	[smem:$0x3FA6] =	sst s7  }
0x10: {  	[smem:$0x3FA7] =	sst s8  }
0x11: {  	[smem:$0x3FA8] =	sst s9;
	s0 =	simm.s32 @!p0 $0x0  }
0x12: {  	s1 =	sld [smem:$0x3F8E];
	s0 =	simm.s32 @p0 $0x1  }
0x13: {  	[smem:$0x3FA9] =	sst s0;
	s0 =	simm.s32 @!p1 $0x0  }
0x14: {  	s2 =	sld [smem:$0x3F8D];
	s0 =	simm.s32 @p1 $0x1  }
0x15: {  	[smem:$0x3FAA] =	sst s0;
	s0 =	simm.s32 @!p2 $0x0  }
0x16: {  	s3 =	sld [smem:$0x3FDB];
	s0 =	simm.s32 @p2 $0x1  }
0x17: {  	s4 =	simm.s32 $0x1BF5;
	[smem:$0x3FAC] =	sst s0  }
0x18: {  	s0 =	sld [smem:$0x3F8F];
	_ =	swait.ge [sflag:s4], $0x0  }
0x19: {  	s7 =	sld [smem:$0x3F90]  }
0x1a: {  	s8 =	sadd.s32 $0xFFFFE003, lr  }
0x1b: {  	s9 =	sadd.s32 $0xFFFFFEF7, lr;
	s5 =	simm.s32 $0xFFFFFFFF;
	p2 =	slt.u32 s8, $0xFFFFF086  }
0x1c: {  	p1 =	slt.u32 s9, $0xF7A;
	s5 =	simm.s32 @!p2 $0x0  }
0x1d: {  	s5 =	simm.s32 @p1 $0x1;
	p0 =	seq.s32 s7, s2  }
0x1e: {  	s7 =	smul.u32 @!p0 $0xF7A, s2;
	p2 =	seq.s32 @!p0 s5, $0x0  }
0x1f: {  	s9 =	smul.u32 $0xF7A, s1;
	s8 =	simm.s32 @!p0 $0x1BF5;
	p2 =	por !p2, p0  }
0x20: {  	[sflag:s8] =	ssyncset.s32 @!p0 $0xFFFFF086;
	s6 =	sadd.s32 @!p0 s3, s7;
	s7 =	simm.s32 @!p0 $0x108  }
0x21: {  	s3 =	sadd.s32 s3, s9;
	s6 =	sadd.s32 @!p0 $0x88, s6;
	s7 =	simm.s32 @p2 $0x1082  }
0x22: {  	[simem:s7], [sflag:s8] =	dma.local @!p0 [hbm:s6], $0xF7A  }
0x23: {  	s9 =	sor.u32 $0xD0000000, s2;
	s6 =	simm.s32 $0x108;
	_ =	swait.ge @!p0 [sflag:s8], $0x0  }
0x24: {  	s3 =	sadd.s32 $0x88, s3;
	s6 =	simm.s32 @!p1 $0x1082;
	[sflag:s4] =	ssyncset.s32 $0xFFFFF086  }
0x25: {  	[simem:s6], [sflag:s4] =	dma.local [hbm:s3], $0xF7A  }
0x26: {  	[smem:$0x3F90] =	sst s1;
	(tag) =	ssettag s2;
	_ =	strace s9  }
0x27: {  	s1 =	sld [smem:$0x3FA0]  }
0x28: {  	s2 =	sld [smem:$0x3FA1]  }
0x29: {  	s4 =	sld [smem:$0x3FA3]  }
0x2a: {  	p0 =	seq.s32 s5, $0x0;
	s5 =	sld [smem:$0x3FA4]  }
0x2b: {  	s6 =	sld [smem:$0x3FA5]  }
0x2c: {  	s7 =	sld [smem:$0x3FA6]  }
0x2d: {  	s3 =	simm.s32 $0x108;
	s8 =	sld [smem:$0x3FA7]  }
0x2e: {  	s3 =	simm.s32 @!p0 $0x1082;
	s9 =	sld [smem:$0x3FA8]  }
0x2f: {  	lr =	sadd.s32 s0, s3;
	s0 =	sld [smem:$0x3F9F]  }
0x30: {  	s3 =	sld [smem:$0x3FA2]  }
0x31: {  	[smem:$0x3FAB] =	sst s10  }
0x32: {  	s10 =	sld [smem:$0x3FA9];
	_ =	sdelay $0x3  }
0x33: {  	p0 =	seq.s32 s10, $0x1;
	s10 =	sld [smem:$0x3FAB];
	_ =	sdelay $0x3  }
0x34: {  	[smem:$0x3FAB] =	sst s10  }
0x35: {  	s10 =	sld [smem:$0x3FAA];
	_ =	sdelay $0x3  }
0x36: {  	p1 =	seq.s32 s10, $0x1;
	s10 =	sld [smem:$0x3FAB];
	_ =	sdelay $0x3  }
0x37: {  	[smem:$0x3FAB] =	sst s10  }
0x38: {  	s10 =	sld [smem:$0x3FAC]  }
0x39: {  	_ = 	snop;
	(pc) =	sbr.ind lr, $3  }
0x3a: {  	_ = 	snop  }
0x3b: {  	_ = 	snop  }
0x3c: {  	p2 =	seq.s32 s10, $0x1;
	s10 =	sld [smem:$0x3FAB]  }
0x3d: {  	_ =	shalt  }
0x3e: {  	_ =	shalt  }
0x3f: {  	_ =	shalt  }
0x40: {  	_ =	shalt  }
0x41: {  	_ =	shalt  }
0x42: {  	_ =	shalt  }
0x43: {  	_ =	shalt  }
0x44: {  	_ =	shalt  }
0x45: {  	_ =	shalt  }
0x46: {  	_ =	shalt  }
0x47: {  	_ =	shalt  }
0x48: {  	_ =	shalt  }
0x49: {  	_ =	shalt  }
0x4a: {  	_ =	shalt  }
0x4b: {  	_ =	shalt  }
0x4c: {  	_ =	shalt  }
0x4d: {  	_ =	shalt  }
0x4e: {  	_ =	shalt  }
0x4f: {  	_ =	shalt  }
0x50: {  	_ =	shalt  }
0x51: {  	_ =	shalt  }
0x52: {  	_ =	shalt  }
0x53: {  	_ =	shalt  }
0x54: {  	_ =	shalt  }
0x55: {  	_ =	shalt  }
0x56: {  	_ =	shalt  }
0x57: {  	_ =	shalt  }
0x58: {  	_ =	shalt  }
0x59: {  	_ =	shalt  }
0x5a: {  	_ =	shalt  }
0x5b: {  	_ =	shalt  }
0x5c: {  	_ =	shalt  }
0x5d: {  	_ =	shalt  }
0x5e: {  	_ =	shalt  }
0x5f: {  	_ =	shalt  }
0x60: {  	_ =	shalt  }
0x61: {  	_ =	shalt  }
0x62: {  	_ =	shalt  }
0x63: {  	_ =	shalt  }
0x64: {  	_ =	shalt  }
0x65: {  	_ =	shalt  }
0x66: {  	_ =	shalt  }
0x67: {  	_ =	shalt  }
0x68: {  	_ =	shalt  }
0x69: {  	_ =	shalt  }
0x6a: {  	_ =	shalt  }
0x6b: {  	_ =	shalt  }
0x6c: {  	_ =	shalt  }
0x6d: {  	_ =	shalt  }
0x6e: {  	_ =	shalt  }
0x6f: {  	_ =	shalt  }
0x70: {  	_ =	shalt  }
0x71: {  	_ =	shalt  }
0x72: {  	_ =	shalt  }
0x73: {  	_ =	shalt  }
0x74: {  	_ =	shalt  }
0x75: {  	_ =	shalt  }
0x76: {  	_ =	shalt  }
0x77: {  	_ =	shalt  }
0x78: {  	_ =	shalt  }
0x79: {  	_ =	shalt  }
0x7a: {  	_ =	shalt  }
0x7b: {  	_ =	shalt  }
0x7c: {  	_ =	shalt  }
0x7d: {  	_ =	shalt  }
0x7e: {  	_ =	shalt  }
0x7f: {  	_ =	shalt  }
0x80: {  	_ =	shalt  }
0x81: {  	_ =	shalt  }
0x82: {  	_ =	shalt  }
0x83: {  	_ =	shalt  }
0x84: {  	_ =	shalt  }
0x85: {  	_ =	shalt  }
0x86: {  	_ =	shalt  }
0x87: {  	_ =	shalt  }
.Lfunc_end0:
.L_simem_size_0:
called_computation.3_lowered:
.L_overlay_start_0:
0x88: {  	s2 =	sld [smem:$0x3FD9]  }
0x89: {  	s3 =	sld [smem:$0x3FFE];
	_ =	sdelay $0x1  }
0x8a: {  	s1 =	srdreg.scid  }
0x8b: {  	s0 =	sand.u32 $0x1, s1  }
0x8c: {  	s17 =	sshll.u32 s0, $0xA;
	s2 =	sadd.s32 s3, s2  }
0x8d: {  	s2 =	sadd.s32 s2, s17  }
0x8e: {  	[smem:$0x3FB7] =	sst s2  }
0x8f: {  	_ = 	snop  }
0x90: {  	s2 =	sld [smem:$0x3FD0];
	(tm) =	ssettm $0x1  }
0x91: {  	s18 =	sld [smem:$0x3FFB];
	_ =	sdelay $0x3  }
0x92: {  	_ =	strace s18  }
0x93: {  	s3 =	sld [smem:$0x3FFC];
	_ =	sdelay $0x3  }
0x94: {  	_ =	strace s3  }
0x95: {  	s3 =	sld [smem:$0x3FFD];
	_ =	sdelay $0x3  }
0x96: {  	_ =	strace s3  }
0x97: {  	_ =	strace $0x8FFFFFFF  }
0x98: {  	s19 =	sld [smem:$0x3FDB];
	_ =	sdelay $0x1  }
0x99: {  	s4 =	simm.s32 $_scs_section_size  }
0x9a: {  	s5 =	simm.s32 $_size__tile_overlayer_lowered;
	s6 =	simm.s32 $_tile_overlayer_lowered  }
0x9b: {  	s22 =	simm.s32 $0x1BFF;
	s21 =	sshll.u32 s6, $0x1;
	s3 =	sadd.s32 s4, s19  }
0x9c: {  	s7 =	simm.s32 $0x0;
	s20 =	sshll.u32 s5, $0x1;
	s5 =	sadd.s32 s21, s3  }
0x9d: {  	[timem:s7], [sflag:s22] =	dma.local [hbm:s5], s20  }
0x9e: {  	_ =	swait.ge [sflag:s22], s20  }
0x9f: {  	s4 =	ssub.s32 $0x0, s20;
	[sflag:s22] =	ssyncset.done $0x0  }
0xa0: {  	[sflag:s22] =	ssyncadd.s32 s4;
	_ =	sdelay $0x1  }
0xa1: {  	s23 =	simm.s32 $0x1B8B  }
0xa2: {  	_ =	swait.ge [sflag:s23], $0x1  }
0xa3: {  	[sflag:s23] =	ssyncset.done $0x0  }
0xa4: {  	s25 =	simm.s32 $0x1B8E;
	s24 =	sld [smem:$0x3FFE];
	[sflag:s23] =	ssyncadd.s32 $0xFFFFFFFF  }
0xa5: {  	s26 =	simm.s32 $execute0_lowered;
	[smem:$0x3FD2] =	sst s25  }
0xa6: {  	s5 =	sshll.u32 s26, $0x1;
	_ =	strace $0x8000004F;
	[dreg:$0x1] =	wrdreg $0xFFFFFFFF  }
0xa7: {  	s28 =	simm.s32 $_size_execute0_lowered;
	s3 =	sadd.s32 s3, s5;
	[dreg:$0x0] =	wrdreg $0x0  }
0xa8: {  	s5 =	sshll.u32 s28, $0x1;
	[dreg:$0x2] =	wrdreg s3  }
0xa9: {  	[dreg:$0x3] =	wrdreg s5  }
0xaa: {  	[dreg:$0x4] =	wrdreg $0xC0  }
0xab: {  	_ =	task [dreg:s7], $0x5FFFF  }
0xac: {  	[dreg:$0x1] =	wrdreg $0xFFFFFFFF  }
0xad: {  	[dreg:$0x0] =	wrdreg $0x60  }
0xae: {  	[dreg:$0x2] =	wrdreg s24  }
0xaf: {  	[dreg:$0x3] =	wrdreg s2  }
0xb0: {  	[dreg:$0x4] =	wrdreg $0x3C000  }
0xb1: {  	[dreg:$0x5] =	wrdreg $0x9  }
0xb2: {  	_ =	task.clear_ibuf [dreg:s7], $0x6FFFF;
	_ =	strace $0x9000004F  }
0xb3: {  	s29 =	simm.s32 $0x9;
	_ =	strace $0x80000051  }
0xb4: {  	_ =	swait.ge [sflag:s29], $0x1  }
0xb5: {  	[sflag:s29] =	ssyncadd.s32 $0xFFFFFFFF  }
0xb6: {  	_ =	strace $0x90000051  }
0xb7: {  	_ =	sfence  }
0xb8: {  	s30 =	sld [smem:$0x0];
	_ =	sdelay $0x2  }
0xb9: {  	s31 =	sshll.u32 s1, $0xD;
	s1 =	sshrl.u32 s1, $0x2  }
0xba: {  	s3 =	sand.u32 $0x4000, s31;
	s1 =	sadd.s32 s1, s30  }
0xbb: {  	s0 =	sor.u32 s3, s0;
	s1 =	sshll.u32 s1, $0x11  }
0xbc: {  	s0 =	sor.u32 s1, s0  }
0xbd: {  	s0 =	sadd.s32 $0x8F2B, s0  }
0xbe: {  	[sflag:s0] =	ssyncadd.remote.s32 $0x1  }
0xbf: {  	_ =	sfence.sel $0xFFFF  }
0xc0: {  	[dreg:$0x0] =	wrdreg $0xFFFFFFFF;
	(pc) =	sbr.abs _section_cstart, $3  }
0xc1: {  	[dreg:$0x1] =	wrdreg $0xFFFFFFFF  }
0xc2: {  	_ =	task.clear_ibuf [dreg:s7], $0x2FFFF;
	_ =	strace $0x9FFFFFFF  }
0xc3: {  	(tm) =	ssettm $0x7FFFFFFF  }
tec
execute0_lowered:
.L_overlay_start_1:
0x0: {  	(tag) =	ssettag $0x1  }
0x1: {  	s7 =	rddreg [dreg:$0x0]  }
0x2: {  	s1 =	srdreg.scid;
	s2 =	rddreg [dreg:$0x1]  }
0x3: {  	s0 =	stileid.u32;
	s3 =	rddreg [dreg:$0x2];
	s4 =	simm.s32 $0x0  }
0x4: {  	s15 =	simm.s32 $0x60;
	s16 =	simm.s32 $0x2400;
	s17 =	simm.s32 $0x1800  }
0x5: {  	s18 =	simm.s32 $0x1;
	s19 =	simm.s32 $0x2;
	s20 =	simm.s32 $0x0  }
0x6: {  	s6 =	sand.u32 $0x1, s1;
	s8 =	sshll.u32 s0, $0x6;
	s10 =	smul.u32 $0x4E80, s0  }
0x7: {  	[smem:$0x7FF] =	sst s4;
	s11 =	smul.u32 $0x9D0, s0;
	s5 =	sadd.s32 $0x6C00, s7  }
0x8: {  	s1 =	sshll.u32 s6, $0x5;
	s12 =	smul.u32 $0x9D00, s6;
	s6 =	ssub.s32 $0x2, s6  }
0x9: {  	s1 =	sor.u32 s1, s8;
	s13 =	sshrl.u32 s10, $0x3;
	s31 =	sshrl.u32 s6, $0x1  }
0xa: {  	s14 =	sadd.s32 s10, s3;
	s9 =	smul.u32 $0xC, s1;
	s1 =	rddreg [dreg:$0x3]  }
0xb: {  	_ =	strace $0x80000050;
	s13 =	sadd.s32 s13, s7;
	s11 =	sadd.s32 s11, s12  }
0xc: {  	s12 =	ssub.s32 s6, s31;
	s11 =	sadd.s32 s11, s7;
	s6 =	sadd.s32 $0x10A00, s13  }
0xd: {  	s13 =	simm.s32 $0x3;
	s9 =	sadd.s32 s9, s7;
	s7 =	sor.u32 $0x1C03, s8  }
0xe: {  	s10 =	sadd.s32 $0x1A800, s11;
	s11 =	smax.u32 s12, $0x1;
	s12 =	sshrl.u32 s14, $0x3  }
0xf: {  	s14 =	simm.s32 $0xC00;
	s8 =	sadd.s32 $0x3C00, s9;
	s9 =	sadd.s32 $0xB4A00, s9  }
.LBB2_1:
0x10: {  	[spmem:s12], [sflag:s7] =	dma.local [hbm:s6], $0x9D0  }
0x11: {  	_ =	swait.ge [sflag:s13], $0x9D0  }
0x12: {  	[sflag:s13] =	ssyncset.done $0x0  }
0x13: {  	[sflag:s13] =	ssyncadd.s32 $0xFFFFF630  }
0x14: {  	[tilespmem:s4], [sflag:$0x3] =	stream.linear.gather [hbm4b:s8+s4], $0xC00, $0x38;
	[tilespmem:$0x8A80] =	vst v63  }
0x15: {  	_ =	swait.ge [sflag:s13], $0xC00  }
0x16: {  	[sflag:s13] =	ssyncset.done $0x0  }
0x17: {  	[sflag:s13] =	ssyncadd.s32 $0xFFFFF400  }
0x18: {  	[tilespmem:s14], [sflag:$0x3] =	stream.linear.gather [hbm4b:s9+s4], $0xC00, $0x38;
	[tilespmem:$0x8A80] =	vst v63  }
0x19: {  	_ =	swait.ge [sflag:s13], $0xC00  }
0x1a: {  	[sflag:s13] =	ssyncset.done $0x0  }
0x1b: {  	[sflag:s13] =	ssyncadd.s32 $0xFFFFF400  }
0x1c: {  	[bflag:$0x0] =	sbarrier.arrive $0xFFFF  }
0x1d: {  	[tilespmem:s16], [sflag:$0x1] =	stream.indirect.gather [hbm4b:s5+s15], $0x20, s4, s15, $0xb8;
	[tilespmem:$0x8A80] =	vst v63  }
0x1e: {  	s21 =	simm.s32 $0x0  }
0x1f: {  	[tilespmem:s17], [sflag:$0x1] =	stream.indirect.gather [hbm4b:s2+s15], $0x10, s14, s15, $0xb8;
	[tilespmem:$0x8A80] =	vst v63  }
.LBB2_2:
0x20: {  	_ =	swait.ge [sflag:s18], $0xC00  }
0x21: {  	p0 =	seq.s32 s21, $0x0;
	[sflag:s18] =	ssyncset.done $0x0  }
0x22: {  	p1 =	seq.s32 @!p0 s21, $0x1F;
	[sflag:s18] =	ssyncadd.s32 $0xFFFFF400  }
0x23: {  	p1 =	por p0, !p1;
	_ =	swait.ge [sflag:s18], $0x600  }
.Ltmp0:
0x24: {  	[sflag:s18] =	ssyncset.done $0x0;
	(pc) =	sbr.rel @!p1 .LBB2_4-.Ltmp0, $4  }
0x25: {  	s22 =	simm.s32 @!p0 $0x2;
	[sflag:s18] =	ssyncadd.s32 $0xFFFFFA00  }
0x26: {  	_ =	swait.ge @!p0 [sflag:s22], $0xC00  }
0x27: {  	[sflag:s22] =	ssyncset.done @!p0 $0x0  }
0x28: {  	s23 =	sand.u32 $0x1, s21;
	[sflag:s22] =	ssyncadd.s32 @!p0 $0xFFFFF400;
	s22 =	simm.s32 @!p0 $0x20  }
0x29: {  	s24 =	sxor.u32 $0x1, s23  }
0x2a: {  	s22 =	sadd.s32 @!p0 $0x1, s21;
	s25 =	smul.u32 $0x3000, s24  }
0x2b: {  	s22 =	simm.s32 @p0 $0x1;
	s24 =	smul.u32 $0x1800, s24  }
0x2c: {  	s26 =	smul.u32 $0x60, s22;
	s25 =	sshrl.u32 s25, $0x2  }
0x2d: {  	s24 =	sshrl.u32 s24, $0x2;
	s25 =	sadd.s32 $0x2400, s25  }
0x2e: {  	[tilespmem:s25], [sflag:$0x1] =	stream.indirect.gather [hbm4b:s5+s15], $0x20, s26, s15, $0xb8;
	[tilespmem:$0x8A80] =	vst v63  }
0x2f: {  	s24 =	sor.u32 $0x1800, s24;
	s31 =	sadd.s32 $0xC00, s26  }
0x30: {  	[tilespmem:s24], [sflag:$0x1] =	stream.indirect.gather [hbm4b:s2+s15], $0x10, s31, s15, $0xb8;
	[tilespmem:$0x8A80] =	vst v63  }
.LBB2_4:
0x31: {  	s24 =	smul.u32 $0x1800, s23;
	_ =	sdelay $0x1  }
0x32: {  	s24 =	sshrl.u32 s24, $0x2  }
0x33: {  	s24 =	sor.u32 $0x1800, s24  }
0x34: {  	s31 =	smul.u32 $0x3000, s23;
	v0 =	vmov s24;
	_ =	sdelay $0x1  }
0x35: {  	s23 =	sshrl.u32 s31, $0x2  }
0x36: {  	s24 =	sadd.s32 $0x2410, s23  }
0x37: {  	s25 =	simm.s32 $0x0;
	v2 =	vld [tilespmem:s24+$0x0]  }
0x38: {  	v1 =	vld.idx.msk [tilespmem:v0+s25+$0x0 ss:$0x1], $0xffff;
	_ =	sdelay $0x4  }
0x39: {  	v1 =	vadd.f32 v1, v2;
	_ =	sdelay $0x1  }
0x3a: {  	v2 =	vmul.f32 $2.000000030e-01, v1  }
0x3b: {  	vm0 =	vge.f32 v1, $0.0e+00  }
0x3c: {  	v1 =	vsel vm0, v1, v2  }
0x3d: {  	v1 =	vmul.f32 $1.442695020e+00, v1;
	_ =	sdelay $0x1  }
0x3e: {  	(erf) = vpow2.f32 v1;
	_ =	sdelay $0x4  }
0x3f: {  	v1 =	vld [tilespmem:s24+$0xFFFFFFF0];
	_ =	sdelay $0x3  }
0x40: {  	v2 =	vpop (erf)  }
0x41: {  	v1 =	vmul.f32 v2, v1  }
0x42: {  	[tilespmem:s24+$0x0] =	vst v2  }
0x43: {  	s26 =	simm.s32 $0x10;
	s23 =	sadd.s32 $0x2400, s23;
	s25 =	simm.s32 $0x80;
	[tilespmem:s24+$0xFFFFFFF0] =	vst v1  }
.LBB2_5:
0x44: {  	p0 =	sne.s32 s25, $0x17C0;
	v1 =	vld.idx.msk [tilespmem:v0+s26+$0x0 ss:$0x1], $0xffff;
	s24 =	sadd.s32 $0x20, s24  }
0x45: {  	v2 =	vld [tilespmem:s24+$0x0];
	_ =	sdelay $0x4  }
0x46: {  	v1 =	vadd.f32 v1, v2;
	_ =	sdelay $0x1  }
0x47: {  	v2 =	vmul.f32 $2.000000030e-01, v1  }
0x48: {  	vm0 =	vge.f32 v1, $0.0e+00  }
0x49: {  	v1 =	vsel vm0, v1, v2  }
0x4a: {  	v1 =	vmul.f32 $1.442695020e+00, v1;
	_ =	sdelay $0x1  }
0x4b: {  	(erf) = vpow2.f32 v1;
	_ =	sdelay $0x4  }
0x4c: {  	v1 =	vld [tilespmem:s24+$0xFFFFFFF0];
	_ =	sdelay $0x2  }
.Ltmp1:
0x4d: {  	(pc) =	sbr.rel @p0 .LBB2_5-.Ltmp1, $3  }
0x4e: {  	v2 =	vpop (erf)  }
0x4f: {  	v1 =	vmul.f32 v2, v1;
	[tilespmem:s24+$0x0] =	vst v2;
	_ =	sdelay $0x1  }
0x50: {  	s26 =	sshra.s32 s25, $0x2;
	s25 =	sadd.s32 $0x40, s25;
	[tilespmem:s24+$0xFFFFFFF0] =	vst v1  }
0x51: {  	_ =	sdelay $0x3  }
0x52: {  	v0 =	vld.idx.msk [tilespmem:v0+s26+$0x0 ss:$0x1], $0xffff;
	s24 =	sadd.s32 $0x20, s24  }
0x53: {  	v1 =	vld [tilespmem:s24+$0x0];
	_ =	sdelay $0x4  }
0x54: {  	v0 =	vadd.f32 v0, v1;
	_ =	sdelay $0x1  }
0x55: {  	v1 =	vmul.f32 $2.000000030e-01, v0  }
0x56: {  	vm0 =	vge.f32 v0, $0.0e+00  }
0x57: {  	v0 =	vsel vm0, v0, v1  }
0x58: {  	v0 =	vmul.f32 $1.442695020e+00, v0;
	_ =	sdelay $0x1  }
0x59: {  	(erf) = vpow2.f32 v0;
	_ =	sdelay $0x4  }
0x5a: {  	v62 =	vld [tilespmem:s24+$0xFFFFFFF0];
	_ =	sdelay $0x3  }
0x5b: {  	s21 =	smul.u32 $0x180, s21;
	p0 =	slt.u32 s22, $0x20;
	v63 =	vpop (erf)  }
.Ltmp2:
0x5c: {  	v0 =	vmul.f32 v63, v62;
	(pc) =	sbr.rel @p0 .LBB2_2-.Ltmp2, $4  }
0x5d: {  	s21 =	sshra.s32 s21, $0x2;
	[tilespmem:s24+$0x0] =	vst v63  }
0x5e: {  	s21 =	sadd.s32 $0xC00, s21;
	[tilespmem:s24+$0xFFFFFFF0] =	vst v0  }
0x5f: {  	[spmem:s3] =	stream.indirect.scatter.add.f32 [tilespmem:s23], [sflag:$0x2], $0x20, s21, s15, $0xb8;
	[tilespmem:$0x8A80] =	vst v63  }
0x60: {  	s21 =	smov.u32 s22  }
0x61: {  	_ =	swait.ge [sflag:s19], $0xC00  }
0x62: {  	s20 =	sadd.s32 $0x1, s20;
	[sflag:s19] =	ssyncset.done $0x0  }
0x63: {  	p0 =	sne.s32 s20, s11;
	[sflag:s19] =	ssyncadd.s32 $0xFFFFF400  }
.Ltmp3:
0x64: {  	[bflag:$0x0] =	sbarrier.arrive $0xFFFF;
	(pc) =	sbr.rel @p0 .LBB2_1-.Ltmp3, $4  }
0x65: {  	[hbm:s10], [sflag:s7] =	dma.local [spmem:s12], $0x9D0  }
0x66: {  	_ =	swait.ge [sflag:s13], $0x9D0  }
0x67: {  	[sflag:s13] =	ssyncset.done $0x0  }
0x68: {  	[sflag:s13] =	ssyncadd.s32 $0xFFFFF630  }
0x69: {  	_ =	sfence.sel $0x180000  }
0x6a: {  	[bflag:$0x0] =	sbarrier.arrive $0xFFFF  }
0x6b: {  	p0 =	sne.s32 s0, $0x0;
	_ =	strace $0x90000050  }
0x6c: {  	s0 =	sadd.s32 @!p0 $0x100000, s1;
	[bflag:$0x2] =	sbarrier.arrive $0xFFFF  }
0x6d: {  	[sflag:s0] =	ssyncadd.tile.s32 @!p0 $0x1;
	_ =	shalt  }
.Lfunc_end2:
_tile_overlayer_lowered:
.L_overlay_start_2:
0x6e: {  	(tag) =	ssettag $0x2  }
0x6f: {  	s0 =	rddreg [dreg:$0x0];
	s2 =	stileid.u32  }
0x70: {  	s1 =	rddreg [dreg:$0x1];
	p0 =	sne.s32 s2, $0x0  }
0x71: {  	s3 =	rddreg [dreg:$0x2];
	[bflag:$0x3] =	sbarrier.arrive $0xFFFF;
	s2 =	simm.s32 @!p0 $0x1C03  }
0x72: {  	[timem:s3], [sflag:s2] =	dma.local @!p0 [hbm:s0], s1  }
0x73: {  	s0 =	simm.s32 @!p0 $0x3  }
0x74: {  	_ =	swait.ge @!p0 [sflag:s0], s1  }
0x75: {  	s1 =	ssub.s32 @!p0 $0x0, s1;
	[sflag:s0] =	ssyncset.done @!p0 $0x0  }
0x76: {  	[sflag:s0] =	ssyncadd.s32 @!p0 s1  }
0x77: {  	[bflag:$0x3] =	sbarrier.arrive $0xFFFF  }
0x78: {  	_ =	shalt  }

</sc_bundles>
